<compile_context>
chip_gen: v7x
topology: tpu7x:2x2x1
jax: 0.10.2.dev20260603
libtpu: 0.0.44.dev20260713+nightly
codegen_flags: <defaults>
</compile_context>

<pallas_src>
import functools

import jax
import jax.numpy as jnp
from jax import lax
from jax.experimental import pallas as pl
from jax.experimental.pallas import tpu as pltpu
from jax.experimental.pallas import tpu_sc as plsc

N = 10000
E = 160000
BS = 16
H = 640
G4 = 4 * H
NP = 10240
EP = 163840
EPT = EP // 32
EPC = EP // 16
CH = 128
NCH = EPC // CH
NPT = NP // 16
KP = 8960
BM = 512
NPB = NP // BM
TB = 400


def _mm_bias_kernel(x_ref, w_ref, b_ref, o_ref, acc_ref, *, nk):
    k = pl.program_id(2)

    @pl.when(k == 0)
    def _():
        acc_ref[...] = jnp.zeros_like(acc_ref)

    acc_ref[...] += jnp.dot(x_ref[...], w_ref[...],
                            preferred_element_type=jnp.float32)

    @pl.when(k == nk - 1)
    def _():
        o_ref[...] = acc_ref[...] + b_ref[...]


def _matmul_bias(x, w, b, bm, bn, bk):
    m, kdim = x.shape
    _, n = w.shape
    nk = kdim // bk
    return pl.pallas_call(
        functools.partial(_mm_bias_kernel, nk=nk),
        grid=(m // bm, n // bn, nk),
        in_specs=[
            pl.BlockSpec((bm, bk), lambda i, j, k: (i, k)),
            pl.BlockSpec((bk, bn), lambda i, j, k: (k, j)),
            pl.BlockSpec((1, bn), lambda i, j, k: (0, j)),
        ],
        out_specs=pl.BlockSpec((bm, bn), lambda i, j, k: (i, j)),
        out_shape=jax.ShapeDtypeStruct((m, n), jnp.float32),
        scratch_shapes=[pltpu.VMEM((bm, bn), jnp.float32)],
    )(x, w, b)


def _lstm_kernel(gx_ref, whh_ref, hs_ref, h_ref, c_ref):
    i = pl.program_id(0)

    @pl.when(i == 0)
    def _():
        h_ref[...] = jnp.zeros_like(h_ref)
        c_ref[...] = jnp.zeros_like(c_ref)

    def step(t, carry):
        h, c = carry
        g = gx_ref[pl.ds(t, 1), :] + jnp.dot(
            h, whh_ref[...], preferred_element_type=jnp.float32)
        ig = jax.nn.sigmoid(g[:, 0:H])
        fg = jax.nn.sigmoid(g[:, H:2 * H])
        gg = jnp.tanh(g[:, 2 * H:3 * H])
        og = jax.nn.sigmoid(g[:, 3 * H:4 * H])
        c = fg * c + ig * gg
        h = og * jnp.tanh(c)
        hs_ref[pl.ds(t, 1), :] = h
        return (h, c)

    h, c = lax.fori_loop(0, TB, step, (h_ref[...], c_ref[...]))
    h_ref[...] = h
    c_ref[...] = c


def _lstm_scan(gx, whh_t):
    t = gx.shape[0]
    return pl.pallas_call(
        _lstm_kernel,
        grid=(t // TB,),
        in_specs=[
            pl.BlockSpec((TB, G4), lambda i: (i, 0)),
            pl.BlockSpec((H, G4), lambda i: (0, 0)),
        ],
        out_specs=pl.BlockSpec((TB, H), lambda i: (i, 0)),
        out_shape=jax.ShapeDtypeStruct((t, H), jnp.float32),
        scratch_shapes=[pltpu.VMEM((1, H), jnp.float32),
                        pltpu.VMEM((1, H), jnp.float32)],
    )(gx, whh_t)


_MESH = plsc.VectorSubcoreMesh(core_axis_name="c", subcore_axis_name="s")
DEGW = 16


def _deg_kernel(dst_hbm, ones_hbm, zeros_hbm, out_hbm, dst_v, ones_v, deg_sh):
    cid = lax.axis_index("c")
    sid = lax.axis_index("s")
    pltpu.sync_copy(dst_hbm.at[sid], dst_v)
    pltpu.sync_copy(ones_hbm, ones_v)
    pltpu.sync_copy(zeros_hbm.at[pl.ds(sid * NPT, NPT)],
                    deg_sh.at[pl.ds(sid * NPT, NPT)])
    plsc.subcore_barrier()
    half = NCH // 2

    def chunk(g, carry):
        pltpu.sync_copy(ones_v, deg_sh.at[dst_v.at[cid * half + g]], add=True)
        return carry

    lax.fori_loop(0, half, chunk, 0)
    plsc.subcore_barrier()
    pltpu.sync_copy(deg_sh.at[pl.ds(sid * NPT, NPT)],
                    out_hbm.at[pl.ds(cid * NP + sid * NPT, NPT)])


_SC_PARAMS = pltpu.CompilerParams(use_tc_tiling_on_sc=False)


def _deg_partials(dst3):
    k = pl.kernel(
        _deg_kernel,
        mesh=_MESH,
        out_type=jax.ShapeDtypeStruct((2 * NP, DEGW), jnp.float32),
        scratch_types=[pltpu.VMEM((NCH, CH), jnp.int32),
                       pltpu.VMEM((CH, DEGW), jnp.float32),
                       pltpu.VMEM_SHARED((NP, DEGW), jnp.float32)],
        compiler_params=_SC_PARAMS,
    )
    return k(dst3, jnp.ones((CH, DEGW), jnp.float32),
             jnp.zeros((NP, DEGW), jnp.float32))


def _dis_kernel(d_ref, o_ref, *, bm):
    i = pl.program_id(0)
    d = d_ref[...]
    s = (d[0] + d[1])[:, 0:1]
    rows = i * bm + lax.broadcasted_iota(jnp.int32, (bm, 1), 0)
    o_ref[...] = jnp.where(rows < N, 1.0 / jnp.sqrt(s + 1.0), 0.0)


def _dis_from_partials(deg2):
    return pl.pallas_call(
        functools.partial(_dis_kernel, bm=BM),
        grid=(NPB,),
        in_specs=[pl.BlockSpec((2, BM, DEGW), lambda i: (0, i, 0))],
        out_specs=pl.BlockSpec((BM, 1), lambda i: (i, 0)),
        out_shape=jax.ShapeDtypeStruct((NP, 1), jnp.float32),
    )(deg2)


def _xws_kernel(x_ref, w_ref, dis_ref, o_ref):
    o_ref[...] = dis_ref[...] * jnp.dot(
        x_ref[...], w_ref[...], preferred_element_type=jnp.float32)


def _xws_matmul(x, w, dis2d, dp):
    din = x.shape[1]
    return pl.pallas_call(
        _xws_kernel,
        grid=(NPB,),
        in_specs=[
            pl.BlockSpec((BM, din), lambda i: (i, 0)),
            pl.BlockSpec((din, dp), lambda i: (0, 0)),
            pl.BlockSpec((BM, 1), lambda i: (i, 0)),
        ],
        out_specs=pl.BlockSpec((BM, dp), lambda i: (i, 0)),
        out_shape=jax.ShapeDtypeStruct((NP, dp), jnp.float32),
    )(x, w, dis2d)


def _gcn_agg_kernel(src_hbm, dst_hbm, xws_hbm, zeros_hbm, out_hbm,
                    src_v, dst_v, rows_v, agg_sh, sem):
    cid = lax.axis_index("c")
    sid = lax.axis_index("s")
    pltpu.sync_copy(src_hbm.at[cid, sid], src_v)
    pltpu.sync_copy(dst_hbm.at[sid], dst_v)
    pltpu.sync_copy(zeros_hbm.at[pl.ds(sid * NPT, NPT)],
                    agg_sh.at[pl.ds(sid * NPT, NPT)])
    plsc.subcore_barrier()

    def chunk(g, carry):
        pltpu.async_copy(xws_hbm.at[src_v.at[g]], rows_v, sem).wait()
        pltpu.sync_copy(rows_v, agg_sh.at[dst_v.at[g]], add=True)
        return carry

    lax.fori_loop(0, NCH, chunk, 0)
    plsc.subcore_barrier()
    pltpu.sync_copy(agg_sh.at[pl.ds(sid * NPT, NPT)],
                    out_hbm.at[pl.ds(cid * NP + sid * NPT, NPT)])


def _gcn_agg(src3, dst3, xws, zeros, dh):
    k = pl.kernel(
        _gcn_agg_kernel,
        mesh=_MESH,
        out_type=jax.ShapeDtypeStruct((2 * NP, dh), jnp.float32),
        scratch_types=[pltpu.VMEM((NCH, CH), jnp.int32),
                       pltpu.VMEM((NCH, CH), jnp.int32),
                       pltpu.VMEM((CH, dh), jnp.float32),
                       pltpu.VMEM_SHARED((NP, dh), jnp.float32),
                       pltpu.SemaphoreType.DMA],
        compiler_params=_SC_PARAMS,
    )
    return k(src3, dst3, xws, zeros)


def _post_kernel(agg_ref, xws_ref, dis_ref, b_ref, o_ref, s1_ref, s2_ref,
                 *, bm, dp):
    p = pl.program_id(0)
    i = pl.program_id(1)

    agg = agg_ref[...]
    xws = xws_ref[...]
    npieces = agg.shape[0]
    y = jnp.concatenate([agg[k] + xws[k] for k in range(npieces)], axis=1)
    y = y * dis_ref[...] + b_ref[...]
    y = jnp.where(y >= 0.0, y, 0.01 * y)
    rows = i * bm + lax.broadcasted_iota(jnp.int32, (bm, 1), 0)
    y = jnp.where(rows < N, y, 0.0)

    mask = rows < N

    @pl.when(p == 0)
    def _():
        @pl.when(i == 0)
        def _():
            s1_ref[...] = jnp.zeros((1, dp), jnp.float32)

        s1_ref[...] += jnp.sum(y, axis=0, keepdims=True)

    @pl.when(p == 1)
    def _():
        @pl.when(i == 0)
        def _():
            s2_ref[...] = jnp.zeros((1, dp), jnp.float32)

        m = s1_ref[...] / N
        dv = jnp.where(mask, y - m, 0.0)
        s2_ref[...] += jnp.sum(dv * dv, axis=0, keepdims=True)

    @pl.when(p == 2)
    def _():
        m = s1_ref[...] / N
        v = s2_ref[...] / N
        o_ref[...] = (y - m) / jnp.sqrt(v + 1e-5)


def _post(agg2, xws2, dis2d, b1dp, dp):
    npieces, _, dq = agg2.shape
    return pl.pallas_call(
        functools.partial(_post_kernel, bm=BM, dp=dp),
        grid=(3, NPB),
        in_specs=[
            pl.BlockSpec((npieces, BM, dq), lambda p, i: (0, i, 0)),
            pl.BlockSpec((npieces, BM, dq), lambda p, i: (0, i, 0)),
            pl.BlockSpec((BM, 1), lambda p, i: (i, 0)),
            pl.BlockSpec((1, dp), lambda p, i: (0, 0)),
        ],
        out_specs=pl.BlockSpec((BM, dp), lambda p, i: (i, 0)),
        out_shape=jax.ShapeDtypeStruct((NP, dp), jnp.float32),
        scratch_shapes=[pltpu.VMEM((1, dp), jnp.float32),
                        pltpu.VMEM((1, dp), jnp.float32)],
    )(agg2, xws2, dis2d, b1dp)


def _head_kernel(x_ref, g_ref, hd_ref, w1_ref, b1_ref, w2_ref, b2_ref,
                 w3_ref, b3_ref, o_ref):
    blen = N // BS
    jj = lax.broadcasted_iota(jnp.int32, (BS, NP), 1)
    bb = lax.broadcasted_iota(jnp.int32, (BS, NP), 0)
    seg = jnp.where((jj // blen) == bb, 1.0, 0.0)
    pooled = jnp.dot(seg, x_ref[...], preferred_element_type=jnp.float32,
                     precision=lax.Precision.HIGHEST)
    col = lax.broadcasted_iota(jnp.int32, (BS, 64), 1)
    xcat = pooled + jnp.where(col == 50, g_ref[...], 0.0) \
        + jnp.where(col == 51, hd_ref[...], 0.0)
    a = jnp.dot(xcat, w1_ref[...], preferred_element_type=jnp.float32) \
        + b1_ref[...]
    a = jnp.dot(a, w2_ref[...], preferred_element_type=jnp.float32) \
        + b2_ref[...]
    o_ref[...] = jnp.dot(a, w3_ref[...],
                         preferred_element_type=jnp.float32) + b3_ref[...]


def _head(x4, gender, handed, w1, b1, w2, b2, w3, b3):
    return pl.pallas_call(
        _head_kernel,
        out_shape=jax.ShapeDtypeStruct((BS, 1), jnp.float32),
    )(x4, gender, handed, w1, b1, w2, b2, w3, b3)


def kernel(x_in, edge_index, gender, handed,
           W_ih0, W_hh0, b_ih0, b_hh0, W_ih1, W_hh1, b_ih1, b_hh1,
           W_ih2, W_hh2, b_ih2, b_hh2,
           Wg1, bg1, Wg2, bg2, Wg3, bg3, Wg4, bg4,
           Wf1, bf1, Wf2, bf2, Wf3, bf3):
    f32 = jnp.float32
    lenin = x_in.shape[1]

    xp = jnp.pad(x_in, ((0, 0), (0, KP - lenin)))
    w0t = jnp.pad(W_ih0, ((0, 0), (0, KP - lenin))).T
    gx = _matmul_bias(xp, w0t, (b_ih0 + b_hh0).reshape(1, G4),
                      bm=400, bn=640, bk=1280)
    hs = _lstm_scan(gx, W_hh0.T)
    gx = _matmul_bias(hs, W_ih1.T, (b_ih1 + b_hh1).reshape(1, G4),
                      bm=400, bn=1280, bk=640)
    hs = _lstm_scan(gx, W_hh1.T)
    gx = _matmul_bias(hs, W_ih2.T, (b_ih2 + b_hh2).reshape(1, G4),
                      bm=400, bn=1280, bk=640)
    hs = _lstm_scan(gx, W_hh2.T)

    src = edge_index[0].astype(jnp.int32)
    dst = edge_index[1].astype(jnp.int32)
    pad_rows = (jnp.arange(EP - E, dtype=jnp.int32) % (NP - N)) + N
    srcp = jnp.concatenate([src, pad_rows])
    dstp = jnp.concatenate([dst, pad_rows])
    src3 = jnp.stack([srcp, srcp + NP]).reshape(2, 16, NCH, CH)
    dst3 = dstp.reshape(16, NCH, CH)

    deg2 = _deg_partials(dst3).reshape(2, NP, DEGW)
    dis2d = _dis_from_partials(deg2)

    x = jnp.pad(hs, ((0, NP - N), (0, 0)))
    gdims = [(Wg1, bg1, 320, 320, 4), (Wg2, bg2, 180, 192, 2),
             (Wg3, bg3, 90, 96, 2), (Wg4, bg4, 50, 64, 2)]
    for wg, bg, dtrue, dp, npieces in gdims:
        dq = dp // npieces
        din = x.shape[1]
        wp = jnp.pad(wg, ((0, din - wg.shape[0]), (0, dp - dtrue)))
        bp = jnp.pad(bg, (0, dp - dtrue)).reshape(1, dp)
        xws = _xws_matmul(x, wp, dis2d, dp)
        xwsp = jnp.stack([xws[:, k * dq:(k + 1) * dq]
                          for k in range(npieces)])
        zeros = jnp.zeros((NP, dq), f32)
        aggs = [_gcn_agg(src3, dst3,
                         xwsp[2 * s:2 * s + 2].reshape(2 * NP, dq),
                         zeros, dq).reshape(2, NP, dq)
                for s in range(npieces // 2)]
        agg = jnp.concatenate(aggs, axis=0)
        x = _post(agg, xwsp, dis2d, bp, dp)

    w1 = jnp.pad(Wf1, ((0, 64 - Wf1.shape[0]), (0, 0)))
    return _head(x, gender, handed, w1, bf1.reshape(1, -1),
                 Wf2, bf2.reshape(1, -1), Wf3, bf3.reshape(1, -1))

# --- scband reference (transcript-rebuilt; emitter-appended) ---
"""Pipeline reference for scband-gcnlstmraw-plugin-gender-handed-90692529422803 (READ-ONLY COPY).

The authoritative reference and input builder live on the scoring server;
editing this copy changes nothing except your own understanding.
"""

import jax, jax.numpy as jnp
import numpy as np

N = 10000
E = 160000
BS = 16
LENIN = 8500
H = 640


def setup_inputs(seed: int = 0) -> dict:
    key = jax.random.key(seed)
    ks = jax.random.split(key, 32)
    inp = {}
    inp["x_in"] = jax.random.normal(ks[0], (N, LENIN), dtype=jnp.float32)
    inp["edge_index"] = jax.random.randint(ks[1], (2, E), 0, N)
    inp["gender"] = jax.random.uniform(ks[2], (BS, 1), dtype=jnp.float32)
    inp["handed"] = jax.random.uniform(ks[3], (BS, 1), dtype=jnp.float32)
    ins = [LENIN, H, H]
    for l in range(3):
        inp[f"W_ih{l}"] = jax.random.normal(ks[4 + 4 * l], (4 * H, ins[l]), dtype=jnp.float32) * (1.0 / np.sqrt(ins[l]))
        inp[f"W_hh{l}"] = jax.random.normal(ks[5 + 4 * l], (4 * H, H), dtype=jnp.float32) * (1.0 / np.sqrt(H))
        inp[f"b_ih{l}"] = jnp.zeros((4 * H,), jnp.float32)
        inp[f"b_hh{l}"] = jnp.zeros((4 * H,), jnp.float32)
    gdims = [(640, 320), (320, 180), (180, 90), (90, 50)]
    for i, (di, do) in enumerate(gdims, start=1):
        inp[f"Wg{i}"] = jax.random.normal(ks[16 + i], (di, do), dtype=jnp.float32) * (1.0 / np.sqrt(di))
        inp[f"bg{i}"] = jnp.zeros((do,), jnp.float32)
    fdims = [(52, 32), (32, 16), (16, 1)]
    for i, (di, do) in enumerate(fdims, start=1):
        inp[f"Wf{i}"] = jax.random.normal(ks[24 + i], (di, do), dtype=jnp.float32) * (1.0 / np.sqrt(di))
        inp[f"bf{i}"] = jnp.zeros((do,), jnp.float32)
    return inp


def _lstm_layer(x, W_ih, W_hh, b_ih, b_hh):
    # torch LSTM, unbatched 2D input: x is [T, in], gates order i,f,g,o
    W_ih = W_ih.astype(x.dtype)
    W_hh = W_hh.astype(x.dtype)
    b_ih = b_ih.astype(x.dtype)
    b_hh = b_hh.astype(x.dtype)
    gx = x @ W_ih.T + b_ih + b_hh

    def step(carry, g):
        h, c = carry
        gates = g + h @ W_hh.T
        i, f, gg, o = jnp.split(gates, 4)
        i = jax.nn.sigmoid(i)
        f = jax.nn.sigmoid(f)
        gg = jnp.tanh(gg)
        o = jax.nn.sigmoid(o)
        c = f * c + i * gg
        h = o * jnp.tanh(c)
        return (h, c), h

    h0 = jnp.zeros((W_hh.shape[1],), x.dtype)
    (_h, _c), hs = jax.lax.scan(step, (h0, h0), gx)
    return hs


def _gcn(x, W, b, src, dst, n):
    # GCNConv with self loops + symmetric normalization
    sl = jnp.arange(n, dtype=src.dtype)
    src = jnp.concatenate([src, sl])
    dst = jnp.concatenate([dst, sl])
    deg = jax.ops.segment_sum(jnp.ones_like(dst, dtype=x.dtype), dst, num_segments=n)
    dis = jnp.where(deg > 0, 1.0 / jnp.sqrt(deg), 0.0)
    norm = dis[src] * dis[dst]
    xw = x @ W
    msg = xw[src] * norm[:, None]
    return jax.ops.segment_sum(msg, dst, num_segments=n) + b


def _bn(x):
    # F.batch_norm(x, None, None, training=True): batch stats, no affine, biased var
    m = jnp.mean(x, axis=0)
    v = jnp.var(x, axis=0)
    return (x - m) / jnp.sqrt(v + 1e-5)


def reference(x_in, edge_index, gender, handed, W_ih0, W_hh0, b_ih0, b_hh0, W_ih1, W_hh1, b_ih1, b_hh1, W_ih2, W_hh2, b_ih2, b_hh2, Wg1, bg1, Wg2, bg2, Wg3, bg3, Wg4, bg4, Wf1, bf1, Wf2, bf2, Wf3, bf3):
    n = x_in.shape[0]
    x = _lstm_layer(x_in, W_ih0, W_hh0, b_ih0, b_hh0)
    x = _lstm_layer(x, W_ih1, W_hh1, b_ih1, b_hh1)
    x = _lstm_layer(x, W_ih2, W_hh2, b_ih2, b_hh2)
    src, dst = edge_index[0], edge_index[1]
    x = _bn(jax.nn.leaky_relu(_gcn(x, Wg1, bg1, src, dst, n), 0.01))
    x = _bn(jax.nn.leaky_relu(_gcn(x, Wg2, bg2, src, dst, n), 0.01))
    x = _bn(jax.nn.leaky_relu(_gcn(x, Wg3, bg3, src, dst, n), 0.01))
    x = _bn(jax.nn.leaky_relu(_gcn(x, Wg4, bg4, src, dst, n), 0.01))
    blen = n // BS
    batch = jnp.arange(n) // blen
    x = jax.ops.segment_sum(x, batch, num_segments=BS)
    x = jnp.concatenate([x, gender, handed], axis=1)
    x = x @ Wf1 + bf1
    x = x @ Wf2 + bf2
    x = x @ Wf3 + bf3
    return x

if __name__ == "__main__":
    import jax
    _d = setup_inputs()
    print(jax.jit(kernel)(*tuple(_d.values())))

</pallas_src>

<mosaic_0001>
#map = affine_map<(d0, d1) -> (0, 0, 0, 0)>
#map1 = affine_map<(d0, d1) -> (0, 0, 0)>
#map2 = affine_map<(d0, d1) -> (0, 0)>
module attributes {stable_mosaic.version = 14 : i64} {
  func.func @_gcn_agg_kernel(%arg0: i32, %arg1: i32, %arg2: memref<2x16x80x128xi32, #tpu.memory_space<hbm>>, %arg3: memref<16x80x128xi32, #tpu.memory_space<hbm>>, %arg4: memref<20480x80xf32, #tpu.memory_space<hbm>>, %arg5: memref<10240x80xf32, #tpu.memory_space<hbm>>, %arg6: memref<20480x80xf32, #tpu.memory_space<hbm>>, %arg7: memref<80x128xi32, #tpu.memory_space<vmem>>, %arg8: memref<80x128xi32, #tpu.memory_space<vmem>>, %arg9: memref<128x80xf32, #tpu.memory_space<vmem>>, %arg10: memref<10240x80xf32, #tpu.memory_space<vmem_shared>>, %arg11: memref<!tpu.dma_semaphore, #tpu.memory_space<semaphore_mem>>) attributes {dimension_semantics = [#tpu.dimension_semantics<core_parallel>, #tpu.dimension_semantics<subcore_parallel>], iteration_bounds = array<i64: 2, 16>, scalar_prefetch = 0 : i64, scratch_operands = 5 : i64, tpu.core_type = #tpu.core_type<sc_vector_subcore>, window_params = [{transform_indices = #map}, {transform_indices = #map1}, {transform_indices = #map2}, {transform_indices = #map2}, {transform_indices = #map2}]} {
    "tpu.region"() ({
      %run_scoped3A = tpu.sem_alloc : memref<!tpu.dma_semaphore, #tpu.memory_space<semaphore_mem>>
      %dma_start3A = arith.constant 0 : i32
      %dma_start3A_15 = arith.constant 0 : i32
      %dma_start3A_16 = tpu.memref_slice %arg2[%arg0, %arg1, %dma_start3A, %dma_start3A_15] : memref<2x16x80x128xi32, #tpu.memory_space<hbm>> -> memref<1x1x80x128xi32, #tpu.memory_space<hbm>>
      %dma_start3A_17 = tpu.memref_squeeze %dma_start3A_16 : memref<1x1x80x128xi32, #tpu.memory_space<hbm>> -> memref<80x128xi32, #tpu.memory_space<hbm>>
      %dma_start3A_18 = arith.constant 0 : i32
      %dma_start3A_19 = arith.constant 0 : i32
      %dma_start3A_20 = tpu.memref_slice %arg2[%arg0, %arg1, %dma_start3A_18, %dma_start3A_19] : memref<2x16x80x128xi32, #tpu.memory_space<hbm>> -> memref<1x1x80x128xi32, #tpu.memory_space<hbm>>
      %dma_start3A_21 = tpu.memref_squeeze %dma_start3A_20 : memref<1x1x80x128xi32, #tpu.memory_space<hbm>> -> memref<80x128xi32, #tpu.memory_space<hbm>>
      tpu.enqueue_dma source(%dma_start3A_21 : memref<80x128xi32, #tpu.memory_space<hbm>>) target(%arg7 : memref<80x128xi32, #tpu.memory_space<vmem>>) target_semaphore(%run_scoped3A : memref<!tpu.dma_semaphore, #tpu.memory_space<semaphore_mem>>)
      %dma_wait3A = arith.constant 0 : i32
      %dma_wait3A_22 = arith.constant 0 : i32
      %dma_wait3A_23 = tpu.memref_slice %arg2[%arg0, %arg1, %dma_wait3A, %dma_wait3A_22] : memref<2x16x80x128xi32, #tpu.memory_space<hbm>> -> memref<1x1x80x128xi32, #tpu.memory_space<hbm>>
      %dma_wait3A_24 = tpu.memref_squeeze %dma_wait3A_23 : memref<1x1x80x128xi32, #tpu.memory_space<hbm>> -> memref<80x128xi32, #tpu.memory_space<hbm>>
      %dma_wait3A_25 = arith.constant 0 : i32
      %dma_wait3A_26 = arith.constant 0 : i32
      %dma_wait3A_27 = tpu.memref_slice %arg2[%arg0, %arg1, %dma_wait3A_25, %dma_wait3A_26] : memref<2x16x80x128xi32, #tpu.memory_space<hbm>> -> memref<1x1x80x128xi32, #tpu.memory_space<hbm>>
      %dma_wait3A_28 = tpu.memref_squeeze %dma_wait3A_27 : memref<1x1x80x128xi32, #tpu.memory_space<hbm>> -> memref<80x128xi32, #tpu.memory_space<hbm>>
      tpu.wait_dma2 semaphore(%run_scoped3A : memref<!tpu.dma_semaphore, #tpu.memory_space<semaphore_mem>>) src(%dma_wait3A_28 : memref<80x128xi32, #tpu.memory_space<hbm>>) dst(%arg7 : memref<80x128xi32, #tpu.memory_space<vmem>>)
      tpu.yield
    }) : () -> ()
    "tpu.region"() ({
      %run_scoped3A = tpu.sem_alloc : memref<!tpu.dma_semaphore, #tpu.memory_space<semaphore_mem>>
      %dma_start3A = arith.constant 0 : i32
      %dma_start3A_15 = arith.constant 0 : i32
      %dma_start3A_16 = tpu.memref_slice %arg3[%arg1, %dma_start3A, %dma_start3A_15] : memref<16x80x128xi32, #tpu.memory_space<hbm>> -> memref<1x80x128xi32, #tpu.memory_space<hbm>>
      %dma_start3A_17 = tpu.memref_squeeze %dma_start3A_16 : memref<1x80x128xi32, #tpu.memory_space<hbm>> -> memref<80x128xi32, #tpu.memory_space<hbm>>
      %dma_start3A_18 = arith.constant 0 : i32
      %dma_start3A_19 = arith.constant 0 : i32
      %dma_start3A_20 = tpu.memref_slice %arg3[%arg1, %dma_start3A_18, %dma_start3A_19] : memref<16x80x128xi32, #tpu.memory_space<hbm>> -> memref<1x80x128xi32, #tpu.memory_space<hbm>>
      %dma_start3A_21 = tpu.memref_squeeze %dma_start3A_20 : memref<1x80x128xi32, #tpu.memory_space<hbm>> -> memref<80x128xi32, #tpu.memory_space<hbm>>
      tpu.enqueue_dma source(%dma_start3A_21 : memref<80x128xi32, #tpu.memory_space<hbm>>) target(%arg8 : memref<80x128xi32, #tpu.memory_space<vmem>>) target_semaphore(%run_scoped3A : memref<!tpu.dma_semaphore, #tpu.memory_space<semaphore_mem>>)
      %dma_wait3A = arith.constant 0 : i32
      %dma_wait3A_22 = arith.constant 0 : i32
      %dma_wait3A_23 = tpu.memref_slice %arg3[%arg1, %dma_wait3A, %dma_wait3A_22] : memref<16x80x128xi32, #tpu.memory_space<hbm>> -> memref<1x80x128xi32, #tpu.memory_space<hbm>>
      %dma_wait3A_24 = tpu.memref_squeeze %dma_wait3A_23 : memref<1x80x128xi32, #tpu.memory_space<hbm>> -> memref<80x128xi32, #tpu.memory_space<hbm>>
      %dma_wait3A_25 = arith.constant 0 : i32
      %dma_wait3A_26 = arith.constant 0 : i32
      %dma_wait3A_27 = tpu.memref_slice %arg3[%arg1, %dma_wait3A_25, %dma_wait3A_26] : memref<16x80x128xi32, #tpu.memory_space<hbm>> -> memref<1x80x128xi32, #tpu.memory_space<hbm>>
      %dma_wait3A_28 = tpu.memref_squeeze %dma_wait3A_27 : memref<1x80x128xi32, #tpu.memory_space<hbm>> -> memref<80x128xi32, #tpu.memory_space<hbm>>
      tpu.wait_dma2 semaphore(%run_scoped3A : memref<!tpu.dma_semaphore, #tpu.memory_space<semaphore_mem>>) src(%dma_wait3A_28 : memref<80x128xi32, #tpu.memory_space<hbm>>) dst(%arg8 : memref<80x128xi32, #tpu.memory_space<vmem>>)
      tpu.yield
    }) : () -> ()
    %mul3A = arith.constant 640 : i32
    %mul3A_0 = arith.muli %arg1, %mul3A : i32
    %mul3A_1 = arith.constant 640 : i32
    %mul3A_2 = arith.muli %arg1, %mul3A_1 : i32
    "tpu.region"() ({
      %run_scoped3A = tpu.sem_alloc : memref<!tpu.dma_semaphore, #tpu.memory_space<semaphore_mem>>
      %dma_start3A = arith.constant 0 : i32
      %dma_start3A_15 = tpu.memref_slice %arg10[%mul3A_2, %dma_start3A] : memref<10240x80xf32, #tpu.memory_space<vmem_shared>> -> memref<640x80xf32, #tpu.memory_space<vmem_shared>>
      %dma_start3A_16 = arith.constant 0 : i32
      %dma_start3A_17 = tpu.memref_slice %arg5[%mul3A_0, %dma_start3A_16] : memref<10240x80xf32, #tpu.memory_space<hbm>> -> memref<640x80xf32, #tpu.memory_space<hbm>>
      tpu.enqueue_dma source(%dma_start3A_17 : memref<640x80xf32, #tpu.memory_space<hbm>>) target(%dma_start3A_15 : memref<640x80xf32, #tpu.memory_space<vmem_shared>>) target_semaphore(%run_scoped3A : memref<!tpu.dma_semaphore, #tpu.memory_space<semaphore_mem>>)
      %dma_wait3A = arith.constant 0 : i32
      %dma_wait3A_18 = tpu.memref_slice %arg10[%mul3A_2, %dma_wait3A] : memref<10240x80xf32, #tpu.memory_space<vmem_shared>> -> memref<640x80xf32, #tpu.memory_space<vmem_shared>>
      %dma_wait3A_19 = arith.constant 0 : i32
      %dma_wait3A_20 = tpu.memref_slice %arg5[%mul3A_0, %dma_wait3A_19] : memref<10240x80xf32, #tpu.memory_space<hbm>> -> memref<640x80xf32, #tpu.memory_space<hbm>>
      tpu.wait_dma2 semaphore(%run_scoped3A : memref<!tpu.dma_semaphore, #tpu.memory_space<semaphore_mem>>) src(%dma_wait3A_20 : memref<640x80xf32, #tpu.memory_space<hbm>>) dst(%dma_wait3A_18 : memref<640x80xf32, #tpu.memory_space<vmem_shared>>)
      tpu.yield
    }) : () -> ()
    %barrier3A = arith.constant 0 : index
    tpu.barrier barrier_id(%barrier3A)
    %scan3A = arith.constant 0 : i32
    %scan3A_3 = arith.constant 0 : i32
    %scan3A_4 = arith.constant 80 : i32
    %scan3A_5 = arith.addi %scan3A_3, %scan3A_4 : i32
    %scan3A_6 = arith.constant 1 : i32
    scf.for %scan3A_15 = %scan3A_3 to %scan3A_5 step %scan3A_6  : i32 {
      %dma_start3A = arith.constant 0 : i32
      %dma_start3A_16 = tpu.memref_slice %arg7[%scan3A_15, %dma_start3A] : memref<80x128xi32, #tpu.memory_space<vmem>> -> memref<1x128xi32, #tpu.memory_space<vmem>>
      %dma_start3A_17 = tpu.memref_squeeze %dma_start3A_16 : memref<1x128xi32, #tpu.memory_space<vmem>> -> memref<128xi32, #tpu.memory_space<vmem>>
      %dma_start3A_18 = arith.constant 0 : i32
      %dma_start3A_19 = arith.constant 0 : i32
      %dma_start3A_20 = tpu.memref_slice %arg4[%dma_start3A_18, %dma_start3A_19] : memref<20480x80xf32, #tpu.memory_space<hbm>> -> memref<20480x80xf32, #tpu.memory_space<hbm>>
      tpu.enqueue_indirect_dma source(%dma_start3A_20 : memref<20480x80xf32, #tpu.memory_space<hbm>>) target(%arg9 : memref<128x80xf32, #tpu.memory_space<vmem>>) offsets(%dma_start3A_17 : memref<128xi32, #tpu.memory_space<vmem>>) semaphore(%arg11 : memref<!tpu.dma_semaphore, #tpu.memory_space<semaphore_mem>>)
      %dma_wait3A = arith.constant 0 : i32
      %dma_wait3A_21 = tpu.memref_slice %arg7[%scan3A_15, %dma_wait3A] : memref<80x128xi32, #tpu.memory_space<vmem>> -> memref<1x128xi32, #tpu.memory_space<vmem>>
      %dma_wait3A_22 = tpu.memref_squeeze %dma_wait3A_21 : memref<1x128xi32, #tpu.memory_space<vmem>> -> memref<128xi32, #tpu.memory_space<vmem>>
      %dma_wait3A_23 = arith.constant 0 : i32
      %dma_wait3A_24 = arith.constant 0 : i32
      %dma_wait3A_25 = tpu.memref_slice %arg4[%dma_wait3A_23, %dma_wait3A_24] : memref<20480x80xf32, #tpu.memory_space<hbm>> -> memref<20480x80xf32, #tpu.memory_space<hbm>>
      tpu.wait_indirect_dma semaphore(%arg11 : memref<!tpu.dma_semaphore, #tpu.memory_space<semaphore_mem>>) src(%dma_wait3A_25 : memref<20480x80xf32, #tpu.memory_space<hbm>>) dst(%arg9 : memref<128x80xf32, #tpu.memory_space<vmem>>)
      "tpu.region"() ({
        %run_scoped3A = tpu.sem_alloc : memref<!tpu.dma_semaphore, #tpu.memory_space<semaphore_mem>>
        %dma_start3A_26 = arith.constant 0 : i32
        %dma_start3A_27 = tpu.memref_slice %arg8[%scan3A_15, %dma_start3A_26] : memref<80x128xi32, #tpu.memory_space<vmem>> -> memref<1x128xi32, #tpu.memory_space<vmem>>
        %dma_start3A_28 = tpu.memref_squeeze %dma_start3A_27 : memref<1x128xi32, #tpu.memory_space<vmem>> -> memref<128xi32, #tpu.memory_space<vmem>>
        %dma_start3A_29 = arith.constant 0 : i32
        %dma_start3A_30 = arith.constant 0 : i32
        %dma_start3A_31 = tpu.memref_slice %arg10[%dma_start3A_29, %dma_start3A_30] : memref<10240x80xf32, #tpu.memory_space<vmem_shared>> -> memref<10240x80xf32, #tpu.memory_space<vmem_shared>>
        tpu.enqueue_indirect_dma source(%arg9 : memref<128x80xf32, #tpu.memory_space<vmem>>) target(%dma_start3A_31 : memref<10240x80xf32, #tpu.memory_space<vmem_shared>>) offsets(%dma_start3A_28 : memref<128xi32, #tpu.memory_space<vmem>>) semaphore(%run_scoped3A : memref<!tpu.dma_semaphore, #tpu.memory_space<semaphore_mem>>) {add = true}
        %dma_wait3A_32 = arith.constant 0 : i32
        %dma_wait3A_33 = tpu.memref_slice %arg8[%scan3A_15, %dma_wait3A_32] : memref<80x128xi32, #tpu.memory_space<vmem>> -> memref<1x128xi32, #tpu.memory_space<vmem>>
        %dma_wait3A_34 = tpu.memref_squeeze %dma_wait3A_33 : memref<1x128xi32, #tpu.memory_space<vmem>> -> memref<128xi32, #tpu.memory_space<vmem>>
        %dma_wait3A_35 = arith.constant 0 : i32
        %dma_wait3A_36 = arith.constant 0 : i32
        %dma_wait3A_37 = tpu.memref_slice %arg10[%dma_wait3A_35, %dma_wait3A_36] : memref<10240x80xf32, #tpu.memory_space<vmem_shared>> -> memref<10240x80xf32, #tpu.memory_space<vmem_shared>>
        tpu.wait_indirect_dma semaphore(%run_scoped3A : memref<!tpu.dma_semaphore, #tpu.memory_space<semaphore_mem>>) src(%arg9 : memref<128x80xf32, #tpu.memory_space<vmem>>) dst(%dma_wait3A_37 : memref<10240x80xf32, #tpu.memory_space<vmem_shared>>)
        tpu.yield
      }) : () -> ()
    }
    %scan3A_7 = arith.constant 80 : i32
    %barrier3A_8 = arith.constant 0 : index
    tpu.barrier barrier_id(%barrier3A_8)
    %mul3A_9 = arith.constant 640 : i32
    %mul3A_10 = arith.muli %arg1, %mul3A_9 : i32
    %mul3A_11 = arith.constant 10240 : i32
    %mul3A_12 = arith.muli %arg0, %mul3A_11 : i32
    %mul3A_13 = arith.constant 640 : i32
    %mul3A_14 = arith.muli %arg1, %mul3A_13 : i32
    %add3A = arith.addi %mul3A_12, %mul3A_14 : i32
    "tpu.region"() ({
      %run_scoped3A = tpu.sem_alloc : memref<!tpu.dma_semaphore, #tpu.memory_space<semaphore_mem>>
      %dma_start3A = arith.constant 0 : i32
      %dma_start3A_15 = tpu.memref_slice %arg6[%add3A, %dma_start3A] : memref<20480x80xf32, #tpu.memory_space<hbm>> -> memref<640x80xf32, #tpu.memory_space<hbm>>
      %dma_start3A_16 = arith.constant 0 : i32
      %dma_start3A_17 = tpu.memref_slice %arg10[%mul3A_10, %dma_start3A_16] : memref<10240x80xf32, #tpu.memory_space<vmem_shared>> -> memref<640x80xf32, #tpu.memory_space<vmem_shared>>
      tpu.enqueue_dma source(%dma_start3A_17 : memref<640x80xf32, #tpu.memory_space<vmem_shared>>) target(%dma_start3A_15 : memref<640x80xf32, #tpu.memory_space<hbm>>) target_semaphore(%run_scoped3A : memref<!tpu.dma_semaphore, #tpu.memory_space<semaphore_mem>>)
      %dma_wait3A = arith.constant 0 : i32
      %dma_wait3A_18 = tpu.memref_slice %arg6[%add3A, %dma_wait3A] : memref<20480x80xf32, #tpu.memory_space<hbm>> -> memref<640x80xf32, #tpu.memory_space<hbm>>
      %dma_wait3A_19 = arith.constant 0 : i32
      %dma_wait3A_20 = tpu.memref_slice %arg10[%mul3A_10, %dma_wait3A_19] : memref<10240x80xf32, #tpu.memory_space<vmem_shared>> -> memref<640x80xf32, #tpu.memory_space<vmem_shared>>
      tpu.wait_dma2 semaphore(%run_scoped3A : memref<!tpu.dma_semaphore, #tpu.memory_space<semaphore_mem>>) src(%dma_wait3A_20 : memref<640x80xf32, #tpu.memory_space<vmem_shared>>) dst(%dma_wait3A_18 : memref<640x80xf32, #tpu.memory_space<hbm>>)
      tpu.yield
    }) : () -> ()
    return
  }
}

#map = affine_map<(d0, d1) -> (0, 0, 0)>
#map1 = affine_map<(d0, d1) -> (0, 0)>
module attributes {stable_mosaic.version = 14 : i64} {
  func.func @_deg_kernel(%arg0: i32, %arg1: i32, %arg2: memref<16x80x128xi32, #tpu.memory_space<hbm>>, %arg3: memref<128x16xf32, #tpu.memory_space<hbm>>, %arg4: memref<10240x16xf32, #tpu.memory_space<hbm>>, %arg5: memref<20480x16xf32, #tpu.memory_space<hbm>>, %arg6: memref<80x128xi32, #tpu.memory_space<vmem>>, %arg7: memref<128x16xf32, #tpu.memory_space<vmem>>, %arg8: memref<10240x16xf32, #tpu.memory_space<vmem_shared>>) attributes {dimension_semantics = [#tpu.dimension_semantics<core_parallel>, #tpu.dimension_semantics<subcore_parallel>], iteration_bounds = array<i64: 2, 16>, scalar_prefetch = 0 : i64, scratch_operands = 3 : i64, tpu.core_type = #tpu.core_type<sc_vector_subcore>, window_params = [{transform_indices = #map}, {transform_indices = #map1}, {transform_indices = #map1}, {transform_indices = #map1}]} {
    "tpu.region"() ({
      %run_scoped3A = tpu.sem_alloc : memref<!tpu.dma_semaphore, #tpu.memory_space<semaphore_mem>>
      %dma_start3A = arith.constant 0 : i32
      %dma_start3A_15 = arith.constant 0 : i32
      %dma_start3A_16 = tpu.memref_slice %arg2[%arg1, %dma_start3A, %dma_start3A_15] : memref<16x80x128xi32, #tpu.memory_space<hbm>> -> memref<1x80x128xi32, #tpu.memory_space<hbm>>
      %dma_start3A_17 = tpu.memref_squeeze %dma_start3A_16 : memref<1x80x128xi32, #tpu.memory_space<hbm>> -> memref<80x128xi32, #tpu.memory_space<hbm>>
      %dma_start3A_18 = arith.constant 0 : i32
      %dma_start3A_19 = arith.constant 0 : i32
      %dma_start3A_20 = tpu.memref_slice %arg2[%arg1, %dma_start3A_18, %dma_start3A_19] : memref<16x80x128xi32, #tpu.memory_space<hbm>> -> memref<1x80x128xi32, #tpu.memory_space<hbm>>
      %dma_start3A_21 = tpu.memref_squeeze %dma_start3A_20 : memref<1x80x128xi32, #tpu.memory_space<hbm>> -> memref<80x128xi32, #tpu.memory_space<hbm>>
      tpu.enqueue_dma source(%dma_start3A_21 : memref<80x128xi32, #tpu.memory_space<hbm>>) target(%arg6 : memref<80x128xi32, #tpu.memory_space<vmem>>) target_semaphore(%run_scoped3A : memref<!tpu.dma_semaphore, #tpu.memory_space<semaphore_mem>>)
      %dma_wait3A = arith.constant 0 : i32
      %dma_wait3A_22 = arith.constant 0 : i32
      %dma_wait3A_23 = tpu.memref_slice %arg2[%arg1, %dma_wait3A, %dma_wait3A_22] : memref<16x80x128xi32, #tpu.memory_space<hbm>> -> memref<1x80x128xi32, #tpu.memory_space<hbm>>
      %dma_wait3A_24 = tpu.memref_squeeze %dma_wait3A_23 : memref<1x80x128xi32, #tpu.memory_space<hbm>> -> memref<80x128xi32, #tpu.memory_space<hbm>>
      %dma_wait3A_25 = arith.constant 0 : i32
      %dma_wait3A_26 = arith.constant 0 : i32
      %dma_wait3A_27 = tpu.memref_slice %arg2[%arg1, %dma_wait3A_25, %dma_wait3A_26] : memref<16x80x128xi32, #tpu.memory_space<hbm>> -> memref<1x80x128xi32, #tpu.memory_space<hbm>>
      %dma_wait3A_28 = tpu.memref_squeeze %dma_wait3A_27 : memref<1x80x128xi32, #tpu.memory_space<hbm>> -> memref<80x128xi32, #tpu.memory_space<hbm>>
      tpu.wait_dma2 semaphore(%run_scoped3A : memref<!tpu.dma_semaphore, #tpu.memory_space<semaphore_mem>>) src(%dma_wait3A_28 : memref<80x128xi32, #tpu.memory_space<hbm>>) dst(%arg6 : memref<80x128xi32, #tpu.memory_space<vmem>>)
      tpu.yield
    }) : () -> ()
    "tpu.region"() ({
      %run_scoped3A = tpu.sem_alloc : memref<!tpu.dma_semaphore, #tpu.memory_space<semaphore_mem>>
      tpu.enqueue_dma source(%arg3 : memref<128x16xf32, #tpu.memory_space<hbm>>) target(%arg7 : memref<128x16xf32, #tpu.memory_space<vmem>>) target_semaphore(%run_scoped3A : memref<!tpu.dma_semaphore, #tpu.memory_space<semaphore_mem>>)
      tpu.wait_dma2 semaphore(%run_scoped3A : memref<!tpu.dma_semaphore, #tpu.memory_space<semaphore_mem>>) src(%arg3 : memref<128x16xf32, #tpu.memory_space<hbm>>) dst(%arg7 : memref<128x16xf32, #tpu.memory_space<vmem>>)
      tpu.yield
    }) : () -> ()
    %mul3A = arith.constant 640 : i32
    %mul3A_0 = arith.muli %arg1, %mul3A : i32
    %mul3A_1 = arith.constant 640 : i32
    %mul3A_2 = arith.muli %arg1, %mul3A_1 : i32
    "tpu.region"() ({
      %run_scoped3A = tpu.sem_alloc : memref<!tpu.dma_semaphore, #tpu.memory_space<semaphore_mem>>
      %dma_start3A = arith.constant 0 : i32
      %dma_start3A_15 = tpu.memref_slice %arg8[%mul3A_2, %dma_start3A] : memref<10240x16xf32, #tpu.memory_space<vmem_shared>> -> memref<640x16xf32, #tpu.memory_space<vmem_shared>>
      %dma_start3A_16 = arith.constant 0 : i32
      %dma_start3A_17 = tpu.memref_slice %arg4[%mul3A_0, %dma_start3A_16] : memref<10240x16xf32, #tpu.memory_space<hbm>> -> memref<640x16xf32, #tpu.memory_space<hbm>>
      tpu.enqueue_dma source(%dma_start3A_17 : memref<640x16xf32, #tpu.memory_space<hbm>>) target(%dma_start3A_15 : memref<640x16xf32, #tpu.memory_space<vmem_shared>>) target_semaphore(%run_scoped3A : memref<!tpu.dma_semaphore, #tpu.memory_space<semaphore_mem>>)
      %dma_wait3A = arith.constant 0 : i32
      %dma_wait3A_18 = tpu.memref_slice %arg8[%mul3A_2, %dma_wait3A] : memref<10240x16xf32, #tpu.memory_space<vmem_shared>> -> memref<640x16xf32, #tpu.memory_space<vmem_shared>>
      %dma_wait3A_19 = arith.constant 0 : i32
      %dma_wait3A_20 = tpu.memref_slice %arg4[%mul3A_0, %dma_wait3A_19] : memref<10240x16xf32, #tpu.memory_space<hbm>> -> memref<640x16xf32, #tpu.memory_space<hbm>>
      tpu.wait_dma2 semaphore(%run_scoped3A : memref<!tpu.dma_semaphore, #tpu.memory_space<semaphore_mem>>) src(%dma_wait3A_20 : memref<640x16xf32, #tpu.memory_space<hbm>>) dst(%dma_wait3A_18 : memref<640x16xf32, #tpu.memory_space<vmem_shared>>)
      tpu.yield
    }) : () -> ()
    %barrier3A = arith.constant 0 : index
    tpu.barrier barrier_id(%barrier3A)
    %scan3A = arith.constant 0 : i32
    %scan3A_3 = arith.constant 0 : i32
    %scan3A_4 = arith.constant 40 : i32
    %scan3A_5 = arith.addi %scan3A_3, %scan3A_4 : i32
    %scan3A_6 = arith.constant 1 : i32
    scf.for %scan3A_15 = %scan3A_3 to %scan3A_5 step %scan3A_6  : i32 {
      %mul3A_16 = arith.constant 40 : i32
      %mul3A_17 = arith.muli %arg0, %mul3A_16 : i32
      %add3A_18 = arith.addi %mul3A_17, %scan3A_15 : i32
      "tpu.region"() ({
        %run_scoped3A = tpu.sem_alloc : memref<!tpu.dma_semaphore, #tpu.memory_space<semaphore_mem>>
        %dma_start3A = arith.constant 0 : i32
        %dma_start3A_19 = tpu.memref_slice %arg6[%add3A_18, %dma_start3A] : memref<80x128xi32, #tpu.memory_space<vmem>> -> memref<1x128xi32, #tpu.memory_space<vmem>>
        %dma_start3A_20 = tpu.memref_squeeze %dma_start3A_19 : memref<1x128xi32, #tpu.memory_space<vmem>> -> memref<128xi32, #tpu.memory_space<vmem>>
        %dma_start3A_21 = arith.constant 0 : i32
        %dma_start3A_22 = arith.constant 0 : i32
        %dma_start3A_23 = tpu.memref_slice %arg8[%dma_start3A_21, %dma_start3A_22] : memref<10240x16xf32, #tpu.memory_space<vmem_shared>> -> memref<10240x16xf32, #tpu.memory_space<vmem_shared>>
        tpu.enqueue_indirect_dma source(%arg7 : memref<128x16xf32, #tpu.memory_space<vmem>>) target(%dma_start3A_23 : memref<10240x16xf32, #tpu.memory_space<vmem_shared>>) offsets(%dma_start3A_20 : memref<128xi32, #tpu.memory_space<vmem>>) semaphore(%run_scoped3A : memref<!tpu.dma_semaphore, #tpu.memory_space<semaphore_mem>>) {add = true}
        %dma_wait3A = arith.constant 0 : i32
        %dma_wait3A_24 = tpu.memref_slice %arg6[%add3A_18, %dma_wait3A] : memref<80x128xi32, #tpu.memory_space<vmem>> -> memref<1x128xi32, #tpu.memory_space<vmem>>
        %dma_wait3A_25 = tpu.memref_squeeze %dma_wait3A_24 : memref<1x128xi32, #tpu.memory_space<vmem>> -> memref<128xi32, #tpu.memory_space<vmem>>
        %dma_wait3A_26 = arith.constant 0 : i32
        %dma_wait3A_27 = arith.constant 0 : i32
        %dma_wait3A_28 = tpu.memref_slice %arg8[%dma_wait3A_26, %dma_wait3A_27] : memref<10240x16xf32, #tpu.memory_space<vmem_shared>> -> memref<10240x16xf32, #tpu.memory_space<vmem_shared>>
        tpu.wait_indirect_dma semaphore(%run_scoped3A : memref<!tpu.dma_semaphore, #tpu.memory_space<semaphore_mem>>) src(%arg7 : memref<128x16xf32, #tpu.memory_space<vmem>>) dst(%dma_wait3A_28 : memref<10240x16xf32, #tpu.memory_space<vmem_shared>>)
        tpu.yield
      }) : () -> ()
    }
    %scan3A_7 = arith.constant 40 : i32
    %barrier3A_8 = arith.constant 0 : index
    tpu.barrier barrier_id(%barrier3A_8)
    %mul3A_9 = arith.constant 640 : i32
    %mul3A_10 = arith.muli %arg1, %mul3A_9 : i32
    %mul3A_11 = arith.constant 10240 : i32
    %mul3A_12 = arith.muli %arg0, %mul3A_11 : i32
    %mul3A_13 = arith.constant 640 : i32
    %mul3A_14 = arith.muli %arg1, %mul3A_13 : i32
    %add3A = arith.addi %mul3A_12, %mul3A_14 : i32
    "tpu.region"() ({
      %run_scoped3A = tpu.sem_alloc : memref<!tpu.dma_semaphore, #tpu.memory_space<semaphore_mem>>
      %dma_start3A = arith.constant 0 : i32
      %dma_start3A_15 = tpu.memref_slice %arg5[%add3A, %dma_start3A] : memref<20480x16xf32, #tpu.memory_space<hbm>> -> memref<640x16xf32, #tpu.memory_space<hbm>>
      %dma_start3A_16 = arith.constant 0 : i32
      %dma_start3A_17 = tpu.memref_slice %arg8[%mul3A_10, %dma_start3A_16] : memref<10240x16xf32, #tpu.memory_space<vmem_shared>> -> memref<640x16xf32, #tpu.memory_space<vmem_shared>>
      tpu.enqueue_dma source(%dma_start3A_17 : memref<640x16xf32, #tpu.memory_space<vmem_shared>>) target(%dma_start3A_15 : memref<640x16xf32, #tpu.memory_space<hbm>>) target_semaphore(%run_scoped3A : memref<!tpu.dma_semaphore, #tpu.memory_space<semaphore_mem>>)
      %dma_wait3A = arith.constant 0 : i32
      %dma_wait3A_18 = tpu.memref_slice %arg5[%add3A, %dma_wait3A] : memref<20480x16xf32, #tpu.memory_space<hbm>> -> memref<640x16xf32, #tpu.memory_space<hbm>>
      %dma_wait3A_19 = arith.constant 0 : i32
      %dma_wait3A_20 = tpu.memref_slice %arg8[%mul3A_10, %dma_wait3A_19] : memref<10240x16xf32, #tpu.memory_space<vmem_shared>> -> memref<640x16xf32, #tpu.memory_space<vmem_shared>>
      tpu.wait_dma2 semaphore(%run_scoped3A : memref<!tpu.dma_semaphore, #tpu.memory_space<semaphore_mem>>) src(%dma_wait3A_20 : memref<640x16xf32, #tpu.memory_space<vmem_shared>>) dst(%dma_wait3A_18 : memref<640x16xf32, #tpu.memory_space<hbm>>)
      tpu.yield
    }) : () -> ()
    return
  }
}

#map = affine_map<(d0, d1) -> (0, 0, 0, 0)>
#map1 = affine_map<(d0, d1) -> (0, 0, 0)>
#map2 = affine_map<(d0, d1) -> (0, 0)>
module attributes {stable_mosaic.version = 14 : i64} {
  func.func @_gcn_agg_kernel(%arg0: i32, %arg1: i32, %arg2: memref<2x16x80x128xi32, #tpu.memory_space<hbm>>, %arg3: memref<16x80x128xi32, #tpu.memory_space<hbm>>, %arg4: memref<20480x80xf32, #tpu.memory_space<hbm>>, %arg5: memref<10240x80xf32, #tpu.memory_space<hbm>>, %arg6: memref<20480x80xf32, #tpu.memory_space<hbm>>, %arg7: memref<80x128xi32, #tpu.memory_space<vmem>>, %arg8: memref<80x128xi32, #tpu.memory_space<vmem>>, %arg9: memref<128x80xf32, #tpu.memory_space<vmem>>, %arg10: memref<10240x80xf32, #tpu.memory_space<vmem_shared>>, %arg11: memref<!tpu.dma_semaphore, #tpu.memory_space<semaphore_mem>>) attributes {dimension_semantics = [#tpu.dimension_semantics<core_parallel>, #tpu.dimension_semantics<subcore_parallel>], iteration_bounds = array<i64: 2, 16>, scalar_prefetch = 0 : i64, scratch_operands = 5 : i64, tpu.core_type = #tpu.core_type<sc_vector_subcore>, window_params = [{transform_indices = #map}, {transform_indices = #map1}, {transform_indices = #map2}, {transform_indices = #map2}, {transform_indices = #map2}]} {
    "tpu.region"() ({
      %run_scoped3A = tpu.sem_alloc : memref<!tpu.dma_semaphore, #tpu.memory_space<semaphore_mem>>
      %dma_start3A = arith.constant 0 : i32
      %dma_start3A_15 = arith.constant 0 : i32
      %dma_start3A_16 = tpu.memref_slice %arg2[%arg0, %arg1, %dma_start3A, %dma_start3A_15] : memref<2x16x80x128xi32, #tpu.memory_space<hbm>> -> memref<1x1x80x128xi32, #tpu.memory_space<hbm>>
      %dma_start3A_17 = tpu.memref_squeeze %dma_start3A_16 : memref<1x1x80x128xi32, #tpu.memory_space<hbm>> -> memref<80x128xi32, #tpu.memory_space<hbm>>
      %dma_start3A_18 = arith.constant 0 : i32
      %dma_start3A_19 = arith.constant 0 : i32
      %dma_start3A_20 = tpu.memref_slice %arg2[%arg0, %arg1, %dma_start3A_18, %dma_start3A_19] : memref<2x16x80x128xi32, #tpu.memory_space<hbm>> -> memref<1x1x80x128xi32, #tpu.memory_space<hbm>>
      %dma_start3A_21 = tpu.memref_squeeze %dma_start3A_20 : memref<1x1x80x128xi32, #tpu.memory_space<hbm>> -> memref<80x128xi32, #tpu.memory_space<hbm>>
      tpu.enqueue_dma source(%dma_start3A_21 : memref<80x128xi32, #tpu.memory_space<hbm>>) target(%arg7 : memref<80x128xi32, #tpu.memory_space<vmem>>) target_semaphore(%run_scoped3A : memref<!tpu.dma_semaphore, #tpu.memory_space<semaphore_mem>>)
      %dma_wait3A = arith.constant 0 : i32
      %dma_wait3A_22 = arith.constant 0 : i32
      %dma_wait3A_23 = tpu.memref_slice %arg2[%arg0, %arg1, %dma_wait3A, %dma_wait3A_22] : memref<2x16x80x128xi32, #tpu.memory_space<hbm>> -> memref<1x1x80x128xi32, #tpu.memory_space<hbm>>
      %dma_wait3A_24 = tpu.memref_squeeze %dma_wait3A_23 : memref<1x1x80x128xi32, #tpu.memory_space<hbm>> -> memref<80x128xi32, #tpu.memory_space<hbm>>
      %dma_wait3A_25 = arith.constant 0 : i32
      %dma_wait3A_26 = arith.constant 0 : i32
      %dma_wait3A_27 = tpu.memref_slice %arg2[%arg0, %arg1, %dma_wait3A_25, %dma_wait3A_26] : memref<2x16x80x128xi32, #tpu.memory_space<hbm>> -> memref<1x1x80x128xi32, #tpu.memory_space<hbm>>
      %dma_wait3A_28 = tpu.memref_squeeze %dma_wait3A_27 : memref<1x1x80x128xi32, #tpu.memory_space<hbm>> -> memref<80x128xi32, #tpu.memory_space<hbm>>
      tpu.wait_dma2 semaphore(%run_scoped3A : memref<!tpu.dma_semaphore, #tpu.memory_space<semaphore_mem>>) src(%dma_wait3A_28 : memref<80x128xi32, #tpu.memory_space<hbm>>) dst(%arg7 : memref<80x128xi32, #tpu.memory_space<vmem>>)
      tpu.yield
    }) : () -> ()
    "tpu.region"() ({
      %run_scoped3A = tpu.sem_alloc : memref<!tpu.dma_semaphore, #tpu.memory_space<semaphore_mem>>
      %dma_start3A = arith.constant 0 : i32
      %dma_start3A_15 = arith.constant 0 : i32
      %dma_start3A_16 = tpu.memref_slice %arg3[%arg1, %dma_start3A, %dma_start3A_15] : memref<16x80x128xi32, #tpu.memory_space<hbm>> -> memref<1x80x128xi32, #tpu.memory_space<hbm>>
      %dma_start3A_17 = tpu.memref_squeeze %dma_start3A_16 : memref<1x80x128xi32, #tpu.memory_space<hbm>> -> memref<80x128xi32, #tpu.memory_space<hbm>>
      %dma_start3A_18 = arith.constant 0 : i32
      %dma_start3A_19 = arith.constant 0 : i32
      %dma_start3A_20 = tpu.memref_slice %arg3[%arg1, %dma_start3A_18, %dma_start3A_19] : memref<16x80x128xi32, #tpu.memory_space<hbm>> -> memref<1x80x128xi32, #tpu.memory_space<hbm>>
      %dma_start3A_21 = tpu.memref_squeeze %dma_start3A_20 : memref<1x80x128xi32, #tpu.memory_space<hbm>> -> memref<80x128xi32, #tpu.memory_space<hbm>>
      tpu.enqueue_dma source(%dma_start3A_21 : memref<80x128xi32, #tpu.memory_space<hbm>>) target(%arg8 : memref<80x128xi32, #tpu.memory_space<vmem>>) target_semaphore(%run_scoped3A : memref<!tpu.dma_semaphore, #tpu.memory_space<semaphore_mem>>)
      %dma_wait3A = arith.constant 0 : i32
      %dma_wait3A_22 = arith.constant 0 : i32
      %dma_wait3A_23 = tpu.memref_slice %arg3[%arg1, %dma_wait3A, %dma_wait3A_22] : memref<16x80x128xi32, #tpu.memory_space<hbm>> -> memref<1x80x128xi32, #tpu.memory_space<hbm>>
      %dma_wait3A_24 = tpu.memref_squeeze %dma_wait3A_23 : memref<1x80x128xi32, #tpu.memory_space<hbm>> -> memref<80x128xi32, #tpu.memory_space<hbm>>
      %dma_wait3A_25 = arith.constant 0 : i32
      %dma_wait3A_26 = arith.constant 0 : i32
      %dma_wait3A_27 = tpu.memref_slice %arg3[%arg1, %dma_wait3A_25, %dma_wait3A_26] : memref<16x80x128xi32, #tpu.memory_space<hbm>> -> memref<1x80x128xi32, #tpu.memory_space<hbm>>
      %dma_wait3A_28 = tpu.memref_squeeze %dma_wait3A_27 : memref<1x80x128xi32, #tpu.memory_space<hbm>> -> memref<80x128xi32, #tpu.memory_space<hbm>>
      tpu.wait_dma2 semaphore(%run_scoped3A : memref<!tpu.dma_semaphore, #tpu.memory_space<semaphore_mem>>) src(%dma_wait3A_28 : memref<80x128xi32, #tpu.memory_space<hbm>>) dst(%arg8 : memref<80x128xi32, #tpu.memory_space<vmem>>)
      tpu.yield
    }) : () -> ()
    %mul3A = arith.constant 640 : i32
    %mul3A_0 = arith.muli %arg1, %mul3A : i32
    %mul3A_1 = arith.constant 640 : i32
    %mul3A_2 = arith.muli %arg1, %mul3A_1 : i32
    "tpu.region"() ({
      %run_scoped3A = tpu.sem_alloc : memref<!tpu.dma_semaphore, #tpu.memory_space<semaphore_mem>>
      %dma_start3A = arith.constant 0 : i32
      %dma_start3A_15 = tpu.memref_slice %arg10[%mul3A_2, %dma_start3A] : memref<10240x80xf32, #tpu.memory_space<vmem_shared>> -> memref<640x80xf32, #tpu.memory_space<vmem_shared>>
      %dma_start3A_16 = arith.constant 0 : i32
      %dma_start3A_17 = tpu.memref_slice %arg5[%mul3A_0, %dma_start3A_16] : memref<10240x80xf32, #tpu.memory_space<hbm>> -> memref<640x80xf32, #tpu.memory_space<hbm>>
      tpu.enqueue_dma source(%dma_start3A_17 : memref<640x80xf32, #tpu.memory_space<hbm>>) target(%dma_start3A_15 : memref<640x80xf32, #tpu.memory_space<vmem_shared>>) target_semaphore(%run_scoped3A : memref<!tpu.dma_semaphore, #tpu.memory_space<semaphore_mem>>)
      %dma_wait3A = arith.constant 0 : i32
      %dma_wait3A_18 = tpu.memref_slice %arg10[%mul3A_2, %dma_wait3A] : memref<10240x80xf32, #tpu.memory_space<vmem_shared>> -> memref<640x80xf32, #tpu.memory_space<vmem_shared>>
      %dma_wait3A_19 = arith.constant 0 : i32
      %dma_wait3A_20 = tpu.memref_slice %arg5[%mul3A_0, %dma_wait3A_19] : memref<10240x80xf32, #tpu.memory_space<hbm>> -> memref<640x80xf32, #tpu.memory_space<hbm>>
      tpu.wait_dma2 semaphore(%run_scoped3A : memref<!tpu.dma_semaphore, #tpu.memory_space<semaphore_mem>>) src(%dma_wait3A_20 : memref<640x80xf32, #tpu.memory_space<hbm>>) dst(%dma_wait3A_18 : memref<640x80xf32, #tpu.memory_space<vmem_shared>>)
      tpu.yield
    }) : () -> ()
    %barrier3A = arith.constant 0 : index
    tpu.barrier barrier_id(%barrier3A)
    %scan3A = arith.constant 0 : i32
    %scan3A_3 = arith.constant 0 : i32
    %scan3A_4 = arith.constant 80 : i32
    %scan3A_5 = arith.addi %scan3A_3, %scan3A_4 : i32
    %scan3A_6 = arith.constant 1 : i32
    scf.for %scan3A_15 = %scan3A_3 to %scan3A_5 step %scan3A_6  : i32 {
      %dma_start3A = arith.constant 0 : i32
      %dma_start3A_16 = tpu.memref_slice %arg7[%scan3A_15, %dma_start3A] : memref<80x128xi32, #tpu.memory_space<vmem>> -> memref<1x128xi32, #tpu.memory_space<vmem>>
      %dma_start3A_17 = tpu.memref_squeeze %dma_start3A_16 : memref<1x128xi32, #tpu.memory_space<vmem>> -> memref<128xi32, #tpu.memory_space<vmem>>
      %dma_start3A_18 = arith.constant 0 : i32
      %dma_start3A_19 = arith.constant 0 : i32
      %dma_start3A_20 = tpu.memref_slice %arg4[%dma_start3A_18, %dma_start3A_19] : memref<20480x80xf32, #tpu.memory_space<hbm>> -> memref<20480x80xf32, #tpu.memory_space<hbm>>
      tpu.enqueue_indirect_dma source(%dma_start3A_20 : memref<20480x80xf32, #tpu.memory_space<hbm>>) target(%arg9 : memref<128x80xf32, #tpu.memory_space<vmem>>) offsets(%dma_start3A_17 : memref<128xi32, #tpu.memory_space<vmem>>) semaphore(%arg11 : memref<!tpu.dma_semaphore, #tpu.memory_space<semaphore_mem>>)
      %dma_wait3A = arith.constant 0 : i32
      %dma_wait3A_21 = tpu.memref_slice %arg7[%scan3A_15, %dma_wait3A] : memref<80x128xi32, #tpu.memory_space<vmem>> -> memref<1x128xi32, #tpu.memory_space<vmem>>
      %dma_wait3A_22 = tpu.memref_squeeze %dma_wait3A_21 : memref<1x128xi32, #tpu.memory_space<vmem>> -> memref<128xi32, #tpu.memory_space<vmem>>
      %dma_wait3A_23 = arith.constant 0 : i32
      %dma_wait3A_24 = arith.constant 0 : i32
      %dma_wait3A_25 = tpu.memref_slice %arg4[%dma_wait3A_23, %dma_wait3A_24] : memref<20480x80xf32, #tpu.memory_space<hbm>> -> memref<20480x80xf32, #tpu.memory_space<hbm>>
      tpu.wait_indirect_dma semaphore(%arg11 : memref<!tpu.dma_semaphore, #tpu.memory_space<semaphore_mem>>) src(%dma_wait3A_25 : memref<20480x80xf32, #tpu.memory_space<hbm>>) dst(%arg9 : memref<128x80xf32, #tpu.memory_space<vmem>>)
      "tpu.region"() ({
        %run_scoped3A = tpu.sem_alloc : memref<!tpu.dma_semaphore, #tpu.memory_space<semaphore_mem>>
        %dma_start3A_26 = arith.constant 0 : i32
        %dma_start3A_27 = tpu.memref_slice %arg8[%scan3A_15, %dma_start3A_26] : memref<80x128xi32, #tpu.memory_space<vmem>> -> memref<1x128xi32, #tpu.memory_space<vmem>>
        %dma_start3A_28 = tpu.memref_squeeze %dma_start3A_27 : memref<1x128xi32, #tpu.memory_space<vmem>> -> memref<128xi32, #tpu.memory_space<vmem>>
        %dma_start3A_29 = arith.constant 0 : i32
        %dma_start3A_30 = arith.constant 0 : i32
        %dma_start3A_31 = tpu.memref_slice %arg10[%dma_start3A_29, %dma_start3A_30] : memref<10240x80xf32, #tpu.memory_space<vmem_shared>> -> memref<10240x80xf32, #tpu.memory_space<vmem_shared>>
        tpu.enqueue_indirect_dma source(%arg9 : memref<128x80xf32, #tpu.memory_space<vmem>>) target(%dma_start3A_31 : memref<10240x80xf32, #tpu.memory_space<vmem_shared>>) offsets(%dma_start3A_28 : memref<128xi32, #tpu.memory_space<vmem>>) semaphore(%run_scoped3A : memref<!tpu.dma_semaphore, #tpu.memory_space<semaphore_mem>>) {add = true}
        %dma_wait3A_32 = arith.constant 0 : i32
        %dma_wait3A_33 = tpu.memref_slice %arg8[%scan3A_15, %dma_wait3A_32] : memref<80x128xi32, #tpu.memory_space<vmem>> -> memref<1x128xi32, #tpu.memory_space<vmem>>
        %dma_wait3A_34 = tpu.memref_squeeze %dma_wait3A_33 : memref<1x128xi32, #tpu.memory_space<vmem>> -> memref<128xi32, #tpu.memory_space<vmem>>
        %dma_wait3A_35 = arith.constant 0 : i32
        %dma_wait3A_36 = arith.constant 0 : i32
        %dma_wait3A_37 = tpu.memref_slice %arg10[%dma_wait3A_35, %dma_wait3A_36] : memref<10240x80xf32, #tpu.memory_space<vmem_shared>> -> memref<10240x80xf32, #tpu.memory_space<vmem_shared>>
        tpu.wait_indirect_dma semaphore(%run_scoped3A : memref<!tpu.dma_semaphore, #tpu.memory_space<semaphore_mem>>) src(%arg9 : memref<128x80xf32, #tpu.memory_space<vmem>>) dst(%dma_wait3A_37 : memref<10240x80xf32, #tpu.memory_space<vmem_shared>>)
        tpu.yield
      }) : () -> ()
    }
    %scan3A_7 = arith.constant 80 : i32
    %barrier3A_8 = arith.constant 0 : index
    tpu.barrier barrier_id(%barrier3A_8)
    %mul3A_9 = arith.constant 640 : i32
    %mul3A_10 = arith.muli %arg1, %mul3A_9 : i32
    %mul3A_11 = arith.constant 10240 : i32
    %mul3A_12 = arith.muli %arg0, %mul3A_11 : i32
    %mul3A_13 = arith.constant 640 : i32
    %mul3A_14 = arith.muli %arg1, %mul3A_13 : i32
    %add3A = arith.addi %mul3A_12, %mul3A_14 : i32
    "tpu.region"() ({
      %run_scoped3A = tpu.sem_alloc : memref<!tpu.dma_semaphore, #tpu.memory_space<semaphore_mem>>
      %dma_start3A = arith.constant 0 : i32
      %dma_start3A_15 = tpu.memref_slice %arg6[%add3A, %dma_start3A] : memref<20480x80xf32, #tpu.memory_space<hbm>> -> memref<640x80xf32, #tpu.memory_space<hbm>>
      %dma_start3A_16 = arith.constant 0 : i32
      %dma_start3A_17 = tpu.memref_slice %arg10[%mul3A_10, %dma_start3A_16] : memref<10240x80xf32, #tpu.memory_space<vmem_shared>> -> memref<640x80xf32, #tpu.memory_space<vmem_shared>>
      tpu.enqueue_dma source(%dma_start3A_17 : memref<640x80xf32, #tpu.memory_space<vmem_shared>>) target(%dma_start3A_15 : memref<640x80xf32, #tpu.memory_space<hbm>>) target_semaphore(%run_scoped3A : memref<!tpu.dma_semaphore, #tpu.memory_space<semaphore_mem>>)
      %dma_wait3A = arith.constant 0 : i32
      %dma_wait3A_18 = tpu.memref_slice %arg6[%add3A, %dma_wait3A] : memref<20480x80xf32, #tpu.memory_space<hbm>> -> memref<640x80xf32, #tpu.memory_space<hbm>>
      %dma_wait3A_19 = arith.constant 0 : i32
      %dma_wait3A_20 = tpu.memref_slice %arg10[%mul3A_10, %dma_wait3A_19] : memref<10240x80xf32, #tpu.memory_space<vmem_shared>> -> memref<640x80xf32, #tpu.memory_space<vmem_shared>>
      tpu.wait_dma2 semaphore(%run_scoped3A : memref<!tpu.dma_semaphore, #tpu.memory_space<semaphore_mem>>) src(%dma_wait3A_20 : memref<640x80xf32, #tpu.memory_space<vmem_shared>>) dst(%dma_wait3A_18 : memref<640x80xf32, #tpu.memory_space<hbm>>)
      tpu.yield
    }) : () -> ()
    return
  }
}

#map = affine_map<(d0, d1) -> (0, 0, 0, 0)>
#map1 = affine_map<(d0, d1) -> (0, 0, 0)>
#map2 = affine_map<(d0, d1) -> (0, 0)>
module attributes {stable_mosaic.version = 14 : i64} {
  func.func @_gcn_agg_kernel(%arg0: i32, %arg1: i32, %arg2: memref<2x16x80x128xi32, #tpu.memory_space<hbm>>, %arg3: memref<16x80x128xi32, #tpu.memory_space<hbm>>, %arg4: memref<20480x96xf32, #tpu.memory_space<hbm>>, %arg5: memref<10240x96xf32, #tpu.memory_space<hbm>>, %arg6: memref<20480x96xf32, #tpu.memory_space<hbm>>, %arg7: memref<80x128xi32, #tpu.memory_space<vmem>>, %arg8: memref<80x128xi32, #tpu.memory_space<vmem>>, %arg9: memref<128x96xf32, #tpu.memory_space<vmem>>, %arg10: memref<10240x96xf32, #tpu.memory_space<vmem_shared>>, %arg11: memref<!tpu.dma_semaphore, #tpu.memory_space<semaphore_mem>>) attributes {dimension_semantics = [#tpu.dimension_semantics<core_parallel>, #tpu.dimension_semantics<subcore_parallel>], iteration_bounds = array<i64: 2, 16>, scalar_prefetch = 0 : i64, scratch_operands = 5 : i64, tpu.core_type = #tpu.core_type<sc_vector_subcore>, window_params = [{transform_indices = #map}, {transform_indices = #map1}, {transform_indices = #map2}, {transform_indices = #map2}, {transform_indices = #map2}]} {
    "tpu.region"() ({
      %run_scoped3A = tpu.sem_alloc : memref<!tpu.dma_semaphore, #tpu.memory_space<semaphore_mem>>
      %dma_start3A = arith.constant 0 : i32
      %dma_start3A_15 = arith.constant 0 : i32
      %dma_start3A_16 = tpu.memref_slice %arg2[%arg0, %arg1, %dma_start3A, %dma_start3A_15] : memref<2x16x80x128xi32, #tpu.memory_space<hbm>> -> memref<1x1x80x128xi32, #tpu.memory_space<hbm>>
      %dma_start3A_17 = tpu.memref_squeeze %dma_start3A_16 : memref<1x1x80x128xi32, #tpu.memory_space<hbm>> -> memref<80x128xi32, #tpu.memory_space<hbm>>
      %dma_start3A_18 = arith.constant 0 : i32
      %dma_start3A_19 = arith.constant 0 : i32
      %dma_start3A_20 = tpu.memref_slice %arg2[%arg0, %arg1, %dma_start3A_18, %dma_start3A_19] : memref<2x16x80x128xi32, #tpu.memory_space<hbm>> -> memref<1x1x80x128xi32, #tpu.memory_space<hbm>>
      %dma_start3A_21 = tpu.memref_squeeze %dma_start3A_20 : memref<1x1x80x128xi32, #tpu.memory_space<hbm>> -> memref<80x128xi32, #tpu.memory_space<hbm>>
      tpu.enqueue_dma source(%dma_start3A_21 : memref<80x128xi32, #tpu.memory_space<hbm>>) target(%arg7 : memref<80x128xi32, #tpu.memory_space<vmem>>) target_semaphore(%run_scoped3A : memref<!tpu.dma_semaphore, #tpu.memory_space<semaphore_mem>>)
      %dma_wait3A = arith.constant 0 : i32
      %dma_wait3A_22 = arith.constant 0 : i32
      %dma_wait3A_23 = tpu.memref_slice %arg2[%arg0, %arg1, %dma_wait3A, %dma_wait3A_22] : memref<2x16x80x128xi32, #tpu.memory_space<hbm>> -> memref<1x1x80x128xi32, #tpu.memory_space<hbm>>
      %dma_wait3A_24 = tpu.memref_squeeze %dma_wait3A_23 : memref<1x1x80x128xi32, #tpu.memory_space<hbm>> -> memref<80x128xi32, #tpu.memory_space<hbm>>
      %dma_wait3A_25 = arith.constant 0 : i32
      %dma_wait3A_26 = arith.constant 0 : i32
      %dma_wait3A_27 = tpu.memref_slice %arg2[%arg0, %arg1, %dma_wait3A_25, %dma_wait3A_26] : memref<2x16x80x128xi32, #tpu.memory_space<hbm>> -> memref<1x1x80x128xi32, #tpu.memory_space<hbm>>
      %dma_wait3A_28 = tpu.memref_squeeze %dma_wait3A_27 : memref<1x1x80x128xi32, #tpu.memory_space<hbm>> -> memref<80x128xi32, #tpu.memory_space<hbm>>
      tpu.wait_dma2 semaphore(%run_scoped3A : memref<!tpu.dma_semaphore, #tpu.memory_space<semaphore_mem>>) src(%dma_wait3A_28 : memref<80x128xi32, #tpu.memory_space<hbm>>) dst(%arg7 : memref<80x128xi32, #tpu.memory_space<vmem>>)
      tpu.yield
    }) : () -> ()
    "tpu.region"() ({
      %run_scoped3A = tpu.sem_alloc : memref<!tpu.dma_semaphore, #tpu.memory_space<semaphore_mem>>
      %dma_start3A = arith.constant 0 : i32
      %dma_start3A_15 = arith.constant 0 : i32
      %dma_start3A_16 = tpu.memref_slice %arg3[%arg1, %dma_start3A, %dma_start3A_15] : memref<16x80x128xi32, #tpu.memory_space<hbm>> -> memref<1x80x128xi32, #tpu.memory_space<hbm>>
      %dma_start3A_17 = tpu.memref_squeeze %dma_start3A_16 : memref<1x80x128xi32, #tpu.memory_space<hbm>> -> memref<80x128xi32, #tpu.memory_space<hbm>>
      %dma_start3A_18 = arith.constant 0 : i32
      %dma_start3A_19 = arith.constant 0 : i32
      %dma_start3A_20 = tpu.memref_slice %arg3[%arg1, %dma_start3A_18, %dma_start3A_19] : memref<16x80x128xi32, #tpu.memory_space<hbm>> -> memref<1x80x128xi32, #tpu.memory_space<hbm>>
      %dma_start3A_21 = tpu.memref_squeeze %dma_start3A_20 : memref<1x80x128xi32, #tpu.memory_space<hbm>> -> memref<80x128xi32, #tpu.memory_space<hbm>>
      tpu.enqueue_dma source(%dma_start3A_21 : memref<80x128xi32, #tpu.memory_space<hbm>>) target(%arg8 : memref<80x128xi32, #tpu.memory_space<vmem>>) target_semaphore(%run_scoped3A : memref<!tpu.dma_semaphore, #tpu.memory_space<semaphore_mem>>)
      %dma_wait3A = arith.constant 0 : i32
      %dma_wait3A_22 = arith.constant 0 : i32
      %dma_wait3A_23 = tpu.memref_slice %arg3[%arg1, %dma_wait3A, %dma_wait3A_22] : memref<16x80x128xi32, #tpu.memory_space<hbm>> -> memref<1x80x128xi32, #tpu.memory_space<hbm>>
      %dma_wait3A_24 = tpu.memref_squeeze %dma_wait3A_23 : memref<1x80x128xi32, #tpu.memory_space<hbm>> -> memref<80x128xi32, #tpu.memory_space<hbm>>
      %dma_wait3A_25 = arith.constant 0 : i32
      %dma_wait3A_26 = arith.constant 0 : i32
      %dma_wait3A_27 = tpu.memref_slice %arg3[%arg1, %dma_wait3A_25, %dma_wait3A_26] : memref<16x80x128xi32, #tpu.memory_space<hbm>> -> memref<1x80x128xi32, #tpu.memory_space<hbm>>
      %dma_wait3A_28 = tpu.memref_squeeze %dma_wait3A_27 : memref<1x80x128xi32, #tpu.memory_space<hbm>> -> memref<80x128xi32, #tpu.memory_space<hbm>>
      tpu.wait_dma2 semaphore(%run_scoped3A : memref<!tpu.dma_semaphore, #tpu.memory_space<semaphore_mem>>) src(%dma_wait3A_28 : memref<80x128xi32, #tpu.memory_space<hbm>>) dst(%arg8 : memref<80x128xi32, #tpu.memory_space<vmem>>)
      tpu.yield
    }) : () -> ()
    %mul3A = arith.constant 640 : i32
    %mul3A_0 = arith.muli %arg1, %mul3A : i32
    %mul3A_1 = arith.constant 640 : i32
    %mul3A_2 = arith.muli %arg1, %mul3A_1 : i32
    "tpu.region"() ({
      %run_scoped3A = tpu.sem_alloc : memref<!tpu.dma_semaphore, #tpu.memory_space<semaphore_mem>>
      %dma_start3A = arith.constant 0 : i32
      %dma_start3A_15 = tpu.memref_slice %arg10[%mul3A_2, %dma_start3A] : memref<10240x96xf32, #tpu.memory_space<vmem_shared>> -> memref<640x96xf32, #tpu.memory_space<vmem_shared>>
      %dma_start3A_16 = arith.constant 0 : i32
      %dma_start3A_17 = tpu.memref_slice %arg5[%mul3A_0, %dma_start3A_16] : memref<10240x96xf32, #tpu.memory_space<hbm>> -> memref<640x96xf32, #tpu.memory_space<hbm>>
      tpu.enqueue_dma source(%dma_start3A_17 : memref<640x96xf32, #tpu.memory_space<hbm>>) target(%dma_start3A_15 : memref<640x96xf32, #tpu.memory_space<vmem_shared>>) target_semaphore(%run_scoped3A : memref<!tpu.dma_semaphore, #tpu.memory_space<semaphore_mem>>)
      %dma_wait3A = arith.constant 0 : i32
      %dma_wait3A_18 = tpu.memref_slice %arg10[%mul3A_2, %dma_wait3A] : memref<10240x96xf32, #tpu.memory_space<vmem_shared>> -> memref<640x96xf32, #tpu.memory_space<vmem_shared>>
      %dma_wait3A_19 = arith.constant 0 : i32
      %dma_wait3A_20 = tpu.memref_slice %arg5[%mul3A_0, %dma_wait3A_19] : memref<10240x96xf32, #tpu.memory_space<hbm>> -> memref<640x96xf32, #tpu.memory_space<hbm>>
      tpu.wait_dma2 semaphore(%run_scoped3A : memref<!tpu.dma_semaphore, #tpu.memory_space<semaphore_mem>>) src(%dma_wait3A_20 : memref<640x96xf32, #tpu.memory_space<hbm>>) dst(%dma_wait3A_18 : memref<640x96xf32, #tpu.memory_space<vmem_shared>>)
      tpu.yield
    }) : () -> ()
    %barrier3A = arith.constant 0 : index
    tpu.barrier barrier_id(%barrier3A)
    %scan3A = arith.constant 0 : i32
    %scan3A_3 = arith.constant 0 : i32
    %scan3A_4 = arith.constant 80 : i32
    %scan3A_5 = arith.addi %scan3A_3, %scan3A_4 : i32
    %scan3A_6 = arith.constant 1 : i32
    scf.for %scan3A_15 = %scan3A_3 to %scan3A_5 step %scan3A_6  : i32 {
      %dma_start3A = arith.constant 0 : i32
      %dma_start3A_16 = tpu.memref_slice %arg7[%scan3A_15, %dma_start3A] : memref<80x128xi32, #tpu.memory_space<vmem>> -> memref<1x128xi32, #tpu.memory_space<vmem>>
      %dma_start3A_17 = tpu.memref_squeeze %dma_start3A_16 : memref<1x128xi32, #tpu.memory_space<vmem>> -> memref<128xi32, #tpu.memory_space<vmem>>
      %dma_start3A_18 = arith.constant 0 : i32
      %dma_start3A_19 = arith.constant 0 : i32
      %dma_start3A_20 = tpu.memref_slice %arg4[%dma_start3A_18, %dma_start3A_19] : memref<20480x96xf32, #tpu.memory_space<hbm>> -> memref<20480x96xf32, #tpu.memory_space<hbm>>
      tpu.enqueue_indirect_dma source(%dma_start3A_20 : memref<20480x96xf32, #tpu.memory_space<hbm>>) target(%arg9 : memref<128x96xf32, #tpu.memory_space<vmem>>) offsets(%dma_start3A_17 : memref<128xi32, #tpu.memory_space<vmem>>) semaphore(%arg11 : memref<!tpu.dma_semaphore, #tpu.memory_space<semaphore_mem>>)
      %dma_wait3A = arith.constant 0 : i32
      %dma_wait3A_21 = tpu.memref_slice %arg7[%scan3A_15, %dma_wait3A] : memref<80x128xi32, #tpu.memory_space<vmem>> -> memref<1x128xi32, #tpu.memory_space<vmem>>
      %dma_wait3A_22 = tpu.memref_squeeze %dma_wait3A_21 : memref<1x128xi32, #tpu.memory_space<vmem>> -> memref<128xi32, #tpu.memory_space<vmem>>
      %dma_wait3A_23 = arith.constant 0 : i32
      %dma_wait3A_24 = arith.constant 0 : i32
      %dma_wait3A_25 = tpu.memref_slice %arg4[%dma_wait3A_23, %dma_wait3A_24] : memref<20480x96xf32, #tpu.memory_space<hbm>> -> memref<20480x96xf32, #tpu.memory_space<hbm>>
      tpu.wait_indirect_dma semaphore(%arg11 : memref<!tpu.dma_semaphore, #tpu.memory_space<semaphore_mem>>) src(%dma_wait3A_25 : memref<20480x96xf32, #tpu.memory_space<hbm>>) dst(%arg9 : memref<128x96xf32, #tpu.memory_space<vmem>>)
      "tpu.region"() ({
        %run_scoped3A = tpu.sem_alloc : memref<!tpu.dma_semaphore, #tpu.memory_space<semaphore_mem>>
        %dma_start3A_26 = arith.constant 0 : i32
        %dma_start3A_27 = tpu.memref_slice %arg8[%scan3A_15, %dma_start3A_26] : memref<80x128xi32, #tpu.memory_space<vmem>> -> memref<1x128xi32, #tpu.memory_space<vmem>>
        %dma_start3A_28 = tpu.memref_squeeze %dma_start3A_27 : memref<1x128xi32, #tpu.memory_space<vmem>> -> memref<128xi32, #tpu.memory_space<vmem>>
        %dma_start3A_29 = arith.constant 0 : i32
        %dma_start3A_30 = arith.constant 0 : i32
        %dma_start3A_31 = tpu.memref_slice %arg10[%dma_start3A_29, %dma_start3A_30] : memref<10240x96xf32, #tpu.memory_space<vmem_shared>> -> memref<10240x96xf32, #tpu.memory_space<vmem_shared>>
        tpu.enqueue_indirect_dma source(%arg9 : memref<128x96xf32, #tpu.memory_space<vmem>>) target(%dma_start3A_31 : memref<10240x96xf32, #tpu.memory_space<vmem_shared>>) offsets(%dma_start3A_28 : memref<128xi32, #tpu.memory_space<vmem>>) semaphore(%run_scoped3A : memref<!tpu.dma_semaphore, #tpu.memory_space<semaphore_mem>>) {add = true}
        %dma_wait3A_32 = arith.constant 0 : i32
        %dma_wait3A_33 = tpu.memref_slice %arg8[%scan3A_15, %dma_wait3A_32] : memref<80x128xi32, #tpu.memory_space<vmem>> -> memref<1x128xi32, #tpu.memory_space<vmem>>
        %dma_wait3A_34 = tpu.memref_squeeze %dma_wait3A_33 : memref<1x128xi32, #tpu.memory_space<vmem>> -> memref<128xi32, #tpu.memory_space<vmem>>
        %dma_wait3A_35 = arith.constant 0 : i32
        %dma_wait3A_36 = arith.constant 0 : i32
        %dma_wait3A_37 = tpu.memref_slice %arg10[%dma_wait3A_35, %dma_wait3A_36] : memref<10240x96xf32, #tpu.memory_space<vmem_shared>> -> memref<10240x96xf32, #tpu.memory_space<vmem_shared>>
        tpu.wait_indirect_dma semaphore(%run_scoped3A : memref<!tpu.dma_semaphore, #tpu.memory_space<semaphore_mem>>) src(%arg9 : memref<128x96xf32, #tpu.memory_space<vmem>>) dst(%dma_wait3A_37 : memref<10240x96xf32, #tpu.memory_space<vmem_shared>>)
        tpu.yield
      }) : () -> ()
    }
    %scan3A_7 = arith.constant 80 : i32
    %barrier3A_8 = arith.constant 0 : index
    tpu.barrier barrier_id(%barrier3A_8)
    %mul3A_9 = arith.constant 640 : i32
    %mul3A_10 = arith.muli %arg1, %mul3A_9 : i32
    %mul3A_11 = arith.constant 10240 : i32
    %mul3A_12 = arith.muli %arg0, %mul3A_11 : i32
    %mul3A_13 = arith.constant 640 : i32
    %mul3A_14 = arith.muli %arg1, %mul3A_13 : i32
    %add3A = arith.addi %mul3A_12, %mul3A_14 : i32
    "tpu.region"() ({
      %run_scoped3A = tpu.sem_alloc : memref<!tpu.dma_semaphore, #tpu.memory_space<semaphore_mem>>
      %dma_start3A = arith.constant 0 : i32
      %dma_start3A_15 = tpu.memref_slice %arg6[%add3A, %dma_start3A] : memref<20480x96xf32, #tpu.memory_space<hbm>> -> memref<640x96xf32, #tpu.memory_space<hbm>>
      %dma_start3A_16 = arith.constant 0 : i32
      %dma_start3A_17 = tpu.memref_slice %arg10[%mul3A_10, %dma_start3A_16] : memref<10240x96xf32, #tpu.memory_space<vmem_shared>> -> memref<640x96xf32, #tpu.memory_space<vmem_shared>>
      tpu.enqueue_dma source(%dma_start3A_17 : memref<640x96xf32, #tpu.memory_space<vmem_shared>>) target(%dma_start3A_15 : memref<640x96xf32, #tpu.memory_space<hbm>>) target_semaphore(%run_scoped3A : memref<!tpu.dma_semaphore, #tpu.memory_space<semaphore_mem>>)
      %dma_wait3A = arith.constant 0 : i32
      %dma_wait3A_18 = tpu.memref_slice %arg6[%add3A, %dma_wait3A] : memref<20480x96xf32, #tpu.memory_space<hbm>> -> memref<640x96xf32, #tpu.memory_space<hbm>>
      %dma_wait3A_19 = arith.constant 0 : i32
      %dma_wait3A_20 = tpu.memref_slice %arg10[%mul3A_10, %dma_wait3A_19] : memref<10240x96xf32, #tpu.memory_space<vmem_shared>> -> memref<640x96xf32, #tpu.memory_space<vmem_shared>>
      tpu.wait_dma2 semaphore(%run_scoped3A : memref<!tpu.dma_semaphore, #tpu.memory_space<semaphore_mem>>) src(%dma_wait3A_20 : memref<640x96xf32, #tpu.memory_space<vmem_shared>>) dst(%dma_wait3A_18 : memref<640x96xf32, #tpu.memory_space<hbm>>)
      tpu.yield
    }) : () -> ()
    return
  }
}

#map = affine_map<(d0, d1) -> (0, 0, 0, 0)>
#map1 = affine_map<(d0, d1) -> (0, 0, 0)>
#map2 = affine_map<(d0, d1) -> (0, 0)>
module attributes {stable_mosaic.version = 14 : i64} {
  func.func @_gcn_agg_kernel(%arg0: i32, %arg1: i32, %arg2: memref<2x16x80x128xi32, #tpu.memory_space<hbm>>, %arg3: memref<16x80x128xi32, #tpu.memory_space<hbm>>, %arg4: memref<20480x32xf32, #tpu.memory_space<hbm>>, %arg5: memref<10240x32xf32, #tpu.memory_space<hbm>>, %arg6: memref<20480x32xf32, #tpu.memory_space<hbm>>, %arg7: memref<80x128xi32, #tpu.memory_space<vmem>>, %arg8: memref<80x128xi32, #tpu.memory_space<vmem>>, %arg9: memref<128x32xf32, #tpu.memory_space<vmem>>, %arg10: memref<10240x32xf32, #tpu.memory_space<vmem_shared>>, %arg11: memref<!tpu.dma_semaphore, #tpu.memory_space<semaphore_mem>>) attributes {dimension_semantics = [#tpu.dimension_semantics<core_parallel>, #tpu.dimension_semantics<subcore_parallel>], iteration_bounds = array<i64: 2, 16>, scalar_prefetch = 0 : i64, scratch_operands = 5 : i64, tpu.core_type = #tpu.core_type<sc_vector_subcore>, window_params = [{transform_indices = #map}, {transform_indices = #map1}, {transform_indices = #map2}, {transform_indices = #map2}, {transform_indices = #map2}]} {
    "tpu.region"() ({
      %run_scoped3A = tpu.sem_alloc : memref<!tpu.dma_semaphore, #tpu.memory_space<semaphore_mem>>
      %dma_start3A = arith.constant 0 : i32
      %dma_start3A_15 = arith.constant 0 : i32
      %dma_start3A_16 = tpu.memref_slice %arg2[%arg0, %arg1, %dma_start3A, %dma_start3A_15] : memref<2x16x80x128xi32, #tpu.memory_space<hbm>> -> memref<1x1x80x128xi32, #tpu.memory_space<hbm>>
      %dma_start3A_17 = tpu.memref_squeeze %dma_start3A_16 : memref<1x1x80x128xi32, #tpu.memory_space<hbm>> -> memref<80x128xi32, #tpu.memory_space<hbm>>
      %dma_start3A_18 = arith.constant 0 : i32
      %dma_start3A_19 = arith.constant 0 : i32
      %dma_start3A_20 = tpu.memref_slice %arg2[%arg0, %arg1, %dma_start3A_18, %dma_start3A_19] : memref<2x16x80x128xi32, #tpu.memory_space<hbm>> -> memref<1x1x80x128xi32, #tpu.memory_space<hbm>>
      %dma_start3A_21 = tpu.memref_squeeze %dma_start3A_20 : memref<1x1x80x128xi32, #tpu.memory_space<hbm>> -> memref<80x128xi32, #tpu.memory_space<hbm>>
      tpu.enqueue_dma source(%dma_start3A_21 : memref<80x128xi32, #tpu.memory_space<hbm>>) target(%arg7 : memref<80x128xi32, #tpu.memory_space<vmem>>) target_semaphore(%run_scoped3A : memref<!tpu.dma_semaphore, #tpu.memory_space<semaphore_mem>>)
      %dma_wait3A = arith.constant 0 : i32
      %dma_wait3A_22 = arith.constant 0 : i32
      %dma_wait3A_23 = tpu.memref_slice %arg2[%arg0, %arg1, %dma_wait3A, %dma_wait3A_22] : memref<2x16x80x128xi32, #tpu.memory_space<hbm>> -> memref<1x1x80x128xi32, #tpu.memory_space<hbm>>
      %dma_wait3A_24 = tpu.memref_squeeze %dma_wait3A_23 : memref<1x1x80x128xi32, #tpu.memory_space<hbm>> -> memref<80x128xi32, #tpu.memory_space<hbm>>
      %dma_wait3A_25 = arith.constant 0 : i32
      %dma_wait3A_26 = arith.constant 0 : i32
      %dma_wait3A_27 = tpu.memref_slice %arg2[%arg0, %arg1, %dma_wait3A_25, %dma_wait3A_26] : memref<2x16x80x128xi32, #tpu.memory_space<hbm>> -> memref<1x1x80x128xi32, #tpu.memory_space<hbm>>
      %dma_wait3A_28 = tpu.memref_squeeze %dma_wait3A_27 : memref<1x1x80x128xi32, #tpu.memory_space<hbm>> -> memref<80x128xi32, #tpu.memory_space<hbm>>
      tpu.wait_dma2 semaphore(%run_scoped3A : memref<!tpu.dma_semaphore, #tpu.memory_space<semaphore_mem>>) src(%dma_wait3A_28 : memref<80x128xi32, #tpu.memory_space<hbm>>) dst(%arg7 : memref<80x128xi32, #tpu.memory_space<vmem>>)
      tpu.yield
    }) : () -> ()
    "tpu.region"() ({
      %run_scoped3A = tpu.sem_alloc : memref<!tpu.dma_semaphore, #tpu.memory_space<semaphore_mem>>
      %dma_start3A = arith.constant 0 : i32
      %dma_start3A_15 = arith.constant 0 : i32
      %dma_start3A_16 = tpu.memref_slice %arg3[%arg1, %dma_start3A, %dma_start3A_15] : memref<16x80x128xi32, #tpu.memory_space<hbm>> -> memref<1x80x128xi32, #tpu.memory_space<hbm>>
      %dma_start3A_17 = tpu.memref_squeeze %dma_start3A_16 : memref<1x80x128xi32, #tpu.memory_space<hbm>> -> memref<80x128xi32, #tpu.memory_space<hbm>>
      %dma_start3A_18 = arith.constant 0 : i32
      %dma_start3A_19 = arith.constant 0 : i32
      %dma_start3A_20 = tpu.memref_slice %arg3[%arg1, %dma_start3A_18, %dma_start3A_19] : memref<16x80x128xi32, #tpu.memory_space<hbm>> -> memref<1x80x128xi32, #tpu.memory_space<hbm>>
      %dma_start3A_21 = tpu.memref_squeeze %dma_start3A_20 : memref<1x80x128xi32, #tpu.memory_space<hbm>> -> memref<80x128xi32, #tpu.memory_space<hbm>>
      tpu.enqueue_dma source(%dma_start3A_21 : memref<80x128xi32, #tpu.memory_space<hbm>>) target(%arg8 : memref<80x128xi32, #tpu.memory_space<vmem>>) target_semaphore(%run_scoped3A : memref<!tpu.dma_semaphore, #tpu.memory_space<semaphore_mem>>)
      %dma_wait3A = arith.constant 0 : i32
      %dma_wait3A_22 = arith.constant 0 : i32
      %dma_wait3A_23 = tpu.memref_slice %arg3[%arg1, %dma_wait3A, %dma_wait3A_22] : memref<16x80x128xi32, #tpu.memory_space<hbm>> -> memref<1x80x128xi32, #tpu.memory_space<hbm>>
      %dma_wait3A_24 = tpu.memref_squeeze %dma_wait3A_23 : memref<1x80x128xi32, #tpu.memory_space<hbm>> -> memref<80x128xi32, #tpu.memory_space<hbm>>
      %dma_wait3A_25 = arith.constant 0 : i32
      %dma_wait3A_26 = arith.constant 0 : i32
      %dma_wait3A_27 = tpu.memref_slice %arg3[%arg1, %dma_wait3A_25, %dma_wait3A_26] : memref<16x80x128xi32, #tpu.memory_space<hbm>> -> memref<1x80x128xi32, #tpu.memory_space<hbm>>
      %dma_wait3A_28 = tpu.memref_squeeze %dma_wait3A_27 : memref<1x80x128xi32, #tpu.memory_space<hbm>> -> memref<80x128xi32, #tpu.memory_space<hbm>>
      tpu.wait_dma2 semaphore(%run_scoped3A : memref<!tpu.dma_semaphore, #tpu.memory_space<semaphore_mem>>) src(%dma_wait3A_28 : memref<80x128xi32, #tpu.memory_space<hbm>>) dst(%arg8 : memref<80x128xi32, #tpu.memory_space<vmem>>)
      tpu.yield
    }) : () -> ()
    %mul3A = arith.constant 640 : i32
    %mul3A_0 = arith.muli %arg1, %mul3A : i32
    %mul3A_1 = arith.constant 640 : i32
    %mul3A_2 = arith.muli %arg1, %mul3A_1 : i32
    "tpu.region"() ({
      %run_scoped3A = tpu.sem_alloc : memref<!tpu.dma_semaphore, #tpu.memory_space<semaphore_mem>>
      %dma_start3A = arith.constant 0 : i32
      %dma_start3A_15 = tpu.memref_slice %arg10[%mul3A_2, %dma_start3A] : memref<10240x32xf32, #tpu.memory_space<vmem_shared>> -> memref<640x32xf32, #tpu.memory_space<vmem_shared>>
      %dma_start3A_16 = arith.constant 0 : i32
      %dma_start3A_17 = tpu.memref_slice %arg5[%mul3A_0, %dma_start3A_16] : memref<10240x32xf32, #tpu.memory_space<hbm>> -> memref<640x32xf32, #tpu.memory_space<hbm>>
      tpu.enqueue_dma source(%dma_start3A_17 : memref<640x32xf32, #tpu.memory_space<hbm>>) target(%dma_start3A_15 : memref<640x32xf32, #tpu.memory_space<vmem_shared>>) target_semaphore(%run_scoped3A : memref<!tpu.dma_semaphore, #tpu.memory_space<semaphore_mem>>)
      %dma_wait3A = arith.constant 0 : i32
      %dma_wait3A_18 = tpu.memref_slice %arg10[%mul3A_2, %dma_wait3A] : memref<10240x32xf32, #tpu.memory_space<vmem_shared>> -> memref<640x32xf32, #tpu.memory_space<vmem_shared>>
      %dma_wait3A_19 = arith.constant 0 : i32
      %dma_wait3A_20 = tpu.memref_slice %arg5[%mul3A_0, %dma_wait3A_19] : memref<10240x32xf32, #tpu.memory_space<hbm>> -> memref<640x32xf32, #tpu.memory_space<hbm>>
      tpu.wait_dma2 semaphore(%run_scoped3A : memref<!tpu.dma_semaphore, #tpu.memory_space<semaphore_mem>>) src(%dma_wait3A_20 : memref<640x32xf32, #tpu.memory_space<hbm>>) dst(%dma_wait3A_18 : memref<640x32xf32, #tpu.memory_space<vmem_shared>>)
      tpu.yield
    }) : () -> ()
    %barrier3A = arith.constant 0 : index
    tpu.barrier barrier_id(%barrier3A)
    %scan3A = arith.constant 0 : i32
    %scan3A_3 = arith.constant 0 : i32
    %scan3A_4 = arith.constant 80 : i32
    %scan3A_5 = arith.addi %scan3A_3, %scan3A_4 : i32
    %scan3A_6 = arith.constant 1 : i32
    scf.for %scan3A_15 = %scan3A_3 to %scan3A_5 step %scan3A_6  : i32 {
      %dma_start3A = arith.constant 0 : i32
      %dma_start3A_16 = tpu.memref_slice %arg7[%scan3A_15, %dma_start3A] : memref<80x128xi32, #tpu.memory_space<vmem>> -> memref<1x128xi32, #tpu.memory_space<vmem>>
      %dma_start3A_17 = tpu.memref_squeeze %dma_start3A_16 : memref<1x128xi32, #tpu.memory_space<vmem>> -> memref<128xi32, #tpu.memory_space<vmem>>
      %dma_start3A_18 = arith.constant 0 : i32
      %dma_start3A_19 = arith.constant 0 : i32
      %dma_start3A_20 = tpu.memref_slice %arg4[%dma_start3A_18, %dma_start3A_19] : memref<20480x32xf32, #tpu.memory_space<hbm>> -> memref<20480x32xf32, #tpu.memory_space<hbm>>
      tpu.enqueue_indirect_dma source(%dma_start3A_20 : memref<20480x32xf32, #tpu.memory_space<hbm>>) target(%arg9 : memref<128x32xf32, #tpu.memory_space<vmem>>) offsets(%dma_start3A_17 : memref<128xi32, #tpu.memory_space<vmem>>) semaphore(%arg11 : memref<!tpu.dma_semaphore, #tpu.memory_space<semaphore_mem>>)
      %dma_wait3A = arith.constant 0 : i32
      %dma_wait3A_21 = tpu.memref_slice %arg7[%scan3A_15, %dma_wait3A] : memref<80x128xi32, #tpu.memory_space<vmem>> -> memref<1x128xi32, #tpu.memory_space<vmem>>
      %dma_wait3A_22 = tpu.memref_squeeze %dma_wait3A_21 : memref<1x128xi32, #tpu.memory_space<vmem>> -> memref<128xi32, #tpu.memory_space<vmem>>
      %dma_wait3A_23 = arith.constant 0 : i32
      %dma_wait3A_24 = arith.constant 0 : i32
      %dma_wait3A_25 = tpu.memref_slice %arg4[%dma_wait3A_23, %dma_wait3A_24] : memref<20480x32xf32, #tpu.memory_space<hbm>> -> memref<20480x32xf32, #tpu.memory_space<hbm>>
      tpu.wait_indirect_dma semaphore(%arg11 : memref<!tpu.dma_semaphore, #tpu.memory_space<semaphore_mem>>) src(%dma_wait3A_25 : memref<20480x32xf32, #tpu.memory_space<hbm>>) dst(%arg9 : memref<128x32xf32, #tpu.memory_space<vmem>>)
      "tpu.region"() ({
        %run_scoped3A = tpu.sem_alloc : memref<!tpu.dma_semaphore, #tpu.memory_space<semaphore_mem>>
        %dma_start3A_26 = arith.constant 0 : i32
        %dma_start3A_27 = tpu.memref_slice %arg8[%scan3A_15, %dma_start3A_26] : memref<80x128xi32, #tpu.memory_space<vmem>> -> memref<1x128xi32, #tpu.memory_space<vmem>>
        %dma_start3A_28 = tpu.memref_squeeze %dma_start3A_27 : memref<1x128xi32, #tpu.memory_space<vmem>> -> memref<128xi32, #tpu.memory_space<vmem>>
        %dma_start3A_29 = arith.constant 0 : i32
        %dma_start3A_30 = arith.constant 0 : i32
        %dma_start3A_31 = tpu.memref_slice %arg10[%dma_start3A_29, %dma_start3A_30] : memref<10240x32xf32, #tpu.memory_space<vmem_shared>> -> memref<10240x32xf32, #tpu.memory_space<vmem_shared>>
        tpu.enqueue_indirect_dma source(%arg9 : memref<128x32xf32, #tpu.memory_space<vmem>>) target(%dma_start3A_31 : memref<10240x32xf32, #tpu.memory_space<vmem_shared>>) offsets(%dma_start3A_28 : memref<128xi32, #tpu.memory_space<vmem>>) semaphore(%run_scoped3A : memref<!tpu.dma_semaphore, #tpu.memory_space<semaphore_mem>>) {add = true}
        %dma_wait3A_32 = arith.constant 0 : i32
        %dma_wait3A_33 = tpu.memref_slice %arg8[%scan3A_15, %dma_wait3A_32] : memref<80x128xi32, #tpu.memory_space<vmem>> -> memref<1x128xi32, #tpu.memory_space<vmem>>
        %dma_wait3A_34 = tpu.memref_squeeze %dma_wait3A_33 : memref<1x128xi32, #tpu.memory_space<vmem>> -> memref<128xi32, #tpu.memory_space<vmem>>
        %dma_wait3A_35 = arith.constant 0 : i32
        %dma_wait3A_36 = arith.constant 0 : i32
        %dma_wait3A_37 = tpu.memref_slice %arg10[%dma_wait3A_35, %dma_wait3A_36] : memref<10240x32xf32, #tpu.memory_space<vmem_shared>> -> memref<10240x32xf32, #tpu.memory_space<vmem_shared>>
        tpu.wait_indirect_dma semaphore(%run_scoped3A : memref<!tpu.dma_semaphore, #tpu.memory_space<semaphore_mem>>) src(%arg9 : memref<128x32xf32, #tpu.memory_space<vmem>>) dst(%dma_wait3A_37 : memref<10240x32xf32, #tpu.memory_space<vmem_shared>>)
        tpu.yield
      }) : () -> ()
    }
    %scan3A_7 = arith.constant 80 : i32
    %barrier3A_8 = arith.constant 0 : index
    tpu.barrier barrier_id(%barrier3A_8)
    %mul3A_9 = arith.constant 640 : i32
    %mul3A_10 = arith.muli %arg1, %mul3A_9 : i32
    %mul3A_11 = arith.constant 10240 : i32
    %mul3A_12 = arith.muli %arg0, %mul3A_11 : i32
    %mul3A_13 = arith.constant 640 : i32
    %mul3A_14 = arith.muli %arg1, %mul3A_13 : i32
    %add3A = arith.addi %mul3A_12, %mul3A_14 : i32
    "tpu.region"() ({
      %run_scoped3A = tpu.sem_alloc : memref<!tpu.dma_semaphore, #tpu.memory_space<semaphore_mem>>
      %dma_start3A = arith.constant 0 : i32
      %dma_start3A_15 = tpu.memref_slice %arg6[%add3A, %dma_start3A] : memref<20480x32xf32, #tpu.memory_space<hbm>> -> memref<640x32xf32, #tpu.memory_space<hbm>>
      %dma_start3A_16 = arith.constant 0 : i32
      %dma_start3A_17 = tpu.memref_slice %arg10[%mul3A_10, %dma_start3A_16] : memref<10240x32xf32, #tpu.memory_space<vmem_shared>> -> memref<640x32xf32, #tpu.memory_space<vmem_shared>>
      tpu.enqueue_dma source(%dma_start3A_17 : memref<640x32xf32, #tpu.memory_space<vmem_shared>>) target(%dma_start3A_15 : memref<640x32xf32, #tpu.memory_space<hbm>>) target_semaphore(%run_scoped3A : memref<!tpu.dma_semaphore, #tpu.memory_space<semaphore_mem>>)
      %dma_wait3A = arith.constant 0 : i32
      %dma_wait3A_18 = tpu.memref_slice %arg6[%add3A, %dma_wait3A] : memref<20480x32xf32, #tpu.memory_space<hbm>> -> memref<640x32xf32, #tpu.memory_space<hbm>>
      %dma_wait3A_19 = arith.constant 0 : i32
      %dma_wait3A_20 = tpu.memref_slice %arg10[%mul3A_10, %dma_wait3A_19] : memref<10240x32xf32, #tpu.memory_space<vmem_shared>> -> memref<640x32xf32, #tpu.memory_space<vmem_shared>>
      tpu.wait_dma2 semaphore(%run_scoped3A : memref<!tpu.dma_semaphore, #tpu.memory_space<semaphore_mem>>) src(%dma_wait3A_20 : memref<640x32xf32, #tpu.memory_space<vmem_shared>>) dst(%dma_wait3A_18 : memref<640x32xf32, #tpu.memory_space<hbm>>)
      tpu.yield
    }) : () -> ()
    return
  }
}

#map = affine_map<(d0, d1) -> (0, 0, 0, 0)>
#map1 = affine_map<(d0, d1) -> (0, 0, 0)>
#map2 = affine_map<(d0, d1) -> (0, 0)>
module attributes {stable_mosaic.version = 14 : i64} {
  func.func @_gcn_agg_kernel(%arg0: i32, %arg1: i32, %arg2: memref<2x16x80x128xi32, #tpu.memory_space<hbm>>, %arg3: memref<16x80x128xi32, #tpu.memory_space<hbm>>, %arg4: memref<20480x48xf32, #tpu.memory_space<hbm>>, %arg5: memref<10240x48xf32, #tpu.memory_space<hbm>>, %arg6: memref<20480x48xf32, #tpu.memory_space<hbm>>, %arg7: memref<80x128xi32, #tpu.memory_space<vmem>>, %arg8: memref<80x128xi32, #tpu.memory_space<vmem>>, %arg9: memref<128x48xf32, #tpu.memory_space<vmem>>, %arg10: memref<10240x48xf32, #tpu.memory_space<vmem_shared>>, %arg11: memref<!tpu.dma_semaphore, #tpu.memory_space<semaphore_mem>>) attributes {dimension_semantics = [#tpu.dimension_semantics<core_parallel>, #tpu.dimension_semantics<subcore_parallel>], iteration_bounds = array<i64: 2, 16>, scalar_prefetch = 0 : i64, scratch_operands = 5 : i64, tpu.core_type = #tpu.core_type<sc_vector_subcore>, window_params = [{transform_indices = #map}, {transform_indices = #map1}, {transform_indices = #map2}, {transform_indices = #map2}, {transform_indices = #map2}]} {
    "tpu.region"() ({
      %run_scoped3A = tpu.sem_alloc : memref<!tpu.dma_semaphore, #tpu.memory_space<semaphore_mem>>
      %dma_start3A = arith.constant 0 : i32
      %dma_start3A_15 = arith.constant 0 : i32
      %dma_start3A_16 = tpu.memref_slice %arg2[%arg0, %arg1, %dma_start3A, %dma_start3A_15] : memref<2x16x80x128xi32, #tpu.memory_space<hbm>> -> memref<1x1x80x128xi32, #tpu.memory_space<hbm>>
      %dma_start3A_17 = tpu.memref_squeeze %dma_start3A_16 : memref<1x1x80x128xi32, #tpu.memory_space<hbm>> -> memref<80x128xi32, #tpu.memory_space<hbm>>
      %dma_start3A_18 = arith.constant 0 : i32
      %dma_start3A_19 = arith.constant 0 : i32
      %dma_start3A_20 = tpu.memref_slice %arg2[%arg0, %arg1, %dma_start3A_18, %dma_start3A_19] : memref<2x16x80x128xi32, #tpu.memory_space<hbm>> -> memref<1x1x80x128xi32, #tpu.memory_space<hbm>>
      %dma_start3A_21 = tpu.memref_squeeze %dma_start3A_20 : memref<1x1x80x128xi32, #tpu.memory_space<hbm>> -> memref<80x128xi32, #tpu.memory_space<hbm>>
      tpu.enqueue_dma source(%dma_start3A_21 : memref<80x128xi32, #tpu.memory_space<hbm>>) target(%arg7 : memref<80x128xi32, #tpu.memory_space<vmem>>) target_semaphore(%run_scoped3A : memref<!tpu.dma_semaphore, #tpu.memory_space<semaphore_mem>>)
      %dma_wait3A = arith.constant 0 : i32
      %dma_wait3A_22 = arith.constant 0 : i32
      %dma_wait3A_23 = tpu.memref_slice %arg2[%arg0, %arg1, %dma_wait3A, %dma_wait3A_22] : memref<2x16x80x128xi32, #tpu.memory_space<hbm>> -> memref<1x1x80x128xi32, #tpu.memory_space<hbm>>
      %dma_wait3A_24 = tpu.memref_squeeze %dma_wait3A_23 : memref<1x1x80x128xi32, #tpu.memory_space<hbm>> -> memref<80x128xi32, #tpu.memory_space<hbm>>
      %dma_wait3A_25 = arith.constant 0 : i32
      %dma_wait3A_26 = arith.constant 0 : i32
      %dma_wait3A_27 = tpu.memref_slice %arg2[%arg0, %arg1, %dma_wait3A_25, %dma_wait3A_26] : memref<2x16x80x128xi32, #tpu.memory_space<hbm>> -> memref<1x1x80x128xi32, #tpu.memory_space<hbm>>
      %dma_wait3A_28 = tpu.memref_squeeze %dma_wait3A_27 : memref<1x1x80x128xi32, #tpu.memory_space<hbm>> -> memref<80x128xi32, #tpu.memory_space<hbm>>
      tpu.wait_dma2 semaphore(%run_scoped3A : memref<!tpu.dma_semaphore, #tpu.memory_space<semaphore_mem>>) src(%dma_wait3A_28 : memref<80x128xi32, #tpu.memory_space<hbm>>) dst(%arg7 : memref<80x128xi32, #tpu.memory_space<vmem>>)
      tpu.yield
    }) : () -> ()
    "tpu.region"() ({
      %run_scoped3A = tpu.sem_alloc : memref<!tpu.dma_semaphore, #tpu.memory_space<semaphore_mem>>
      %dma_start3A = arith.constant 0 : i32
      %dma_start3A_15 = arith.constant 0 : i32
      %dma_start3A_16 = tpu.memref_slice %arg3[%arg1, %dma_start3A, %dma_start3A_15] : memref<16x80x128xi32, #tpu.memory_space<hbm>> -> memref<1x80x128xi32, #tpu.memory_space<hbm>>
      %dma_start3A_17 = tpu.memref_squeeze %dma_start3A_16 : memref<1x80x128xi32, #tpu.memory_space<hbm>> -> memref<80x128xi32, #tpu.memory_space<hbm>>
      %dma_start3A_18 = arith.constant 0 : i32
      %dma_start3A_19 = arith.constant 0 : i32
      %dma_start3A_20 = tpu.memref_slice %arg3[%arg1, %dma_start3A_18, %dma_start3A_19] : memref<16x80x128xi32, #tpu.memory_space<hbm>> -> memref<1x80x128xi32, #tpu.memory_space<hbm>>
      %dma_start3A_21 = tpu.memref_squeeze %dma_start3A_20 : memref<1x80x128xi32, #tpu.memory_space<hbm>> -> memref<80x128xi32, #tpu.memory_space<hbm>>
      tpu.enqueue_dma source(%dma_start3A_21 : memref<80x128xi32, #tpu.memory_space<hbm>>) target(%arg8 : memref<80x128xi32, #tpu.memory_space<vmem>>) target_semaphore(%run_scoped3A : memref<!tpu.dma_semaphore, #tpu.memory_space<semaphore_mem>>)
      %dma_wait3A = arith.constant 0 : i32
      %dma_wait3A_22 = arith.constant 0 : i32
      %dma_wait3A_23 = tpu.memref_slice %arg3[%arg1, %dma_wait3A, %dma_wait3A_22] : memref<16x80x128xi32, #tpu.memory_space<hbm>> -> memref<1x80x128xi32, #tpu.memory_space<hbm>>
      %dma_wait3A_24 = tpu.memref_squeeze %dma_wait3A_23 : memref<1x80x128xi32, #tpu.memory_space<hbm>> -> memref<80x128xi32, #tpu.memory_space<hbm>>
      %dma_wait3A_25 = arith.constant 0 : i32
      %dma_wait3A_26 = arith.constant 0 : i32
      %dma_wait3A_27 = tpu.memref_slice %arg3[%arg1, %dma_wait3A_25, %dma_wait3A_26] : memref<16x80x128xi32, #tpu.memory_space<hbm>> -> memref<1x80x128xi32, #tpu.memory_space<hbm>>
      %dma_wait3A_28 = tpu.memref_squeeze %dma_wait3A_27 : memref<1x80x128xi32, #tpu.memory_space<hbm>> -> memref<80x128xi32, #tpu.memory_space<hbm>>
      tpu.wait_dma2 semaphore(%run_scoped3A : memref<!tpu.dma_semaphore, #tpu.memory_space<semaphore_mem>>) src(%dma_wait3A_28 : memref<80x128xi32, #tpu.memory_space<hbm>>) dst(%arg8 : memref<80x128xi32, #tpu.memory_space<vmem>>)
      tpu.yield
    }) : () -> ()
    %mul3A = arith.constant 640 : i32
    %mul3A_0 = arith.muli %arg1, %mul3A : i32
    %mul3A_1 = arith.constant 640 : i32
    %mul3A_2 = arith.muli %arg1, %mul3A_1 : i32
    "tpu.region"() ({
      %run_scoped3A = tpu.sem_alloc : memref<!tpu.dma_semaphore, #tpu.memory_space<semaphore_mem>>
      %dma_start3A = arith.constant 0 : i32
      %dma_start3A_15 = tpu.memref_slice %arg10[%mul3A_2, %dma_start3A] : memref<10240x48xf32, #tpu.memory_space<vmem_shared>> -> memref<640x48xf32, #tpu.memory_space<vmem_shared>>
      %dma_start3A_16 = arith.constant 0 : i32
      %dma_start3A_17 = tpu.memref_slice %arg5[%mul3A_0, %dma_start3A_16] : memref<10240x48xf32, #tpu.memory_space<hbm>> -> memref<640x48xf32, #tpu.memory_space<hbm>>
      tpu.enqueue_dma source(%dma_start3A_17 : memref<640x48xf32, #tpu.memory_space<hbm>>) target(%dma_start3A_15 : memref<640x48xf32, #tpu.memory_space<vmem_shared>>) target_semaphore(%run_scoped3A : memref<!tpu.dma_semaphore, #tpu.memory_space<semaphore_mem>>)
      %dma_wait3A = arith.constant 0 : i32
      %dma_wait3A_18 = tpu.memref_slice %arg10[%mul3A_2, %dma_wait3A] : memref<10240x48xf32, #tpu.memory_space<vmem_shared>> -> memref<640x48xf32, #tpu.memory_space<vmem_shared>>
      %dma_wait3A_19 = arith.constant 0 : i32
      %dma_wait3A_20 = tpu.memref_slice %arg5[%mul3A_0, %dma_wait3A_19] : memref<10240x48xf32, #tpu.memory_space<hbm>> -> memref<640x48xf32, #tpu.memory_space<hbm>>
      tpu.wait_dma2 semaphore(%run_scoped3A : memref<!tpu.dma_semaphore, #tpu.memory_space<semaphore_mem>>) src(%dma_wait3A_20 : memref<640x48xf32, #tpu.memory_space<hbm>>) dst(%dma_wait3A_18 : memref<640x48xf32, #tpu.memory_space<vmem_shared>>)
      tpu.yield
    }) : () -> ()
    %barrier3A = arith.constant 0 : index
    tpu.barrier barrier_id(%barrier3A)
    %scan3A = arith.constant 0 : i32
    %scan3A_3 = arith.constant 0 : i32
    %scan3A_4 = arith.constant 80 : i32
    %scan3A_5 = arith.addi %scan3A_3, %scan3A_4 : i32
    %scan3A_6 = arith.constant 1 : i32
    scf.for %scan3A_15 = %scan3A_3 to %scan3A_5 step %scan3A_6  : i32 {
      %dma_start3A = arith.constant 0 : i32
      %dma_start3A_16 = tpu.memref_slice %arg7[%scan3A_15, %dma_start3A] : memref<80x128xi32, #tpu.memory_space<vmem>> -> memref<1x128xi32, #tpu.memory_space<vmem>>
      %dma_start3A_17 = tpu.memref_squeeze %dma_start3A_16 : memref<1x128xi32, #tpu.memory_space<vmem>> -> memref<128xi32, #tpu.memory_space<vmem>>
      %dma_start3A_18 = arith.constant 0 : i32
      %dma_start3A_19 = arith.constant 0 : i32
      %dma_start3A_20 = tpu.memref_slice %arg4[%dma_start3A_18, %dma_start3A_19] : memref<20480x48xf32, #tpu.memory_space<hbm>> -> memref<20480x48xf32, #tpu.memory_space<hbm>>
      tpu.enqueue_indirect_dma source(%dma_start3A_20 : memref<20480x48xf32, #tpu.memory_space<hbm>>) target(%arg9 : memref<128x48xf32, #tpu.memory_space<vmem>>) offsets(%dma_start3A_17 : memref<128xi32, #tpu.memory_space<vmem>>) semaphore(%arg11 : memref<!tpu.dma_semaphore, #tpu.memory_space<semaphore_mem>>)
      %dma_wait3A = arith.constant 0 : i32
      %dma_wait3A_21 = tpu.memref_slice %arg7[%scan3A_15, %dma_wait3A] : memref<80x128xi32, #tpu.memory_space<vmem>> -> memref<1x128xi32, #tpu.memory_space<vmem>>
      %dma_wait3A_22 = tpu.memref_squeeze %dma_wait3A_21 : memref<1x128xi32, #tpu.memory_space<vmem>> -> memref<128xi32, #tpu.memory_space<vmem>>
      %dma_wait3A_23 = arith.constant 0 : i32
      %dma_wait3A_24 = arith.constant 0 : i32
      %dma_wait3A_25 = tpu.memref_slice %arg4[%dma_wait3A_23, %dma_wait3A_24] : memref<20480x48xf32, #tpu.memory_space<hbm>> -> memref<20480x48xf32, #tpu.memory_space<hbm>>
      tpu.wait_indirect_dma semaphore(%arg11 : memref<!tpu.dma_semaphore, #tpu.memory_space<semaphore_mem>>) src(%dma_wait3A_25 : memref<20480x48xf32, #tpu.memory_space<hbm>>) dst(%arg9 : memref<128x48xf32, #tpu.memory_space<vmem>>)
      "tpu.region"() ({
        %run_scoped3A = tpu.sem_alloc : memref<!tpu.dma_semaphore, #tpu.memory_space<semaphore_mem>>
        %dma_start3A_26 = arith.constant 0 : i32
        %dma_start3A_27 = tpu.memref_slice %arg8[%scan3A_15, %dma_start3A_26] : memref<80x128xi32, #tpu.memory_space<vmem>> -> memref<1x128xi32, #tpu.memory_space<vmem>>
        %dma_start3A_28 = tpu.memref_squeeze %dma_start3A_27 : memref<1x128xi32, #tpu.memory_space<vmem>> -> memref<128xi32, #tpu.memory_space<vmem>>
        %dma_start3A_29 = arith.constant 0 : i32
        %dma_start3A_30 = arith.constant 0 : i32
        %dma_start3A_31 = tpu.memref_slice %arg10[%dma_start3A_29, %dma_start3A_30] : memref<10240x48xf32, #tpu.memory_space<vmem_shared>> -> memref<10240x48xf32, #tpu.memory_space<vmem_shared>>
        tpu.enqueue_indirect_dma source(%arg9 : memref<128x48xf32, #tpu.memory_space<vmem>>) target(%dma_start3A_31 : memref<10240x48xf32, #tpu.memory_space<vmem_shared>>) offsets(%dma_start3A_28 : memref<128xi32, #tpu.memory_space<vmem>>) semaphore(%run_scoped3A : memref<!tpu.dma_semaphore, #tpu.memory_space<semaphore_mem>>) {add = true}
        %dma_wait3A_32 = arith.constant 0 : i32
        %dma_wait3A_33 = tpu.memref_slice %arg8[%scan3A_15, %dma_wait3A_32] : memref<80x128xi32, #tpu.memory_space<vmem>> -> memref<1x128xi32, #tpu.memory_space<vmem>>
        %dma_wait3A_34 = tpu.memref_squeeze %dma_wait3A_33 : memref<1x128xi32, #tpu.memory_space<vmem>> -> memref<128xi32, #tpu.memory_space<vmem>>
        %dma_wait3A_35 = arith.constant 0 : i32
        %dma_wait3A_36 = arith.constant 0 : i32
        %dma_wait3A_37 = tpu.memref_slice %arg10[%dma_wait3A_35, %dma_wait3A_36] : memref<10240x48xf32, #tpu.memory_space<vmem_shared>> -> memref<10240x48xf32, #tpu.memory_space<vmem_shared>>
        tpu.wait_indirect_dma semaphore(%run_scoped3A : memref<!tpu.dma_semaphore, #tpu.memory_space<semaphore_mem>>) src(%arg9 : memref<128x48xf32, #tpu.memory_space<vmem>>) dst(%dma_wait3A_37 : memref<10240x48xf32, #tpu.memory_space<vmem_shared>>)
        tpu.yield
      }) : () -> ()
    }
    %scan3A_7 = arith.constant 80 : i32
    %barrier3A_8 = arith.constant 0 : index
    tpu.barrier barrier_id(%barrier3A_8)
    %mul3A_9 = arith.constant 640 : i32
    %mul3A_10 = arith.muli %arg1, %mul3A_9 : i32
    %mul3A_11 = arith.constant 10240 : i32
    %mul3A_12 = arith.muli %arg0, %mul3A_11 : i32
    %mul3A_13 = arith.constant 640 : i32
    %mul3A_14 = arith.muli %arg1, %mul3A_13 : i32
    %add3A = arith.addi %mul3A_12, %mul3A_14 : i32
    "tpu.region"() ({
      %run_scoped3A = tpu.sem_alloc : memref<!tpu.dma_semaphore, #tpu.memory_space<semaphore_mem>>
      %dma_start3A = arith.constant 0 : i32
      %dma_start3A_15 = tpu.memref_slice %arg6[%add3A, %dma_start3A] : memref<20480x48xf32, #tpu.memory_space<hbm>> -> memref<640x48xf32, #tpu.memory_space<hbm>>
      %dma_start3A_16 = arith.constant 0 : i32
      %dma_start3A_17 = tpu.memref_slice %arg10[%mul3A_10, %dma_start3A_16] : memref<10240x48xf32, #tpu.memory_space<vmem_shared>> -> memref<640x48xf32, #tpu.memory_space<vmem_shared>>
      tpu.enqueue_dma source(%dma_start3A_17 : memref<640x48xf32, #tpu.memory_space<vmem_shared>>) target(%dma_start3A_15 : memref<640x48xf32, #tpu.memory_space<hbm>>) target_semaphore(%run_scoped3A : memref<!tpu.dma_semaphore, #tpu.memory_space<semaphore_mem>>)
      %dma_wait3A = arith.constant 0 : i32
      %dma_wait3A_18 = tpu.memref_slice %arg6[%add3A, %dma_wait3A] : memref<20480x48xf32, #tpu.memory_space<hbm>> -> memref<640x48xf32, #tpu.memory_space<hbm>>
      %dma_wait3A_19 = arith.constant 0 : i32
      %dma_wait3A_20 = tpu.memref_slice %arg10[%mul3A_10, %dma_wait3A_19] : memref<10240x48xf32, #tpu.memory_space<vmem_shared>> -> memref<640x48xf32, #tpu.memory_space<vmem_shared>>
      tpu.wait_dma2 semaphore(%run_scoped3A : memref<!tpu.dma_semaphore, #tpu.memory_space<semaphore_mem>>) src(%dma_wait3A_20 : memref<640x48xf32, #tpu.memory_space<vmem_shared>>) dst(%dma_wait3A_18 : memref<640x48xf32, #tpu.memory_space<hbm>>)
      tpu.yield
    }) : () -> ()
    return
  }
}

module attributes {stable_mosaic.version = 14 : i64} {
  func.func @_mm_bias_kernel(%arg0: i32, %arg1: i32, %arg2: i32, %arg3: memref<400x1280xf32, #tpu.memory_space<vmem>>, %arg4: memref<1280x640xf32, #tpu.memory_space<vmem>>, %arg5: memref<1x640xf32, #tpu.memory_space<vmem>>, %arg6: memref<400x640xf32, #tpu.memory_space<vmem>>, %arg7: memref<400x640xf32, #tpu.memory_space<vmem>>) attributes {dimension_semantics = [#tpu.dimension_semantics<arbitrary>, #tpu.dimension_semantics<arbitrary>, #tpu.dimension_semantics<arbitrary>], iteration_bounds = array<i64: 25, 4, 7>, scalar_prefetch = 0 : i64, scratch_operands = 1 : i64, tpu.core_type = #tpu.core_type<tc>, window_params = [{transform_indices = @transform_0, window_bounds = array<i64: 400, 1280>}, {transform_indices = @transform_1, window_bounds = array<i64: 1280, 640>}, {transform_indices = @transform_2, window_bounds = array<i64: 1, 640>}, {transform_indices = @transform_3, window_bounds = array<i64: 400, 640>}]} {
    %eq3A = arith.constant 0 : i32
    %eq3A_0 = arith.cmpi eq, %arg2, %eq3A : i32
    %convert_element_type3A = arith.extui %eq3A_0 : i1 to i32
    %cond3A = arith.constant 0 : i32
    %cond3A_1 = arith.cmpi ne, %convert_element_type3A, %cond3A : i32
    scf.if %cond3A_1 {
      %broadcast_in_dim3A = arith.constant 0.000000e+00 : f32
      %broadcast_in_dim3A_18 = vector.broadcast %broadcast_in_dim3A : f32 to vector<400x640xf32>
      %swap3A_19 = arith.constant 0 : index
      %swap3A_20 = arith.constant 0 : index
      %swap3A_21 = vector.load %arg7[%swap3A_19, %swap3A_20] : memref<400x640xf32, #tpu.memory_space<vmem>>, vector<400x640xf32>
      tpu.vector_store %arg7[%swap3A_19, %swap3A_20], %broadcast_in_dim3A_18 {strides = array<i32>} : memref<400x640xf32, #tpu.memory_space<vmem>>, vector<400x640xf32>,
    } else {
    }
    %get3A = arith.constant 0 : index
    %get3A_2 = arith.constant 0 : index
    %get3A_3 = vector.load %arg7[%get3A, %get3A_2] : memref<400x640xf32, #tpu.memory_space<vmem>>, vector<400x640xf32>
    %get3A_4 = arith.constant 0 : index
    %get3A_5 = arith.constant 0 : index
    %get3A_6 = vector.load %arg3[%get3A_4, %get3A_5] : memref<400x1280xf32, #tpu.memory_space<vmem>>, vector<400x1280xf32>
    %get3A_7 = arith.constant 0 : index
    %get3A_8 = arith.constant 0 : index
    %get3A_9 = vector.load %arg4[%get3A_7, %get3A_8] : memref<1280x640xf32, #tpu.memory_space<vmem>>, vector<1280x640xf32>
    %dot_general3A = arith.constant dense<0.000000e+00> : vector<400x640xf32>
    %dot_general3A_10 = tpu.matmul %get3A_6, %get3A_9, %dot_general3A {dimension_numbers = #tpu.dot_dimension_numbers<[1], [0], [0], [1], [0, 0, 1, 1], [], []>, transpose_lhs_hint = false} : vector<400x1280xf32>, vector<1280x640xf32>, vector<400x640xf32> -> vector<400x640xf32>
    %add3A = arith.addf %get3A_3, %dot_general3A_10 : vector<400x640xf32>
    %swap3A = arith.constant 0 : index
    %swap3A_11 = arith.constant 0 : index
    %swap3A_12 = vector.load %arg7[%swap3A, %swap3A_11] : memref<400x640xf32, #tpu.memory_space<vmem>>, vector<400x640xf32>
    tpu.vector_store %arg7[%swap3A, %swap3A_11], %add3A {strides = array<i32>} : memref<400x640xf32, #tpu.memory_space<vmem>>, vector<400x640xf32>,
    %eq3A_13 = arith.constant 6 : i32
    %eq3A_14 = arith.cmpi eq, %arg2, %eq3A_13 : i32
    %convert_element_type3A_15 = arith.extui %eq3A_14 : i1 to i32
    %cond3A_16 = arith.constant 0 : i32
    %cond3A_17 = arith.cmpi ne, %convert_element_type3A_15, %cond3A_16 : i32
    scf.if %cond3A_17 {
      %get3A_18 = arith.constant 0 : index
      %get3A_19 = arith.constant 0 : index
      %get3A_20 = vector.load %arg7[%get3A_18, %get3A_19] : memref<400x640xf32, #tpu.memory_space<vmem>>, vector<400x640xf32>
      %get3A_21 = arith.constant 0 : index
      %get3A_22 = arith.constant 0 : index
      %get3A_23 = vector.load %arg5[%get3A_21, %get3A_22] : memref<1x640xf32, #tpu.memory_space<vmem>>, vector<1x640xf32>
      %add3A_24 = vector.broadcast %get3A_23 : vector<1x640xf32> to vector<400x640xf32>
      %add3A_25 = arith.addf %get3A_20, %add3A_24 : vector<400x640xf32>
      %swap3A_26 = arith.constant 0 : index
      %swap3A_27 = arith.constant 0 : index
      %swap3A_28 = vector.load %arg6[%swap3A_26, %swap3A_27] : memref<400x640xf32, #tpu.memory_space<vmem>>, vector<400x640xf32>
      tpu.vector_store %arg6[%swap3A_26, %swap3A_27], %add3A_25 {strides = array<i32>} : memref<400x640xf32, #tpu.memory_space<vmem>>, vector<400x640xf32>,
    } else {
    }
    return
  }
  func.func @transform_0(%arg0: i32, %arg1: i32, %arg2: i32) -> (i32, i32) {
    %c0_i32 = arith.constant 0 : i32
    return %arg0, %arg2 : i32, i32
  }
  func.func @transform_1(%arg0: i32, %arg1: i32, %arg2: i32) -> (i32, i32) {
    %c0_i32 = arith.constant 0 : i32
    return %arg2, %arg1 : i32, i32
  }
  func.func @transform_2(%arg0: i32, %arg1: i32, %arg2: i32) -> (i32, i32) {
    %c0_i32 = arith.constant 0 : i32
    %c0_i32_0 = arith.constant 0 : i32
    return %c0_i32, %arg1 : i32, i32
  }
  func.func @transform_3(%arg0: i32, %arg1: i32, %arg2: i32) -> (i32, i32) {
    %c0_i32 = arith.constant 0 : i32
    return %arg0, %arg1 : i32, i32
  }
}

module attributes {stable_mosaic.version = 14 : i64} {
  func.func @_lstm_kernel(%arg0: i32, %arg1: memref<400x2560xf32, #tpu.memory_space<vmem>>, %arg2: memref<640x2560xf32, #tpu.memory_space<vmem>>, %arg3: memref<400x640xf32, #tpu.memory_space<vmem>>, %arg4: memref<1x640xf32, #tpu.memory_space<vmem>>, %arg5: memref<1x640xf32, #tpu.memory_space<vmem>>) attributes {dimension_semantics = [#tpu.dimension_semantics<arbitrary>], iteration_bounds = array<i64: 25>, scalar_prefetch = 0 : i64, scratch_operands = 2 : i64, tpu.core_type = #tpu.core_type<tc>, window_params = [{transform_indices = @transform_0, window_bounds = array<i64: 400, 2560>}, {pipeline_mode = #tpu.pipeline_mode<synchronous>, transform_indices = @transform_1, window_bounds = array<i64: 640, 2560>}, {transform_indices = @transform_2, window_bounds = array<i64: 400, 640>}]} {
    %eq3A = arith.constant 0 : i32
    %eq3A_0 = arith.cmpi eq, %arg0, %eq3A : i32
    %convert_element_type3A = arith.extui %eq3A_0 : i1 to i32
    %cond3A = arith.constant 0 : i32
    %cond3A_1 = arith.cmpi ne, %convert_element_type3A, %cond3A : i32
    scf.if %cond3A_1 {
      %broadcast_in_dim3A = arith.constant 0.000000e+00 : f32
      %broadcast_in_dim3A_17 = vector.broadcast %broadcast_in_dim3A : f32 to vector<1x640xf32>
      %swap3A_18 = arith.constant 0 : index
      %swap3A_19 = arith.constant 0 : index
      %swap3A_20 = vector.load %arg4[%swap3A_18, %swap3A_19] : memref<1x640xf32, #tpu.memory_space<vmem>>, vector<1x640xf32>
      tpu.vector_store %arg4[%swap3A_18, %swap3A_19], %broadcast_in_dim3A_17 {strides = array<i32>} : memref<1x640xf32, #tpu.memory_space<vmem>>, vector<1x640xf32>,
      %broadcast_in_dim3A_21 = arith.constant 0.000000e+00 : f32
      %broadcast_in_dim3A_22 = vector.broadcast %broadcast_in_dim3A_21 : f32 to vector<1x640xf32>
      %swap3A_23 = arith.constant 0 : index
      %swap3A_24 = arith.constant 0 : index
      %swap3A_25 = vector.load %arg5[%swap3A_23, %swap3A_24] : memref<1x640xf32, #tpu.memory_space<vmem>>, vector<1x640xf32>
      tpu.vector_store %arg5[%swap3A_23, %swap3A_24], %broadcast_in_dim3A_22 {strides = array<i32>} : memref<1x640xf32, #tpu.memory_space<vmem>>, vector<1x640xf32>,
    } else {
    }
    %get3A = arith.constant 0 : index
    %get3A_2 = arith.constant 0 : index
    %get3A_3 = vector.load %arg4[%get3A, %get3A_2] : memref<1x640xf32, #tpu.memory_space<vmem>>, vector<1x640xf32>
    %get3A_4 = arith.constant 0 : index
    %get3A_5 = arith.constant 0 : index
    %get3A_6 = vector.load %arg5[%get3A_4, %get3A_5] : memref<1x640xf32, #tpu.memory_space<vmem>>, vector<1x640xf32>
    %scan3A = arith.constant 0 : i32
    %scan3A_7 = arith.constant 400 : i32
    %scan3A_8 = arith.addi %scan3A, %scan3A_7 : i32
    %scan3A_9 = arith.constant 1 : i32
    %scan3A_10:2 = scf.for %scan3A_17 = %scan3A to %scan3A_8 step %scan3A_9 iter_args(%scan3A_18 = %get3A_3, %scan3A_19 = %get3A_6) -> (vector<1x640xf32>, vector<1x640xf32>)  : i32 {
      %get3A_20 = arith.index_cast %scan3A_17 : i32 to index
      %get3A_21 = arith.constant 0 : index
      %get3A_22 = vector.load %arg1[%get3A_20, %get3A_21] : memref<400x2560xf32, #tpu.memory_space<vmem>>, vector<1x2560xf32>
      %get3A_23 = arith.constant 0 : index
      %get3A_24 = arith.constant 0 : index
      %get3A_25 = vector.load %arg2[%get3A_23, %get3A_24] : memref<640x2560xf32, #tpu.memory_space<vmem>>, vector<640x2560xf32>
      %dot_general3A = arith.constant dense<0.000000e+00> : vector<1x2560xf32>
      %dot_general3A_26 = tpu.matmul %scan3A_18, %get3A_25, %dot_general3A {dimension_numbers = #tpu.dot_dimension_numbers<[1], [0], [0], [1], [0, 0, 1, 1], [], []>, transpose_lhs_hint = false} : vector<1x640xf32>, vector<640x2560xf32>, vector<1x2560xf32> -> vector<1x2560xf32>
      %add3A = arith.addf %get3A_22, %dot_general3A_26 : vector<1x2560xf32>
      %slice3A = vector.extract_strided_slice %add3A {offsets = [0, 0], sizes = [1, 640], strides = [1, 1]} : vector<1x2560xf32> to vector<1x640xf32>
      %logistic3A = arith.negf %slice3A : vector<1x640xf32>
      %logistic3A_27 = math.exp %logistic3A : vector<1x640xf32>
      %logistic3A_28 = arith.constant 1.000000e+00 : f32
      %logistic3A_29 = vector.broadcast %logistic3A_28 : f32 to vector<1x640xf32>
      %logistic3A_30 = arith.addf %logistic3A_29, %logistic3A_27 : vector<1x640xf32>
      %logistic3A_31 = arith.divf %logistic3A_29, %logistic3A_30 : vector<1x640xf32>
      %slice3A_32 = vector.extract_strided_slice %add3A {offsets = [0, 640], sizes = [1, 640], strides = [1, 1]} : vector<1x2560xf32> to vector<1x640xf32>
      %logistic3A_33 = arith.negf %slice3A_32 : vector<1x640xf32>
      %logistic3A_34 = math.exp %logistic3A_33 : vector<1x640xf32>
      %logistic3A_35 = arith.constant 1.000000e+00 : f32
      %logistic3A_36 = vector.broadcast %logistic3A_35 : f32 to vector<1x640xf32>
      %logistic3A_37 = arith.addf %logistic3A_36, %logistic3A_34 : vector<1x640xf32>
      %logistic3A_38 = arith.divf %logistic3A_36, %logistic3A_37 : vector<1x640xf32>
      %slice3A_39 = vector.extract_strided_slice %add3A {offsets = [0, 1280], sizes = [1, 640], strides = [1, 1]} : vector<1x2560xf32> to vector<1x640xf32>
      %tanh3A = math.tanh %slice3A_39 : vector<1x640xf32>
      %slice3A_40 = vector.extract_strided_slice %add3A {offsets = [0, 1920], sizes = [1, 640], strides = [1, 1]} : vector<1x2560xf32> to vector<1x640xf32>
      %logistic3A_41 = arith.negf %slice3A_40 : vector<1x640xf32>
      %logistic3A_42 = math.exp %logistic3A_41 : vector<1x640xf32>
      %logistic3A_43 = arith.constant 1.000000e+00 : f32
      %logistic3A_44 = vector.broadcast %logistic3A_43 : f32 to vector<1x640xf32>
      %logistic3A_45 = arith.addf %logistic3A_44, %logistic3A_42 : vector<1x640xf32>
      %logistic3A_46 = arith.divf %logistic3A_44, %logistic3A_45 : vector<1x640xf32>
      %mul3A = arith.mulf %logistic3A_38, %scan3A_19 : vector<1x640xf32>
      %mul3A_47 = arith.mulf %logistic3A_31, %tanh3A : vector<1x640xf32>
      %add3A_48 = arith.addf %mul3A, %mul3A_47 : vector<1x640xf32>
      %tanh3A_49 = math.tanh %add3A_48 : vector<1x640xf32>
      %mul3A_50 = arith.mulf %logistic3A_46, %tanh3A_49 : vector<1x640xf32>
      %swap3A_51 = arith.index_cast %scan3A_17 : i32 to index
      %swap3A_52 = arith.constant 0 : index
      %swap3A_53 = vector.load %arg3[%swap3A_51, %swap3A_52] : memref<400x640xf32, #tpu.memory_space<vmem>>, vector<1x640xf32>
      tpu.vector_store %arg3[%swap3A_51, %swap3A_52], %mul3A_50 {strides = array<i32>} : memref<400x640xf32, #tpu.memory_space<vmem>>, vector<1x640xf32>,
      scf.yield %mul3A_50, %add3A_48 : vector<1x640xf32>, vector<1x640xf32>
    }
    %scan3A_11 = arith.constant 400 : i32
    %swap3A = arith.constant 0 : index
    %swap3A_12 = arith.constant 0 : index
    %swap3A_13 = vector.load %arg4[%swap3A, %swap3A_12] : memref<1x640xf32, #tpu.memory_space<vmem>>, vector<1x640xf32>
    tpu.vector_store %arg4[%swap3A, %swap3A_12], %scan3A_10#0 {strides = array<i32>} : memref<1x640xf32, #tpu.memory_space<vmem>>, vector<1x640xf32>,
    %swap3A_14 = arith.constant 0 : index
    %swap3A_15 = arith.constant 0 : index
    %swap3A_16 = vector.load %arg5[%swap3A_14, %swap3A_15] : memref<1x640xf32, #tpu.memory_space<vmem>>, vector<1x640xf32>
    tpu.vector_store %arg5[%swap3A_14, %swap3A_15], %scan3A_10#1 {strides = array<i32>} : memref<1x640xf32, #tpu.memory_space<vmem>>, vector<1x640xf32>,
    return
  }
  func.func @transform_0(%arg0: i32) -> (i32, i32) {
    %c0_i32 = arith.constant 0 : i32
    %c0_i32_0 = arith.constant 0 : i32
    return %arg0, %c0_i32 : i32, i32
  }
  func.func @transform_1(%arg0: i32) -> (i32, i32) {
    %c0_i32 = arith.constant 0 : i32
    %c0_i32_0 = arith.constant 0 : i32
    %c0_i32_1 = arith.constant 0 : i32
    return %c0_i32, %c0_i32_0 : i32, i32
  }
  func.func @transform_2(%arg0: i32) -> (i32, i32) {
    %c0_i32 = arith.constant 0 : i32
    %c0_i32_0 = arith.constant 0 : i32
    return %arg0, %c0_i32 : i32, i32
  }
}

module attributes {stable_mosaic.version = 14 : i64} {
  func.func @_mm_bias_kernel(%arg0: i32, %arg1: i32, %arg2: i32, %arg3: memref<400x640xf32, #tpu.memory_space<vmem>>, %arg4: memref<640x1280xf32, #tpu.memory_space<vmem>>, %arg5: memref<1x1280xf32, #tpu.memory_space<vmem>>, %arg6: memref<400x1280xf32, #tpu.memory_space<vmem>>, %arg7: memref<400x1280xf32, #tpu.memory_space<vmem>>) attributes {dimension_semantics = [#tpu.dimension_semantics<arbitrary>, #tpu.dimension_semantics<arbitrary>, #tpu.dimension_semantics<arbitrary>], iteration_bounds = array<i64: 25, 2, 1>, scalar_prefetch = 0 : i64, scratch_operands = 1 : i64, tpu.core_type = #tpu.core_type<tc>, window_params = [{transform_indices = @transform_0, window_bounds = array<i64: 400, 640>}, {transform_indices = @transform_1, window_bounds = array<i64: 640, 1280>}, {transform_indices = @transform_2, window_bounds = array<i64: 1, 1280>}, {transform_indices = @transform_3, window_bounds = array<i64: 400, 1280>}]} {
    %eq3A = arith.constant 0 : i32
    %eq3A_0 = arith.cmpi eq, %arg2, %eq3A : i32
    %convert_element_type3A = arith.extui %eq3A_0 : i1 to i32
    %cond3A = arith.constant 0 : i32
    %cond3A_1 = arith.cmpi ne, %convert_element_type3A, %cond3A : i32
    scf.if %cond3A_1 {
      %broadcast_in_dim3A = arith.constant 0.000000e+00 : f32
      %broadcast_in_dim3A_18 = vector.broadcast %broadcast_in_dim3A : f32 to vector<400x1280xf32>
      %swap3A_19 = arith.constant 0 : index
      %swap3A_20 = arith.constant 0 : index
      %swap3A_21 = vector.load %arg7[%swap3A_19, %swap3A_20] : memref<400x1280xf32, #tpu.memory_space<vmem>>, vector<400x1280xf32>
      tpu.vector_store %arg7[%swap3A_19, %swap3A_20], %broadcast_in_dim3A_18 {strides = array<i32>} : memref<400x1280xf32, #tpu.memory_space<vmem>>, vector<400x1280xf32>,
    } else {
    }
    %get3A = arith.constant 0 : index
    %get3A_2 = arith.constant 0 : index
    %get3A_3 = vector.load %arg7[%get3A, %get3A_2] : memref<400x1280xf32, #tpu.memory_space<vmem>>, vector<400x1280xf32>
    %get3A_4 = arith.constant 0 : index
    %get3A_5 = arith.constant 0 : index
    %get3A_6 = vector.load %arg3[%get3A_4, %get3A_5] : memref<400x640xf32, #tpu.memory_space<vmem>>, vector<400x640xf32>
    %get3A_7 = arith.constant 0 : index
    %get3A_8 = arith.constant 0 : index
    %get3A_9 = vector.load %arg4[%get3A_7, %get3A_8] : memref<640x1280xf32, #tpu.memory_space<vmem>>, vector<640x1280xf32>
    %dot_general3A = arith.constant dense<0.000000e+00> : vector<400x1280xf32>
    %dot_general3A_10 = tpu.matmul %get3A_6, %get3A_9, %dot_general3A {dimension_numbers = #tpu.dot_dimension_numbers<[1], [0], [0], [1], [0, 0, 1, 1], [], []>, transpose_lhs_hint = false} : vector<400x640xf32>, vector<640x1280xf32>, vector<400x1280xf32> -> vector<400x1280xf32>
    %add3A = arith.addf %get3A_3, %dot_general3A_10 : vector<400x1280xf32>
    %swap3A = arith.constant 0 : index
    %swap3A_11 = arith.constant 0 : index
    %swap3A_12 = vector.load %arg7[%swap3A, %swap3A_11] : memref<400x1280xf32, #tpu.memory_space<vmem>>, vector<400x1280xf32>
    tpu.vector_store %arg7[%swap3A, %swap3A_11], %add3A {strides = array<i32>} : memref<400x1280xf32, #tpu.memory_space<vmem>>, vector<400x1280xf32>,
    %eq3A_13 = arith.constant 0 : i32
    %eq3A_14 = arith.cmpi eq, %arg2, %eq3A_13 : i32
    %convert_element_type3A_15 = arith.extui %eq3A_14 : i1 to i32
    %cond3A_16 = arith.constant 0 : i32
    %cond3A_17 = arith.cmpi ne, %convert_element_type3A_15, %cond3A_16 : i32
    scf.if %cond3A_17 {
      %get3A_18 = arith.constant 0 : index
      %get3A_19 = arith.constant 0 : index
      %get3A_20 = vector.load %arg7[%get3A_18, %get3A_19] : memref<400x1280xf32, #tpu.memory_space<vmem>>, vector<400x1280xf32>
      %get3A_21 = arith.constant 0 : index
      %get3A_22 = arith.constant 0 : index
      %get3A_23 = vector.load %arg5[%get3A_21, %get3A_22] : memref<1x1280xf32, #tpu.memory_space<vmem>>, vector<1x1280xf32>
      %add3A_24 = vector.broadcast %get3A_23 : vector<1x1280xf32> to vector<400x1280xf32>
      %add3A_25 = arith.addf %get3A_20, %add3A_24 : vector<400x1280xf32>
      %swap3A_26 = arith.constant 0 : index
      %swap3A_27 = arith.constant 0 : index
      %swap3A_28 = vector.load %arg6[%swap3A_26, %swap3A_27] : memref<400x1280xf32, #tpu.memory_space<vmem>>, vector<400x1280xf32>
      tpu.vector_store %arg6[%swap3A_26, %swap3A_27], %add3A_25 {strides = array<i32>} : memref<400x1280xf32, #tpu.memory_space<vmem>>, vector<400x1280xf32>,
    } else {
    }
    return
  }
  func.func @transform_0(%arg0: i32, %arg1: i32, %arg2: i32) -> (i32, i32) {
    %c0_i32 = arith.constant 0 : i32
    return %arg0, %arg2 : i32, i32
  }
  func.func @transform_1(%arg0: i32, %arg1: i32, %arg2: i32) -> (i32, i32) {
    %c0_i32 = arith.constant 0 : i32
    return %arg2, %arg1 : i32, i32
  }
  func.func @transform_2(%arg0: i32, %arg1: i32, %arg2: i32) -> (i32, i32) {
    %c0_i32 = arith.constant 0 : i32
    %c0_i32_0 = arith.constant 0 : i32
    return %c0_i32, %arg1 : i32, i32
  }
  func.func @transform_3(%arg0: i32, %arg1: i32, %arg2: i32) -> (i32, i32) {
    %c0_i32 = arith.constant 0 : i32
    return %arg0, %arg1 : i32, i32
  }
}

module attributes {stable_mosaic.version = 14 : i64} {
  func.func @_dis_kernel(%arg0: i32, %arg1: memref<2x512x16xf32, #tpu.memory_space<vmem>>, %arg2: memref<512x1xf32, #tpu.memory_space<vmem>>) attributes {dimension_semantics = [#tpu.dimension_semantics<arbitrary>], iteration_bounds = array<i64: 20>, scalar_prefetch = 0 : i64, scratch_operands = 0 : i64, tpu.core_type = #tpu.core_type<tc>, window_params = [{transform_indices = @transform_0, window_bounds = array<i64: 2, 512, 16>}, {transform_indices = @transform_1, window_bounds = array<i64: 512, 1>}]} {
    %get3A = arith.constant 0 : index
    %get3A_0 = arith.constant 0 : index
    %get3A_1 = arith.constant 0 : index
    %get3A_2 = vector.load %arg1[%get3A, %get3A_0, %get3A_1] : memref<2x512x16xf32, #tpu.memory_space<vmem>>, vector<2x512x16xf32>
    %slice3A = vector.extract_strided_slice %get3A_2 {offsets = [0, 0, 0], sizes = [1, 512, 16], strides = [1, 1, 1]} : vector<2x512x16xf32> to vector<1x512x16xf32>
    %squeeze3A = vector.shape_cast %slice3A : vector<1x512x16xf32> to vector<512x16xf32>
    %slice3A_3 = vector.extract_strided_slice %get3A_2 {offsets = [1, 0, 0], sizes = [1, 512, 16], strides = [1, 1, 1]} : vector<2x512x16xf32> to vector<1x512x16xf32>
    %squeeze3A_4 = vector.shape_cast %slice3A_3 : vector<1x512x16xf32> to vector<512x16xf32>
    %add3A = arith.addf %squeeze3A, %squeeze3A_4 : vector<512x16xf32>
    %slice3A_5 = vector.extract_strided_slice %add3A {offsets = [0, 0], sizes = [512, 1], strides = [1, 1]} : vector<512x16xf32> to vector<512x1xf32>
    %mul3A = arith.constant 512 : i32
    %mul3A_6 = arith.muli %arg0, %mul3A : i32
    %iota3A = tpu.iota {dimensions = array<i32: 0>} : vector<512x1xi32>
    %add3A_7 = vector.broadcast %mul3A_6 : i32 to vector<512x1xi32>
    %add3A_8 = arith.addi %add3A_7, %iota3A : vector<512x1xi32>
    %lt3A = arith.constant 10000 : i32
    %lt3A_9 = vector.broadcast %lt3A : i32 to vector<512x1xi32>
    %lt3A_10 = arith.cmpi slt, %add3A_8, %lt3A_9 : vector<512x1xi32>
    %add3A_11 = arith.constant 1.000000e+00 : f32
    %add3A_12 = vector.broadcast %add3A_11 : f32 to vector<512x1xf32>
    %add3A_13 = arith.addf %slice3A_5, %add3A_12 : vector<512x1xf32>
    %sqrt3A = math.sqrt %add3A_13 : vector<512x1xf32>
    %div3A = arith.constant 1.000000e+00 : f32
    %div3A_14 = vector.broadcast %div3A : f32 to vector<512x1xf32>
    %div3A_15 = arith.divf %div3A_14, %sqrt3A : vector<512x1xf32>
    %jit3A = arith.constant 0.000000e+00 : f32
    %broadcast_in_dim3A = vector.broadcast %jit3A : f32 to vector<512x1xf32>
    %select_n3A = arith.select %lt3A_10, %div3A_15, %broadcast_in_dim3A : vector<512x1xi1>, vector<512x1xf32>
    %swap3A = arith.constant 0 : index
    %swap3A_16 = arith.constant 0 : index
    %swap3A_17 = vector.load %arg2[%swap3A, %swap3A_16] : memref<512x1xf32, #tpu.memory_space<vmem>>, vector<512x1xf32>
    tpu.vector_store %arg2[%swap3A, %swap3A_16], %select_n3A {strides = array<i32>} : memref<512x1xf32, #tpu.memory_space<vmem>>, vector<512x1xf32>,
    return
  }
  func.func @transform_0(%arg0: i32) -> (i32, i32, i32) {
    %c0_i32 = arith.constant 0 : i32
    %c0_i32_0 = arith.constant 0 : i32
    %c0_i32_1 = arith.constant 0 : i32
    return %c0_i32, %arg0, %c0_i32_0 : i32, i32, i32
  }
  func.func @transform_1(%arg0: i32) -> (i32, i32) {
    %c0_i32 = arith.constant 0 : i32
    %c0_i32_0 = arith.constant 0 : i32
    return %arg0, %c0_i32 : i32, i32
  }
}

module attributes {stable_mosaic.version = 14 : i64} {
  func.func @_xws_kernel(%arg0: i32, %arg1: memref<512x640xf32, #tpu.memory_space<vmem>>, %arg2: memref<640x320xf32, #tpu.memory_space<vmem>>, %arg3: memref<512x1xf32, #tpu.memory_space<vmem>>, %arg4: memref<512x320xf32, #tpu.memory_space<vmem>>) attributes {dimension_semantics = [#tpu.dimension_semantics<arbitrary>], iteration_bounds = array<i64: 20>, scalar_prefetch = 0 : i64, scratch_operands = 0 : i64, tpu.core_type = #tpu.core_type<tc>, window_params = [{transform_indices = @transform_0, window_bounds = array<i64: 512, 640>}, {pipeline_mode = #tpu.pipeline_mode<synchronous>, transform_indices = @transform_1, window_bounds = array<i64: 640, 320>}, {transform_indices = @transform_2, window_bounds = array<i64: 512, 1>}, {transform_indices = @transform_3, window_bounds = array<i64: 512, 320>}]} {
    %get3A = arith.constant 0 : index
    %get3A_0 = arith.constant 0 : index
    %get3A_1 = vector.load %arg3[%get3A, %get3A_0] : memref<512x1xf32, #tpu.memory_space<vmem>>, vector<512x1xf32>
    %get3A_2 = arith.constant 0 : index
    %get3A_3 = arith.constant 0 : index
    %get3A_4 = vector.load %arg1[%get3A_2, %get3A_3] : memref<512x640xf32, #tpu.memory_space<vmem>>, vector<512x640xf32>
    %get3A_5 = arith.constant 0 : index
    %get3A_6 = arith.constant 0 : index
    %get3A_7 = vector.load %arg2[%get3A_5, %get3A_6] : memref<640x320xf32, #tpu.memory_space<vmem>>, vector<640x320xf32>
    %dot_general3A = arith.constant dense<0.000000e+00> : vector<512x320xf32>
    %dot_general3A_8 = tpu.matmul %get3A_4, %get3A_7, %dot_general3A {dimension_numbers = #tpu.dot_dimension_numbers<[1], [0], [0], [1], [0, 0, 1, 1], [], []>, transpose_lhs_hint = false} : vector<512x640xf32>, vector<640x320xf32>, vector<512x320xf32> -> vector<512x320xf32>
    %mul3A = vector.broadcast %get3A_1 : vector<512x1xf32> to vector<512x320xf32>
    %mul3A_9 = arith.mulf %mul3A, %dot_general3A_8 : vector<512x320xf32>
    %swap3A = arith.constant 0 : index
    %swap3A_10 = arith.constant 0 : index
    %swap3A_11 = vector.load %arg4[%swap3A, %swap3A_10] : memref<512x320xf32, #tpu.memory_space<vmem>>, vector<512x320xf32>
    tpu.vector_store %arg4[%swap3A, %swap3A_10], %mul3A_9 {strides = array<i32>} : memref<512x320xf32, #tpu.memory_space<vmem>>, vector<512x320xf32>,
    return
  }
  func.func @transform_0(%arg0: i32) -> (i32, i32) {
    %c0_i32 = arith.constant 0 : i32
    %c0_i32_0 = arith.constant 0 : i32
    return %arg0, %c0_i32 : i32, i32
  }
  func.func @transform_1(%arg0: i32) -> (i32, i32) {
    %c0_i32 = arith.constant 0 : i32
    %c0_i32_0 = arith.constant 0 : i32
    %c0_i32_1 = arith.constant 0 : i32
    return %c0_i32, %c0_i32_0 : i32, i32
  }
  func.func @transform_2(%arg0: i32) -> (i32, i32) {
    %c0_i32 = arith.constant 0 : i32
    %c0_i32_0 = arith.constant 0 : i32
    return %arg0, %c0_i32 : i32, i32
  }
  func.func @transform_3(%arg0: i32) -> (i32, i32) {
    %c0_i32 = arith.constant 0 : i32
    %c0_i32_0 = arith.constant 0 : i32
    return %arg0, %c0_i32 : i32, i32
  }
}

module attributes {stable_mosaic.version = 14 : i64} {
  func.func @_post_kernel(%arg0: i32, %arg1: i32, %arg2: memref<4x512x80xf32, #tpu.memory_space<vmem>>, %arg3: memref<4x512x80xf32, #tpu.memory_space<vmem>>, %arg4: memref<512x1xf32, #tpu.memory_space<vmem>>, %arg5: memref<1x320xf32, #tpu.memory_space<vmem>>, %arg6: memref<512x320xf32, #tpu.memory_space<vmem>>, %arg7: memref<1x320xf32, #tpu.memory_space<vmem>>, %arg8: memref<1x320xf32, #tpu.memory_space<vmem>>) attributes {dimension_semantics = [#tpu.dimension_semantics<arbitrary>, #tpu.dimension_semantics<arbitrary>], iteration_bounds = array<i64: 3, 20>, scalar_prefetch = 0 : i64, scratch_operands = 2 : i64, tpu.core_type = #tpu.core_type<tc>, window_params = [{transform_indices = @transform_0, window_bounds = array<i64: 4, 512, 80>}, {transform_indices = @transform_1, window_bounds = array<i64: 4, 512, 80>}, {transform_indices = @transform_2, window_bounds = array<i64: 512, 1>}, {pipeline_mode = #tpu.pipeline_mode<synchronous>, transform_indices = @transform_3, window_bounds = array<i64: 1, 320>}, {transform_indices = @transform_4, window_bounds = array<i64: 512, 320>}]} {
    %get3A = arith.constant 0 : index
    %get3A_0 = arith.constant 0 : index
    %get3A_1 = arith.constant 0 : index
    %get3A_2 = vector.load %arg2[%get3A, %get3A_0, %get3A_1] : memref<4x512x80xf32, #tpu.memory_space<vmem>>, vector<4x512x80xf32>
    %get3A_3 = arith.constant 0 : index
    %get3A_4 = arith.constant 0 : index
    %get3A_5 = arith.constant 0 : index
    %get3A_6 = vector.load %arg3[%get3A_3, %get3A_4, %get3A_5] : memref<4x512x80xf32, #tpu.memory_space<vmem>>, vector<4x512x80xf32>
    %slice3A = vector.extract_strided_slice %get3A_2 {offsets = [0, 0, 0], sizes = [1, 512, 80], strides = [1, 1, 1]} : vector<4x512x80xf32> to vector<1x512x80xf32>
    %squeeze3A = vector.shape_cast %slice3A : vector<1x512x80xf32> to vector<512x80xf32>
    %slice3A_7 = vector.extract_strided_slice %get3A_6 {offsets = [0, 0, 0], sizes = [1, 512, 80], strides = [1, 1, 1]} : vector<4x512x80xf32> to vector<1x512x80xf32>
    %squeeze3A_8 = vector.shape_cast %slice3A_7 : vector<1x512x80xf32> to vector<512x80xf32>
    %add3A = arith.addf %squeeze3A, %squeeze3A_8 : vector<512x80xf32>
    %slice3A_9 = vector.extract_strided_slice %get3A_2 {offsets = [1, 0, 0], sizes = [1, 512, 80], strides = [1, 1, 1]} : vector<4x512x80xf32> to vector<1x512x80xf32>
    %squeeze3A_10 = vector.shape_cast %slice3A_9 : vector<1x512x80xf32> to vector<512x80xf32>
    %slice3A_11 = vector.extract_strided_slice %get3A_6 {offsets = [1, 0, 0], sizes = [1, 512, 80], strides = [1, 1, 1]} : vector<4x512x80xf32> to vector<1x512x80xf32>
    %squeeze3A_12 = vector.shape_cast %slice3A_11 : vector<1x512x80xf32> to vector<512x80xf32>
    %add3A_13 = arith.addf %squeeze3A_10, %squeeze3A_12 : vector<512x80xf32>
    %slice3A_14 = vector.extract_strided_slice %get3A_2 {offsets = [2, 0, 0], sizes = [1, 512, 80], strides = [1, 1, 1]} : vector<4x512x80xf32> to vector<1x512x80xf32>
    %squeeze3A_15 = vector.shape_cast %slice3A_14 : vector<1x512x80xf32> to vector<512x80xf32>
    %slice3A_16 = vector.extract_strided_slice %get3A_6 {offsets = [2, 0, 0], sizes = [1, 512, 80], strides = [1, 1, 1]} : vector<4x512x80xf32> to vector<1x512x80xf32>
    %squeeze3A_17 = vector.shape_cast %slice3A_16 : vector<1x512x80xf32> to vector<512x80xf32>
    %add3A_18 = arith.addf %squeeze3A_15, %squeeze3A_17 : vector<512x80xf32>
    %slice3A_19 = vector.extract_strided_slice %get3A_2 {offsets = [3, 0, 0], sizes = [1, 512, 80], strides = [1, 1, 1]} : vector<4x512x80xf32> to vector<1x512x80xf32>
    %squeeze3A_20 = vector.shape_cast %slice3A_19 : vector<1x512x80xf32> to vector<512x80xf32>
    %slice3A_21 = vector.extract_strided_slice %get3A_6 {offsets = [3, 0, 0], sizes = [1, 512, 80], strides = [1, 1, 1]} : vector<4x512x80xf32> to vector<1x512x80xf32>
    %squeeze3A_22 = vector.shape_cast %slice3A_21 : vector<1x512x80xf32> to vector<512x80xf32>
    %add3A_23 = arith.addf %squeeze3A_20, %squeeze3A_22 : vector<512x80xf32>
    %concatenate3A = tpu.concatenate %add3A, %add3A_13, %add3A_18, %add3A_23 in 1 : vector<512x80xf32>, vector<512x80xf32>, vector<512x80xf32>, vector<512x80xf32> -> vector<512x320xf32>
    %get3A_24 = arith.constant 0 : index
    %get3A_25 = arith.constant 0 : index
    %get3A_26 = vector.load %arg4[%get3A_24, %get3A_25] : memref<512x1xf32, #tpu.memory_space<vmem>>, vector<512x1xf32>
    %mul3A = vector.broadcast %get3A_26 : vector<512x1xf32> to vector<512x320xf32>
    %mul3A_27 = arith.mulf %concatenate3A, %mul3A : vector<512x320xf32>
    %get3A_28 = arith.constant 0 : index
    %get3A_29 = arith.constant 0 : index
    %get3A_30 = vector.load %arg5[%get3A_28, %get3A_29] : memref<1x320xf32, #tpu.memory_space<vmem>>, vector<1x320xf32>
    %add3A_31 = vector.broadcast %get3A_30 : vector<1x320xf32> to vector<512x320xf32>
    %add3A_32 = arith.addf %mul3A_27, %add3A_31 : vector<512x320xf32>
    %ge3A = arith.constant 0.000000e+00 : f32
    %ge3A_33 = vector.broadcast %ge3A : f32 to vector<512x320xf32>
    %ge3A_34 = arith.cmpf oge, %add3A_32, %ge3A_33 : vector<512x320xf32>
    %mul3A_35 = arith.constant 0.00999999977 : f32
    %mul3A_36 = vector.broadcast %mul3A_35 : f32 to vector<512x320xf32>
    %mul3A_37 = arith.mulf %mul3A_36, %add3A_32 : vector<512x320xf32>
    %select_n3A = arith.select %ge3A_34, %add3A_32, %mul3A_37 : vector<512x320xi1>, vector<512x320xf32>
    %mul3A_38 = arith.constant 512 : i32
    %mul3A_39 = arith.muli %arg1, %mul3A_38 : i32
    %iota3A = tpu.iota {dimensions = array<i32: 0>} : vector<512x1xi32>
    %add3A_40 = vector.broadcast %mul3A_39 : i32 to vector<512x1xi32>
    %add3A_41 = arith.addi %add3A_40, %iota3A : vector<512x1xi32>
    %lt3A = arith.constant 10000 : i32
    %lt3A_42 = vector.broadcast %lt3A : i32 to vector<512x1xi32>
    %lt3A_43 = arith.cmpi slt, %add3A_41, %lt3A_42 : vector<512x1xi32>
    %jit3A = arith.constant 0.000000e+00 : f32
    %broadcast_in_dim3A = vector.shape_cast %lt3A_43 : vector<512x1xi1> to vector<512x1xi1>
    %broadcast_in_dim3A_44 = vector.broadcast %broadcast_in_dim3A : vector<512x1xi1> to vector<512x320xi1>
    %broadcast_in_dim3A_45 = vector.broadcast %jit3A : f32 to vector<512x320xf32>
    %select_n3A_46 = arith.select %broadcast_in_dim3A_44, %select_n3A, %broadcast_in_dim3A_45 : vector<512x320xi1>, vector<512x320xf32>
    %lt3A_47 = arith.constant 10000 : i32
    %lt3A_48 = vector.broadcast %lt3A_47 : i32 to vector<512x1xi32>
    %lt3A_49 = arith.cmpi slt, %add3A_41, %lt3A_48 : vector<512x1xi32>
    %eq3A = arith.constant 0 : i32
    %eq3A_50 = arith.cmpi eq, %arg0, %eq3A : i32
    %convert_element_type3A = arith.extui %eq3A_50 : i1 to i32
    %cond3A = arith.constant 0 : i32
    %cond3A_51 = arith.cmpi ne, %convert_element_type3A, %cond3A : i32
    scf.if %cond3A_51 {
      %eq3A_62 = arith.constant 0 : i32
      %eq3A_63 = arith.cmpi eq, %arg1, %eq3A_62 : i32
      %convert_element_type3A_64 = arith.extui %eq3A_63 : i1 to i32
      %cond3A_65 = arith.constant 0 : i32
      %cond3A_66 = arith.cmpi ne, %convert_element_type3A_64, %cond3A_65 : i32
      scf.if %cond3A_66 {
        %broadcast_in_dim3A_75 = arith.constant 0.000000e+00 : f32
        %broadcast_in_dim3A_76 = vector.broadcast %broadcast_in_dim3A_75 : f32 to vector<1x320xf32>
        %swap3A_77 = arith.constant 0 : index
        %swap3A_78 = arith.constant 0 : index
        %swap3A_79 = vector.load %arg7[%swap3A_77, %swap3A_78] : memref<1x320xf32, #tpu.memory_space<vmem>>, vector<1x320xf32>
        tpu.vector_store %arg7[%swap3A_77, %swap3A_78], %broadcast_in_dim3A_76 {strides = array<i32>} : memref<1x320xf32, #tpu.memory_space<vmem>>, vector<1x320xf32>,
      } else {
      }
      %get3A_67 = arith.constant 0 : index
      %get3A_68 = arith.constant 0 : index
      %get3A_69 = vector.load %arg7[%get3A_67, %get3A_68] : memref<1x320xf32, #tpu.memory_space<vmem>>, vector<1x320xf32>
      %reduce_sum3A = arith.constant dense<0.000000e+00> : vector<320xf32>
      %reduce_sum3A_70 = vector.multi_reduction <add>, %select_n3A_46, %reduce_sum3A [0] : vector<512x320xf32> to vector<320xf32>
      %broadcast_in_dim3A_71 = vector.shape_cast %reduce_sum3A_70 : vector<320xf32> to vector<1x320xf32>
      %add3A_72 = arith.addf %get3A_69, %broadcast_in_dim3A_71 : vector<1x320xf32>
      %swap3A = arith.constant 0 : index
      %swap3A_73 = arith.constant 0 : index
      %swap3A_74 = vector.load %arg7[%swap3A, %swap3A_73] : memref<1x320xf32, #tpu.memory_space<vmem>>, vector<1x320xf32>
      tpu.vector_store %arg7[%swap3A, %swap3A_73], %add3A_72 {strides = array<i32>} : memref<1x320xf32, #tpu.memory_space<vmem>>, vector<1x320xf32>,
    } else {
    }
    %eq3A_52 = arith.constant 1 : i32
    %eq3A_53 = arith.cmpi eq, %arg0, %eq3A_52 : i32
    %convert_element_type3A_54 = arith.extui %eq3A_53 : i1 to i32
    %cond3A_55 = arith.constant 0 : i32
    %cond3A_56 = arith.cmpi ne, %convert_element_type3A_54, %cond3A_55 : i32
    scf.if %cond3A_56 {
      %eq3A_62 = arith.constant 0 : i32
      %eq3A_63 = arith.cmpi eq, %arg1, %eq3A_62 : i32
      %convert_element_type3A_64 = arith.extui %eq3A_63 : i1 to i32
      %cond3A_65 = arith.constant 0 : i32
      %cond3A_66 = arith.cmpi ne, %convert_element_type3A_64, %cond3A_65 : i32
      scf.if %cond3A_66 {
        %broadcast_in_dim3A_87 = arith.constant 0.000000e+00 : f32
        %broadcast_in_dim3A_88 = vector.broadcast %broadcast_in_dim3A_87 : f32 to vector<1x320xf32>
        %swap3A_89 = arith.constant 0 : index
        %swap3A_90 = arith.constant 0 : index
        %swap3A_91 = vector.load %arg8[%swap3A_89, %swap3A_90] : memref<1x320xf32, #tpu.memory_space<vmem>>, vector<1x320xf32>
        tpu.vector_store %arg8[%swap3A_89, %swap3A_90], %broadcast_in_dim3A_88 {strides = array<i32>} : memref<1x320xf32, #tpu.memory_space<vmem>>, vector<1x320xf32>,
      } else {
      }
      %get3A_67 = arith.constant 0 : index
      %get3A_68 = arith.constant 0 : index
      %get3A_69 = vector.load %arg7[%get3A_67, %get3A_68] : memref<1x320xf32, #tpu.memory_space<vmem>>, vector<1x320xf32>
      %div3A = arith.constant 1.000000e+04 : f32
      %div3A_70 = vector.broadcast %div3A : f32 to vector<1x320xf32>
      %div3A_71 = arith.divf %get3A_69, %div3A_70 : vector<1x320xf32>
      %sub3A = vector.broadcast %div3A_71 : vector<1x320xf32> to vector<512x320xf32>
      %sub3A_72 = arith.subf %select_n3A_46, %sub3A : vector<512x320xf32>
      %jit3A_73 = arith.constant 0.000000e+00 : f32
      %broadcast_in_dim3A_74 = vector.shape_cast %lt3A_49 : vector<512x1xi1> to vector<512x1xi1>
      %broadcast_in_dim3A_75 = vector.broadcast %broadcast_in_dim3A_74 : vector<512x1xi1> to vector<512x320xi1>
      %broadcast_in_dim3A_76 = vector.broadcast %jit3A_73 : f32 to vector<512x320xf32>
      %select_n3A_77 = arith.select %broadcast_in_dim3A_75, %sub3A_72, %broadcast_in_dim3A_76 : vector<512x320xi1>, vector<512x320xf32>
      %get3A_78 = arith.constant 0 : index
      %get3A_79 = arith.constant 0 : index
      %get3A_80 = vector.load %arg8[%get3A_78, %get3A_79] : memref<1x320xf32, #tpu.memory_space<vmem>>, vector<1x320xf32>
      %mul3A_81 = arith.mulf %select_n3A_77, %select_n3A_77 : vector<512x320xf32>
      %reduce_sum3A = arith.constant dense<0.000000e+00> : vector<320xf32>
      %reduce_sum3A_82 = vector.multi_reduction <add>, %mul3A_81, %reduce_sum3A [0] : vector<512x320xf32> to vector<320xf32>
      %broadcast_in_dim3A_83 = vector.shape_cast %reduce_sum3A_82 : vector<320xf32> to vector<1x320xf32>
      %add3A_84 = arith.addf %get3A_80, %broadcast_in_dim3A_83 : vector<1x320xf32>
      %swap3A = arith.constant 0 : index
      %swap3A_85 = arith.constant 0 : index
      %swap3A_86 = vector.load %arg8[%swap3A, %swap3A_85] : memref<1x320xf32, #tpu.memory_space<vmem>>, vector<1x320xf32>
      tpu.vector_store %arg8[%swap3A, %swap3A_85], %add3A_84 {strides = array<i32>} : memref<1x320xf32, #tpu.memory_space<vmem>>, vector<1x320xf32>,
    } else {
    }
    %eq3A_57 = arith.constant 2 : i32
    %eq3A_58 = arith.cmpi eq, %arg0, %eq3A_57 : i32
    %convert_element_type3A_59 = arith.extui %eq3A_58 : i1 to i32
    %cond3A_60 = arith.constant 0 : i32
    %cond3A_61 = arith.cmpi ne, %convert_element_type3A_59, %cond3A_60 : i32
    scf.if %cond3A_61 {
      %get3A_62 = arith.constant 0 : index
      %get3A_63 = arith.constant 0 : index
      %get3A_64 = vector.load %arg7[%get3A_62, %get3A_63] : memref<1x320xf32, #tpu.memory_space<vmem>>, vector<1x320xf32>
      %div3A = arith.constant 1.000000e+04 : f32
      %div3A_65 = vector.broadcast %div3A : f32 to vector<1x320xf32>
      %div3A_66 = arith.divf %get3A_64, %div3A_65 : vector<1x320xf32>
      %get3A_67 = arith.constant 0 : index
      %get3A_68 = arith.constant 0 : index
      %get3A_69 = vector.load %arg8[%get3A_67, %get3A_68] : memref<1x320xf32, #tpu.memory_space<vmem>>, vector<1x320xf32>
      %div3A_70 = arith.constant 1.000000e+04 : f32
      %div3A_71 = vector.broadcast %div3A_70 : f32 to vector<1x320xf32>
      %div3A_72 = arith.divf %get3A_69, %div3A_71 : vector<1x320xf32>
      %sub3A = vector.broadcast %div3A_66 : vector<1x320xf32> to vector<512x320xf32>
      %sub3A_73 = arith.subf %select_n3A_46, %sub3A : vector<512x320xf32>
      %add3A_74 = arith.constant 9.99999974E-6 : f32
      %add3A_75 = vector.broadcast %add3A_74 : f32 to vector<1x320xf32>
      %add3A_76 = arith.addf %div3A_72, %add3A_75 : vector<1x320xf32>
      %sqrt3A = math.sqrt %add3A_76 : vector<1x320xf32>
      %div3A_77 = vector.broadcast %sqrt3A : vector<1x320xf32> to vector<512x320xf32>
      %div3A_78 = arith.divf %sub3A_73, %div3A_77 : vector<512x320xf32>
      %swap3A = arith.constant 0 : index
      %swap3A_79 = arith.constant 0 : index
      %swap3A_80 = vector.load %arg6[%swap3A, %swap3A_79] : memref<512x320xf32, #tpu.memory_space<vmem>>, vector<512x320xf32>
      tpu.vector_store %arg6[%swap3A, %swap3A_79], %div3A_78 {strides = array<i32>} : memref<512x320xf32, #tpu.memory_space<vmem>>, vector<512x320xf32>,
    } else {
    }
    return
  }
  func.func @transform_0(%arg0: i32, %arg1: i32) -> (i32, i32, i32) {
    %c0_i32 = arith.constant 0 : i32
    %c0_i32_0 = arith.constant 0 : i32
    %c0_i32_1 = arith.constant 0 : i32
    return %c0_i32, %arg1, %c0_i32_0 : i32, i32, i32
  }
  func.func @transform_1(%arg0: i32, %arg1: i32) -> (i32, i32, i32) {
    %c0_i32 = arith.constant 0 : i32
    %c0_i32_0 = arith.constant 0 : i32
    %c0_i32_1 = arith.constant 0 : i32
    return %c0_i32, %arg1, %c0_i32_0 : i32, i32, i32
  }
  func.func @transform_2(%arg0: i32, %arg1: i32) -> (i32, i32) {
    %c0_i32 = arith.constant 0 : i32
    %c0_i32_0 = arith.constant 0 : i32
    return %arg1, %c0_i32 : i32, i32
  }
  func.func @transform_3(%arg0: i32, %arg1: i32) -> (i32, i32) {
    %c0_i32 = arith.constant 0 : i32
    %c0_i32_0 = arith.constant 0 : i32
    %c0_i32_1 = arith.constant 0 : i32
    return %c0_i32, %c0_i32_0 : i32, i32
  }
  func.func @transform_4(%arg0: i32, %arg1: i32) -> (i32, i32) {
    %c0_i32 = arith.constant 0 : i32
    %c0_i32_0 = arith.constant 0 : i32
    return %arg1, %c0_i32 : i32, i32
  }
}

module attributes {stable_mosaic.version = 14 : i64} {
  func.func @_xws_kernel(%arg0: i32, %arg1: memref<512x320xf32, #tpu.memory_space<vmem>>, %arg2: memref<320x192xf32, #tpu.memory_space<vmem>>, %arg3: memref<512x1xf32, #tpu.memory_space<vmem>>, %arg4: memref<512x192xf32, #tpu.memory_space<vmem>>) attributes {dimension_semantics = [#tpu.dimension_semantics<arbitrary>], iteration_bounds = array<i64: 20>, scalar_prefetch = 0 : i64, scratch_operands = 0 : i64, tpu.core_type = #tpu.core_type<tc>, window_params = [{transform_indices = @transform_0, window_bounds = array<i64: 512, 320>}, {pipeline_mode = #tpu.pipeline_mode<synchronous>, transform_indices = @transform_1, window_bounds = array<i64: 320, 192>}, {transform_indices = @transform_2, window_bounds = array<i64: 512, 1>}, {transform_indices = @transform_3, window_bounds = array<i64: 512, 192>}]} {
    %get3A = arith.constant 0 : index
    %get3A_0 = arith.constant 0 : index
    %get3A_1 = vector.load %arg3[%get3A, %get3A_0] : memref<512x1xf32, #tpu.memory_space<vmem>>, vector<512x1xf32>
    %get3A_2 = arith.constant 0 : index
    %get3A_3 = arith.constant 0 : index
    %get3A_4 = vector.load %arg1[%get3A_2, %get3A_3] : memref<512x320xf32, #tpu.memory_space<vmem>>, vector<512x320xf32>
    %get3A_5 = arith.constant 0 : index
    %get3A_6 = arith.constant 0 : index
    %get3A_7 = vector.load %arg2[%get3A_5, %get3A_6] : memref<320x192xf32, #tpu.memory_space<vmem>>, vector<320x192xf32>
    %dot_general3A = arith.constant dense<0.000000e+00> : vector<512x192xf32>
    %dot_general3A_8 = tpu.matmul %get3A_4, %get3A_7, %dot_general3A {dimension_numbers = #tpu.dot_dimension_numbers<[1], [0], [0], [1], [0, 0, 1, 1], [], []>, transpose_lhs_hint = false} : vector<512x320xf32>, vector<320x192xf32>, vector<512x192xf32> -> vector<512x192xf32>
    %mul3A = vector.broadcast %get3A_1 : vector<512x1xf32> to vector<512x192xf32>
    %mul3A_9 = arith.mulf %mul3A, %dot_general3A_8 : vector<512x192xf32>
    %swap3A = arith.constant 0 : index
    %swap3A_10 = arith.constant 0 : index
    %swap3A_11 = vector.load %arg4[%swap3A, %swap3A_10] : memref<512x192xf32, #tpu.memory_space<vmem>>, vector<512x192xf32>
    tpu.vector_store %arg4[%swap3A, %swap3A_10], %mul3A_9 {strides = array<i32>} : memref<512x192xf32, #tpu.memory_space<vmem>>, vector<512x192xf32>,
    return
  }
  func.func @transform_0(%arg0: i32) -> (i32, i32) {
    %c0_i32 = arith.constant 0 : i32
    %c0_i32_0 = arith.constant 0 : i32
    return %arg0, %c0_i32 : i32, i32
  }
  func.func @transform_1(%arg0: i32) -> (i32, i32) {
    %c0_i32 = arith.constant 0 : i32
    %c0_i32_0 = arith.constant 0 : i32
    %c0_i32_1 = arith.constant 0 : i32
    return %c0_i32, %c0_i32_0 : i32, i32
  }
  func.func @transform_2(%arg0: i32) -> (i32, i32) {
    %c0_i32 = arith.constant 0 : i32
    %c0_i32_0 = arith.constant 0 : i32
    return %arg0, %c0_i32 : i32, i32
  }
  func.func @transform_3(%arg0: i32) -> (i32, i32) {
    %c0_i32 = arith.constant 0 : i32
    %c0_i32_0 = arith.constant 0 : i32
    return %arg0, %c0_i32 : i32, i32
  }
}

module attributes {stable_mosaic.version = 14 : i64} {
  func.func @_post_kernel(%arg0: i32, %arg1: i32, %arg2: memref<2x512x96xf32, #tpu.memory_space<vmem>>, %arg3: memref<2x512x96xf32, #tpu.memory_space<vmem>>, %arg4: memref<512x1xf32, #tpu.memory_space<vmem>>, %arg5: memref<1x192xf32, #tpu.memory_space<vmem>>, %arg6: memref<512x192xf32, #tpu.memory_space<vmem>>, %arg7: memref<1x192xf32, #tpu.memory_space<vmem>>, %arg8: memref<1x192xf32, #tpu.memory_space<vmem>>) attributes {dimension_semantics = [#tpu.dimension_semantics<arbitrary>, #tpu.dimension_semantics<arbitrary>], iteration_bounds = array<i64: 3, 20>, scalar_prefetch = 0 : i64, scratch_operands = 2 : i64, tpu.core_type = #tpu.core_type<tc>, window_params = [{transform_indices = @transform_0, window_bounds = array<i64: 2, 512, 96>}, {transform_indices = @transform_1, window_bounds = array<i64: 2, 512, 96>}, {transform_indices = @transform_2, window_bounds = array<i64: 512, 1>}, {pipeline_mode = #tpu.pipeline_mode<synchronous>, transform_indices = @transform_3, window_bounds = array<i64: 1, 192>}, {transform_indices = @transform_4, window_bounds = array<i64: 512, 192>}]} {
    %get3A = arith.constant 0 : index
    %get3A_0 = arith.constant 0 : index
    %get3A_1 = arith.constant 0 : index
    %get3A_2 = vector.load %arg2[%get3A, %get3A_0, %get3A_1] : memref<2x512x96xf32, #tpu.memory_space<vmem>>, vector<2x512x96xf32>
    %get3A_3 = arith.constant 0 : index
    %get3A_4 = arith.constant 0 : index
    %get3A_5 = arith.constant 0 : index
    %get3A_6 = vector.load %arg3[%get3A_3, %get3A_4, %get3A_5] : memref<2x512x96xf32, #tpu.memory_space<vmem>>, vector<2x512x96xf32>
    %slice3A = vector.extract_strided_slice %get3A_2 {offsets = [0, 0, 0], sizes = [1, 512, 96], strides = [1, 1, 1]} : vector<2x512x96xf32> to vector<1x512x96xf32>
    %squeeze3A = vector.shape_cast %slice3A : vector<1x512x96xf32> to vector<512x96xf32>
    %slice3A_7 = vector.extract_strided_slice %get3A_6 {offsets = [0, 0, 0], sizes = [1, 512, 96], strides = [1, 1, 1]} : vector<2x512x96xf32> to vector<1x512x96xf32>
    %squeeze3A_8 = vector.shape_cast %slice3A_7 : vector<1x512x96xf32> to vector<512x96xf32>
    %add3A = arith.addf %squeeze3A, %squeeze3A_8 : vector<512x96xf32>
    %slice3A_9 = vector.extract_strided_slice %get3A_2 {offsets = [1, 0, 0], sizes = [1, 512, 96], strides = [1, 1, 1]} : vector<2x512x96xf32> to vector<1x512x96xf32>
    %squeeze3A_10 = vector.shape_cast %slice3A_9 : vector<1x512x96xf32> to vector<512x96xf32>
    %slice3A_11 = vector.extract_strided_slice %get3A_6 {offsets = [1, 0, 0], sizes = [1, 512, 96], strides = [1, 1, 1]} : vector<2x512x96xf32> to vector<1x512x96xf32>
    %squeeze3A_12 = vector.shape_cast %slice3A_11 : vector<1x512x96xf32> to vector<512x96xf32>
    %add3A_13 = arith.addf %squeeze3A_10, %squeeze3A_12 : vector<512x96xf32>
    %concatenate3A = tpu.concatenate %add3A, %add3A_13 in 1 : vector<512x96xf32>, vector<512x96xf32> -> vector<512x192xf32>
    %get3A_14 = arith.constant 0 : index
    %get3A_15 = arith.constant 0 : index
    %get3A_16 = vector.load %arg4[%get3A_14, %get3A_15] : memref<512x1xf32, #tpu.memory_space<vmem>>, vector<512x1xf32>
    %mul3A = vector.broadcast %get3A_16 : vector<512x1xf32> to vector<512x192xf32>
    %mul3A_17 = arith.mulf %concatenate3A, %mul3A : vector<512x192xf32>
    %get3A_18 = arith.constant 0 : index
    %get3A_19 = arith.constant 0 : index
    %get3A_20 = vector.load %arg5[%get3A_18, %get3A_19] : memref<1x192xf32, #tpu.memory_space<vmem>>, vector<1x192xf32>
    %add3A_21 = vector.broadcast %get3A_20 : vector<1x192xf32> to vector<512x192xf32>
    %add3A_22 = arith.addf %mul3A_17, %add3A_21 : vector<512x192xf32>
    %ge3A = arith.constant 0.000000e+00 : f32
    %ge3A_23 = vector.broadcast %ge3A : f32 to vector<512x192xf32>
    %ge3A_24 = arith.cmpf oge, %add3A_22, %ge3A_23 : vector<512x192xf32>
    %mul3A_25 = arith.constant 0.00999999977 : f32
    %mul3A_26 = vector.broadcast %mul3A_25 : f32 to vector<512x192xf32>
    %mul3A_27 = arith.mulf %mul3A_26, %add3A_22 : vector<512x192xf32>
    %select_n3A = arith.select %ge3A_24, %add3A_22, %mul3A_27 : vector<512x192xi1>, vector<512x192xf32>
    %mul3A_28 = arith.constant 512 : i32
    %mul3A_29 = arith.muli %arg1, %mul3A_28 : i32
    %iota3A = tpu.iota {dimensions = array<i32: 0>} : vector<512x1xi32>
    %add3A_30 = vector.broadcast %mul3A_29 : i32 to vector<512x1xi32>
    %add3A_31 = arith.addi %add3A_30, %iota3A : vector<512x1xi32>
    %lt3A = arith.constant 10000 : i32
    %lt3A_32 = vector.broadcast %lt3A : i32 to vector<512x1xi32>
    %lt3A_33 = arith.cmpi slt, %add3A_31, %lt3A_32 : vector<512x1xi32>
    %jit3A = arith.constant 0.000000e+00 : f32
    %broadcast_in_dim3A = vector.shape_cast %lt3A_33 : vector<512x1xi1> to vector<512x1xi1>
    %broadcast_in_dim3A_34 = vector.broadcast %broadcast_in_dim3A : vector<512x1xi1> to vector<512x192xi1>
    %broadcast_in_dim3A_35 = vector.broadcast %jit3A : f32 to vector<512x192xf32>
    %select_n3A_36 = arith.select %broadcast_in_dim3A_34, %select_n3A, %broadcast_in_dim3A_35 : vector<512x192xi1>, vector<512x192xf32>
    %lt3A_37 = arith.constant 10000 : i32
    %lt3A_38 = vector.broadcast %lt3A_37 : i32 to vector<512x1xi32>
    %lt3A_39 = arith.cmpi slt, %add3A_31, %lt3A_38 : vector<512x1xi32>
    %eq3A = arith.constant 0 : i32
    %eq3A_40 = arith.cmpi eq, %arg0, %eq3A : i32
    %convert_element_type3A = arith.extui %eq3A_40 : i1 to i32
    %cond3A = arith.constant 0 : i32
    %cond3A_41 = arith.cmpi ne, %convert_element_type3A, %cond3A : i32
    scf.if %cond3A_41 {
      %eq3A_52 = arith.constant 0 : i32
      %eq3A_53 = arith.cmpi eq, %arg1, %eq3A_52 : i32
      %convert_element_type3A_54 = arith.extui %eq3A_53 : i1 to i32
      %cond3A_55 = arith.constant 0 : i32
      %cond3A_56 = arith.cmpi ne, %convert_element_type3A_54, %cond3A_55 : i32
      scf.if %cond3A_56 {
        %broadcast_in_dim3A_65 = arith.constant 0.000000e+00 : f32
        %broadcast_in_dim3A_66 = vector.broadcast %broadcast_in_dim3A_65 : f32 to vector<1x192xf32>
        %swap3A_67 = arith.constant 0 : index
        %swap3A_68 = arith.constant 0 : index
        %swap3A_69 = vector.load %arg7[%swap3A_67, %swap3A_68] : memref<1x192xf32, #tpu.memory_space<vmem>>, vector<1x192xf32>
        tpu.vector_store %arg7[%swap3A_67, %swap3A_68], %broadcast_in_dim3A_66 {strides = array<i32>} : memref<1x192xf32, #tpu.memory_space<vmem>>, vector<1x192xf32>,
      } else {
      }
      %get3A_57 = arith.constant 0 : index
      %get3A_58 = arith.constant 0 : index
      %get3A_59 = vector.load %arg7[%get3A_57, %get3A_58] : memref<1x192xf32, #tpu.memory_space<vmem>>, vector<1x192xf32>
      %reduce_sum3A = arith.constant dense<0.000000e+00> : vector<192xf32>
      %reduce_sum3A_60 = vector.multi_reduction <add>, %select_n3A_36, %reduce_sum3A [0] : vector<512x192xf32> to vector<192xf32>
      %broadcast_in_dim3A_61 = vector.shape_cast %reduce_sum3A_60 : vector<192xf32> to vector<1x192xf32>
      %add3A_62 = arith.addf %get3A_59, %broadcast_in_dim3A_61 : vector<1x192xf32>
      %swap3A = arith.constant 0 : index
      %swap3A_63 = arith.constant 0 : index
      %swap3A_64 = vector.load %arg7[%swap3A, %swap3A_63] : memref<1x192xf32, #tpu.memory_space<vmem>>, vector<1x192xf32>
      tpu.vector_store %arg7[%swap3A, %swap3A_63], %add3A_62 {strides = array<i32>} : memref<1x192xf32, #tpu.memory_space<vmem>>, vector<1x192xf32>,
    } else {
    }
    %eq3A_42 = arith.constant 1 : i32
    %eq3A_43 = arith.cmpi eq, %arg0, %eq3A_42 : i32
    %convert_element_type3A_44 = arith.extui %eq3A_43 : i1 to i32
    %cond3A_45 = arith.constant 0 : i32
    %cond3A_46 = arith.cmpi ne, %convert_element_type3A_44, %cond3A_45 : i32
    scf.if %cond3A_46 {
      %eq3A_52 = arith.constant 0 : i32
      %eq3A_53 = arith.cmpi eq, %arg1, %eq3A_52 : i32
      %convert_element_type3A_54 = arith.extui %eq3A_53 : i1 to i32
      %cond3A_55 = arith.constant 0 : i32
      %cond3A_56 = arith.cmpi ne, %convert_element_type3A_54, %cond3A_55 : i32
      scf.if %cond3A_56 {
        %broadcast_in_dim3A_77 = arith.constant 0.000000e+00 : f32
        %broadcast_in_dim3A_78 = vector.broadcast %broadcast_in_dim3A_77 : f32 to vector<1x192xf32>
        %swap3A_79 = arith.constant 0 : index
        %swap3A_80 = arith.constant 0 : index
        %swap3A_81 = vector.load %arg8[%swap3A_79, %swap3A_80] : memref<1x192xf32, #tpu.memory_space<vmem>>, vector<1x192xf32>
        tpu.vector_store %arg8[%swap3A_79, %swap3A_80], %broadcast_in_dim3A_78 {strides = array<i32>} : memref<1x192xf32, #tpu.memory_space<vmem>>, vector<1x192xf32>,
      } else {
      }
      %get3A_57 = arith.constant 0 : index
      %get3A_58 = arith.constant 0 : index
      %get3A_59 = vector.load %arg7[%get3A_57, %get3A_58] : memref<1x192xf32, #tpu.memory_space<vmem>>, vector<1x192xf32>
      %div3A = arith.constant 1.000000e+04 : f32
      %div3A_60 = vector.broadcast %div3A : f32 to vector<1x192xf32>
      %div3A_61 = arith.divf %get3A_59, %div3A_60 : vector<1x192xf32>
      %sub3A = vector.broadcast %div3A_61 : vector<1x192xf32> to vector<512x192xf32>
      %sub3A_62 = arith.subf %select_n3A_36, %sub3A : vector<512x192xf32>
      %jit3A_63 = arith.constant 0.000000e+00 : f32
      %broadcast_in_dim3A_64 = vector.shape_cast %lt3A_39 : vector<512x1xi1> to vector<512x1xi1>
      %broadcast_in_dim3A_65 = vector.broadcast %broadcast_in_dim3A_64 : vector<512x1xi1> to vector<512x192xi1>
      %broadcast_in_dim3A_66 = vector.broadcast %jit3A_63 : f32 to vector<512x192xf32>
      %select_n3A_67 = arith.select %broadcast_in_dim3A_65, %sub3A_62, %broadcast_in_dim3A_66 : vector<512x192xi1>, vector<512x192xf32>
      %get3A_68 = arith.constant 0 : index
      %get3A_69 = arith.constant 0 : index
      %get3A_70 = vector.load %arg8[%get3A_68, %get3A_69] : memref<1x192xf32, #tpu.memory_space<vmem>>, vector<1x192xf32>
      %mul3A_71 = arith.mulf %select_n3A_67, %select_n3A_67 : vector<512x192xf32>
      %reduce_sum3A = arith.constant dense<0.000000e+00> : vector<192xf32>
      %reduce_sum3A_72 = vector.multi_reduction <add>, %mul3A_71, %reduce_sum3A [0] : vector<512x192xf32> to vector<192xf32>
      %broadcast_in_dim3A_73 = vector.shape_cast %reduce_sum3A_72 : vector<192xf32> to vector<1x192xf32>
      %add3A_74 = arith.addf %get3A_70, %broadcast_in_dim3A_73 : vector<1x192xf32>
      %swap3A = arith.constant 0 : index
      %swap3A_75 = arith.constant 0 : index
      %swap3A_76 = vector.load %arg8[%swap3A, %swap3A_75] : memref<1x192xf32, #tpu.memory_space<vmem>>, vector<1x192xf32>
      tpu.vector_store %arg8[%swap3A, %swap3A_75], %add3A_74 {strides = array<i32>} : memref<1x192xf32, #tpu.memory_space<vmem>>, vector<1x192xf32>,
    } else {
    }
    %eq3A_47 = arith.constant 2 : i32
    %eq3A_48 = arith.cmpi eq, %arg0, %eq3A_47 : i32
    %convert_element_type3A_49 = arith.extui %eq3A_48 : i1 to i32
    %cond3A_50 = arith.constant 0 : i32
    %cond3A_51 = arith.cmpi ne, %convert_element_type3A_49, %cond3A_50 : i32
    scf.if %cond3A_51 {
      %get3A_52 = arith.constant 0 : index
      %get3A_53 = arith.constant 0 : index
      %get3A_54 = vector.load %arg7[%get3A_52, %get3A_53] : memref<1x192xf32, #tpu.memory_space<vmem>>, vector<1x192xf32>
      %div3A = arith.constant 1.000000e+04 : f32
      %div3A_55 = vector.broadcast %div3A : f32 to vector<1x192xf32>
      %div3A_56 = arith.divf %get3A_54, %div3A_55 : vector<1x192xf32>
      %get3A_57 = arith.constant 0 : index
      %get3A_58 = arith.constant 0 : index
      %get3A_59 = vector.load %arg8[%get3A_57, %get3A_58] : memref<1x192xf32, #tpu.memory_space<vmem>>, vector<1x192xf32>
      %div3A_60 = arith.constant 1.000000e+04 : f32
      %div3A_61 = vector.broadcast %div3A_60 : f32 to vector<1x192xf32>
      %div3A_62 = arith.divf %get3A_59, %div3A_61 : vector<1x192xf32>
      %sub3A = vector.broadcast %div3A_56 : vector<1x192xf32> to vector<512x192xf32>
      %sub3A_63 = arith.subf %select_n3A_36, %sub3A : vector<512x192xf32>
      %add3A_64 = arith.constant 9.99999974E-6 : f32
      %add3A_65 = vector.broadcast %add3A_64 : f32 to vector<1x192xf32>
      %add3A_66 = arith.addf %div3A_62, %add3A_65 : vector<1x192xf32>
      %sqrt3A = math.sqrt %add3A_66 : vector<1x192xf32>
      %div3A_67 = vector.broadcast %sqrt3A : vector<1x192xf32> to vector<512x192xf32>
      %div3A_68 = arith.divf %sub3A_63, %div3A_67 : vector<512x192xf32>
      %swap3A = arith.constant 0 : index
      %swap3A_69 = arith.constant 0 : index
      %swap3A_70 = vector.load %arg6[%swap3A, %swap3A_69] : memref<512x192xf32, #tpu.memory_space<vmem>>, vector<512x192xf32>
      tpu.vector_store %arg6[%swap3A, %swap3A_69], %div3A_68 {strides = array<i32>} : memref<512x192xf32, #tpu.memory_space<vmem>>, vector<512x192xf32>,
    } else {
    }
    return
  }
  func.func @transform_0(%arg0: i32, %arg1: i32) -> (i32, i32, i32) {
    %c0_i32 = arith.constant 0 : i32
    %c0_i32_0 = arith.constant 0 : i32
    %c0_i32_1 = arith.constant 0 : i32
    return %c0_i32, %arg1, %c0_i32_0 : i32, i32, i32
  }
  func.func @transform_1(%arg0: i32, %arg1: i32) -> (i32, i32, i32) {
    %c0_i32 = arith.constant 0 : i32
    %c0_i32_0 = arith.constant 0 : i32
    %c0_i32_1 = arith.constant 0 : i32
    return %c0_i32, %arg1, %c0_i32_0 : i32, i32, i32
  }
  func.func @transform_2(%arg0: i32, %arg1: i32) -> (i32, i32) {
    %c0_i32 = arith.constant 0 : i32
    %c0_i32_0 = arith.constant 0 : i32
    return %arg1, %c0_i32 : i32, i32
  }
  func.func @transform_3(%arg0: i32, %arg1: i32) -> (i32, i32) {
    %c0_i32 = arith.constant 0 : i32
    %c0_i32_0 = arith.constant 0 : i32
    %c0_i32_1 = arith.constant 0 : i32
    return %c0_i32, %c0_i32_0 : i32, i32
  }
  func.func @transform_4(%arg0: i32, %arg1: i32) -> (i32, i32) {
    %c0_i32 = arith.constant 0 : i32
    %c0_i32_0 = arith.constant 0 : i32
    return %arg1, %c0_i32 : i32, i32
  }
}

module attributes {stable_mosaic.version = 14 : i64} {
  func.func @_xws_kernel(%arg0: i32, %arg1: memref<512x192xf32, #tpu.memory_space<vmem>>, %arg2: memref<192x96xf32, #tpu.memory_space<vmem>>, %arg3: memref<512x1xf32, #tpu.memory_space<vmem>>, %arg4: memref<512x96xf32, #tpu.memory_space<vmem>>) attributes {dimension_semantics = [#tpu.dimension_semantics<arbitrary>], iteration_bounds = array<i64: 20>, scalar_prefetch = 0 : i64, scratch_operands = 0 : i64, tpu.core_type = #tpu.core_type<tc>, window_params = [{transform_indices = @transform_0, window_bounds = array<i64: 512, 192>}, {pipeline_mode = #tpu.pipeline_mode<synchronous>, transform_indices = @transform_1, window_bounds = array<i64: 192, 96>}, {transform_indices = @transform_2, window_bounds = array<i64: 512, 1>}, {transform_indices = @transform_3, window_bounds = array<i64: 512, 96>}]} {
    %get3A = arith.constant 0 : index
    %get3A_0 = arith.constant 0 : index
    %get3A_1 = vector.load %arg3[%get3A, %get3A_0] : memref<512x1xf32, #tpu.memory_space<vmem>>, vector<512x1xf32>
    %get3A_2 = arith.constant 0 : index
    %get3A_3 = arith.constant 0 : index
    %get3A_4 = vector.load %arg1[%get3A_2, %get3A_3] : memref<512x192xf32, #tpu.memory_space<vmem>>, vector<512x192xf32>
    %get3A_5 = arith.constant 0 : index
    %get3A_6 = arith.constant 0 : index
    %get3A_7 = vector.load %arg2[%get3A_5, %get3A_6] : memref<192x96xf32, #tpu.memory_space<vmem>>, vector<192x96xf32>
    %dot_general3A = arith.constant dense<0.000000e+00> : vector<512x96xf32>
    %dot_general3A_8 = tpu.matmul %get3A_4, %get3A_7, %dot_general3A {dimension_numbers = #tpu.dot_dimension_numbers<[1], [0], [0], [1], [0, 0, 1, 1], [], []>, transpose_lhs_hint = false} : vector<512x192xf32>, vector<192x96xf32>, vector<512x96xf32> -> vector<512x96xf32>
    %mul3A = vector.broadcast %get3A_1 : vector<512x1xf32> to vector<512x96xf32>
    %mul3A_9 = arith.mulf %mul3A, %dot_general3A_8 : vector<512x96xf32>
    %swap3A = arith.constant 0 : index
    %swap3A_10 = arith.constant 0 : index
    %swap3A_11 = vector.load %arg4[%swap3A, %swap3A_10] : memref<512x96xf32, #tpu.memory_space<vmem>>, vector<512x96xf32>
    tpu.vector_store %arg4[%swap3A, %swap3A_10], %mul3A_9 {strides = array<i32>} : memref<512x96xf32, #tpu.memory_space<vmem>>, vector<512x96xf32>,
    return
  }
  func.func @transform_0(%arg0: i32) -> (i32, i32) {
    %c0_i32 = arith.constant 0 : i32
    %c0_i32_0 = arith.constant 0 : i32
    return %arg0, %c0_i32 : i32, i32
  }
  func.func @transform_1(%arg0: i32) -> (i32, i32) {
    %c0_i32 = arith.constant 0 : i32
    %c0_i32_0 = arith.constant 0 : i32
    %c0_i32_1 = arith.constant 0 : i32
    return %c0_i32, %c0_i32_0 : i32, i32
  }
  func.func @transform_2(%arg0: i32) -> (i32, i32) {
    %c0_i32 = arith.constant 0 : i32
    %c0_i32_0 = arith.constant 0 : i32
    return %arg0, %c0_i32 : i32, i32
  }
  func.func @transform_3(%arg0: i32) -> (i32, i32) {
    %c0_i32 = arith.constant 0 : i32
    %c0_i32_0 = arith.constant 0 : i32
    return %arg0, %c0_i32 : i32, i32
  }
}

module attributes {stable_mosaic.version = 14 : i64} {
  func.func @_post_kernel(%arg0: i32, %arg1: i32, %arg2: memref<2x512x48xf32, #tpu.memory_space<vmem>>, %arg3: memref<2x512x48xf32, #tpu.memory_space<vmem>>, %arg4: memref<512x1xf32, #tpu.memory_space<vmem>>, %arg5: memref<1x96xf32, #tpu.memory_space<vmem>>, %arg6: memref<512x96xf32, #tpu.memory_space<vmem>>, %arg7: memref<1x96xf32, #tpu.memory_space<vmem>>, %arg8: memref<1x96xf32, #tpu.memory_space<vmem>>) attributes {dimension_semantics = [#tpu.dimension_semantics<arbitrary>, #tpu.dimension_semantics<arbitrary>], iteration_bounds = array<i64: 3, 20>, scalar_prefetch = 0 : i64, scratch_operands = 2 : i64, tpu.core_type = #tpu.core_type<tc>, window_params = [{transform_indices = @transform_0, window_bounds = array<i64: 2, 512, 48>}, {transform_indices = @transform_1, window_bounds = array<i64: 2, 512, 48>}, {transform_indices = @transform_2, window_bounds = array<i64: 512, 1>}, {pipeline_mode = #tpu.pipeline_mode<synchronous>, transform_indices = @transform_3, window_bounds = array<i64: 1, 96>}, {transform_indices = @transform_4, window_bounds = array<i64: 512, 96>}]} {
    %get3A = arith.constant 0 : index
    %get3A_0 = arith.constant 0 : index
    %get3A_1 = arith.constant 0 : index
    %get3A_2 = vector.load %arg2[%get3A, %get3A_0, %get3A_1] : memref<2x512x48xf32, #tpu.memory_space<vmem>>, vector<2x512x48xf32>
    %get3A_3 = arith.constant 0 : index
    %get3A_4 = arith.constant 0 : index
    %get3A_5 = arith.constant 0 : index
    %get3A_6 = vector.load %arg3[%get3A_3, %get3A_4, %get3A_5] : memref<2x512x48xf32, #tpu.memory_space<vmem>>, vector<2x512x48xf32>
    %slice3A = vector.extract_strided_slice %get3A_2 {offsets = [0, 0, 0], sizes = [1, 512, 48], strides = [1, 1, 1]} : vector<2x512x48xf32> to vector<1x512x48xf32>
    %squeeze3A = vector.shape_cast %slice3A : vector<1x512x48xf32> to vector<512x48xf32>
    %slice3A_7 = vector.extract_strided_slice %get3A_6 {offsets = [0, 0, 0], sizes = [1, 512, 48], strides = [1, 1, 1]} : vector<2x512x48xf32> to vector<1x512x48xf32>
    %squeeze3A_8 = vector.shape_cast %slice3A_7 : vector<1x512x48xf32> to vector<512x48xf32>
    %add3A = arith.addf %squeeze3A, %squeeze3A_8 : vector<512x48xf32>
    %slice3A_9 = vector.extract_strided_slice %get3A_2 {offsets = [1, 0, 0], sizes = [1, 512, 48], strides = [1, 1, 1]} : vector<2x512x48xf32> to vector<1x512x48xf32>
    %squeeze3A_10 = vector.shape_cast %slice3A_9 : vector<1x512x48xf32> to vector<512x48xf32>
    %slice3A_11 = vector.extract_strided_slice %get3A_6 {offsets = [1, 0, 0], sizes = [1, 512, 48], strides = [1, 1, 1]} : vector<2x512x48xf32> to vector<1x512x48xf32>
    %squeeze3A_12 = vector.shape_cast %slice3A_11 : vector<1x512x48xf32> to vector<512x48xf32>
    %add3A_13 = arith.addf %squeeze3A_10, %squeeze3A_12 : vector<512x48xf32>
    %concatenate3A = tpu.concatenate %add3A, %add3A_13 in 1 : vector<512x48xf32>, vector<512x48xf32> -> vector<512x96xf32>
    %get3A_14 = arith.constant 0 : index
    %get3A_15 = arith.constant 0 : index
    %get3A_16 = vector.load %arg4[%get3A_14, %get3A_15] : memref<512x1xf32, #tpu.memory_space<vmem>>, vector<512x1xf32>
    %mul3A = vector.broadcast %get3A_16 : vector<512x1xf32> to vector<512x96xf32>
    %mul3A_17 = arith.mulf %concatenate3A, %mul3A : vector<512x96xf32>
    %get3A_18 = arith.constant 0 : index
    %get3A_19 = arith.constant 0 : index
    %get3A_20 = vector.load %arg5[%get3A_18, %get3A_19] : memref<1x96xf32, #tpu.memory_space<vmem>>, vector<1x96xf32>
    %add3A_21 = vector.broadcast %get3A_20 : vector<1x96xf32> to vector<512x96xf32>
    %add3A_22 = arith.addf %mul3A_17, %add3A_21 : vector<512x96xf32>
    %ge3A = arith.constant 0.000000e+00 : f32
    %ge3A_23 = vector.broadcast %ge3A : f32 to vector<512x96xf32>
    %ge3A_24 = arith.cmpf oge, %add3A_22, %ge3A_23 : vector<512x96xf32>
    %mul3A_25 = arith.constant 0.00999999977 : f32
    %mul3A_26 = vector.broadcast %mul3A_25 : f32 to vector<512x96xf32>
    %mul3A_27 = arith.mulf %mul3A_26, %add3A_22 : vector<512x96xf32>
    %select_n3A = arith.select %ge3A_24, %add3A_22, %mul3A_27 : vector<512x96xi1>, vector<512x96xf32>
    %mul3A_28 = arith.constant 512 : i32
    %mul3A_29 = arith.muli %arg1, %mul3A_28 : i32
    %iota3A = tpu.iota {dimensions = array<i32: 0>} : vector<512x1xi32>
    %add3A_30 = vector.broadcast %mul3A_29 : i32 to vector<512x1xi32>
    %add3A_31 = arith.addi %add3A_30, %iota3A : vector<512x1xi32>
    %lt3A = arith.constant 10000 : i32
    %lt3A_32 = vector.broadcast %lt3A : i32 to vector<512x1xi32>
    %lt3A_33 = arith.cmpi slt, %add3A_31, %lt3A_32 : vector<512x1xi32>
    %jit3A = arith.constant 0.000000e+00 : f32
    %broadcast_in_dim3A = vector.shape_cast %lt3A_33 : vector<512x1xi1> to vector<512x1xi1>
    %broadcast_in_dim3A_34 = vector.broadcast %broadcast_in_dim3A : vector<512x1xi1> to vector<512x96xi1>
    %broadcast_in_dim3A_35 = vector.broadcast %jit3A : f32 to vector<512x96xf32>
    %select_n3A_36 = arith.select %broadcast_in_dim3A_34, %select_n3A, %broadcast_in_dim3A_35 : vector<512x96xi1>, vector<512x96xf32>
    %lt3A_37 = arith.constant 10000 : i32
    %lt3A_38 = vector.broadcast %lt3A_37 : i32 to vector<512x1xi32>
    %lt3A_39 = arith.cmpi slt, %add3A_31, %lt3A_38 : vector<512x1xi32>
    %eq3A = arith.constant 0 : i32
    %eq3A_40 = arith.cmpi eq, %arg0, %eq3A : i32
    %convert_element_type3A = arith.extui %eq3A_40 : i1 to i32
    %cond3A = arith.constant 0 : i32
    %cond3A_41 = arith.cmpi ne, %convert_element_type3A, %cond3A : i32
    scf.if %cond3A_41 {
      %eq3A_52 = arith.constant 0 : i32
      %eq3A_53 = arith.cmpi eq, %arg1, %eq3A_52 : i32
      %convert_element_type3A_54 = arith.extui %eq3A_53 : i1 to i32
      %cond3A_55 = arith.constant 0 : i32
      %cond3A_56 = arith.cmpi ne, %convert_element_type3A_54, %cond3A_55 : i32
      scf.if %cond3A_56 {
        %broadcast_in_dim3A_65 = arith.constant 0.000000e+00 : f32
        %broadcast_in_dim3A_66 = vector.broadcast %broadcast_in_dim3A_65 : f32 to vector<1x96xf32>
        %swap3A_67 = arith.constant 0 : index
        %swap3A_68 = arith.constant 0 : index
        %swap3A_69 = vector.load %arg7[%swap3A_67, %swap3A_68] : memref<1x96xf32, #tpu.memory_space<vmem>>, vector<1x96xf32>
        tpu.vector_store %arg7[%swap3A_67, %swap3A_68], %broadcast_in_dim3A_66 {strides = array<i32>} : memref<1x96xf32, #tpu.memory_space<vmem>>, vector<1x96xf32>,
      } else {
      }
      %get3A_57 = arith.constant 0 : index
      %get3A_58 = arith.constant 0 : index
      %get3A_59 = vector.load %arg7[%get3A_57, %get3A_58] : memref<1x96xf32, #tpu.memory_space<vmem>>, vector<1x96xf32>
      %reduce_sum3A = arith.constant dense<0.000000e+00> : vector<96xf32>
      %reduce_sum3A_60 = vector.multi_reduction <add>, %select_n3A_36, %reduce_sum3A [0] : vector<512x96xf32> to vector<96xf32>
      %broadcast_in_dim3A_61 = vector.shape_cast %reduce_sum3A_60 : vector<96xf32> to vector<1x96xf32>
      %add3A_62 = arith.addf %get3A_59, %broadcast_in_dim3A_61 : vector<1x96xf32>
      %swap3A = arith.constant 0 : index
      %swap3A_63 = arith.constant 0 : index
      %swap3A_64 = vector.load %arg7[%swap3A, %swap3A_63] : memref<1x96xf32, #tpu.memory_space<vmem>>, vector<1x96xf32>
      tpu.vector_store %arg7[%swap3A, %swap3A_63], %add3A_62 {strides = array<i32>} : memref<1x96xf32, #tpu.memory_space<vmem>>, vector<1x96xf32>,
    } else {
    }
    %eq3A_42 = arith.constant 1 : i32
    %eq3A_43 = arith.cmpi eq, %arg0, %eq3A_42 : i32
    %convert_element_type3A_44 = arith.extui %eq3A_43 : i1 to i32
    %cond3A_45 = arith.constant 0 : i32
    %cond3A_46 = arith.cmpi ne, %convert_element_type3A_44, %cond3A_45 : i32
    scf.if %cond3A_46 {
      %eq3A_52 = arith.constant 0 : i32
      %eq3A_53 = arith.cmpi eq, %arg1, %eq3A_52 : i32
      %convert_element_type3A_54 = arith.extui %eq3A_53 : i1 to i32
      %cond3A_55 = arith.constant 0 : i32
      %cond3A_56 = arith.cmpi ne, %convert_element_type3A_54, %cond3A_55 : i32
      scf.if %cond3A_56 {
        %broadcast_in_dim3A_77 = arith.constant 0.000000e+00 : f32
        %broadcast_in_dim3A_78 = vector.broadcast %broadcast_in_dim3A_77 : f32 to vector<1x96xf32>
        %swap3A_79 = arith.constant 0 : index
        %swap3A_80 = arith.constant 0 : index
        %swap3A_81 = vector.load %arg8[%swap3A_79, %swap3A_80] : memref<1x96xf32, #tpu.memory_space<vmem>>, vector<1x96xf32>
        tpu.vector_store %arg8[%swap3A_79, %swap3A_80], %broadcast_in_dim3A_78 {strides = array<i32>} : memref<1x96xf32, #tpu.memory_space<vmem>>, vector<1x96xf32>,
      } else {
      }
      %get3A_57 = arith.constant 0 : index
      %get3A_58 = arith.constant 0 : index
      %get3A_59 = vector.load %arg7[%get3A_57, %get3A_58] : memref<1x96xf32, #tpu.memory_space<vmem>>, vector<1x96xf32>
      %div3A = arith.constant 1.000000e+04 : f32
      %div3A_60 = vector.broadcast %div3A : f32 to vector<1x96xf32>
      %div3A_61 = arith.divf %get3A_59, %div3A_60 : vector<1x96xf32>
      %sub3A = vector.broadcast %div3A_61 : vector<1x96xf32> to vector<512x96xf32>
      %sub3A_62 = arith.subf %select_n3A_36, %sub3A : vector<512x96xf32>
      %jit3A_63 = arith.constant 0.000000e+00 : f32
      %broadcast_in_dim3A_64 = vector.shape_cast %lt3A_39 : vector<512x1xi1> to vector<512x1xi1>
      %broadcast_in_dim3A_65 = vector.broadcast %broadcast_in_dim3A_64 : vector<512x1xi1> to vector<512x96xi1>
      %broadcast_in_dim3A_66 = vector.broadcast %jit3A_63 : f32 to vector<512x96xf32>
      %select_n3A_67 = arith.select %broadcast_in_dim3A_65, %sub3A_62, %broadcast_in_dim3A_66 : vector<512x96xi1>, vector<512x96xf32>
      %get3A_68 = arith.constant 0 : index
      %get3A_69 = arith.constant 0 : index
      %get3A_70 = vector.load %arg8[%get3A_68, %get3A_69] : memref<1x96xf32, #tpu.memory_space<vmem>>, vector<1x96xf32>
      %mul3A_71 = arith.mulf %select_n3A_67, %select_n3A_67 : vector<512x96xf32>
      %reduce_sum3A = arith.constant dense<0.000000e+00> : vector<96xf32>
      %reduce_sum3A_72 = vector.multi_reduction <add>, %mul3A_71, %reduce_sum3A [0] : vector<512x96xf32> to vector<96xf32>
      %broadcast_in_dim3A_73 = vector.shape_cast %reduce_sum3A_72 : vector<96xf32> to vector<1x96xf32>
      %add3A_74 = arith.addf %get3A_70, %broadcast_in_dim3A_73 : vector<1x96xf32>
      %swap3A = arith.constant 0 : index
      %swap3A_75 = arith.constant 0 : index
      %swap3A_76 = vector.load %arg8[%swap3A, %swap3A_75] : memref<1x96xf32, #tpu.memory_space<vmem>>, vector<1x96xf32>
      tpu.vector_store %arg8[%swap3A, %swap3A_75], %add3A_74 {strides = array<i32>} : memref<1x96xf32, #tpu.memory_space<vmem>>, vector<1x96xf32>,
    } else {
    }
    %eq3A_47 = arith.constant 2 : i32
    %eq3A_48 = arith.cmpi eq, %arg0, %eq3A_47 : i32
    %convert_element_type3A_49 = arith.extui %eq3A_48 : i1 to i32
    %cond3A_50 = arith.constant 0 : i32
    %cond3A_51 = arith.cmpi ne, %convert_element_type3A_49, %cond3A_50 : i32
    scf.if %cond3A_51 {
      %get3A_52 = arith.constant 0 : index
      %get3A_53 = arith.constant 0 : index
      %get3A_54 = vector.load %arg7[%get3A_52, %get3A_53] : memref<1x96xf32, #tpu.memory_space<vmem>>, vector<1x96xf32>
      %div3A = arith.constant 1.000000e+04 : f32
      %div3A_55 = vector.broadcast %div3A : f32 to vector<1x96xf32>
      %div3A_56 = arith.divf %get3A_54, %div3A_55 : vector<1x96xf32>
      %get3A_57 = arith.constant 0 : index
      %get3A_58 = arith.constant 0 : index
      %get3A_59 = vector.load %arg8[%get3A_57, %get3A_58] : memref<1x96xf32, #tpu.memory_space<vmem>>, vector<1x96xf32>
      %div3A_60 = arith.constant 1.000000e+04 : f32
      %div3A_61 = vector.broadcast %div3A_60 : f32 to vector<1x96xf32>
      %div3A_62 = arith.divf %get3A_59, %div3A_61 : vector<1x96xf32>
      %sub3A = vector.broadcast %div3A_56 : vector<1x96xf32> to vector<512x96xf32>
      %sub3A_63 = arith.subf %select_n3A_36, %sub3A : vector<512x96xf32>
      %add3A_64 = arith.constant 9.99999974E-6 : f32
      %add3A_65 = vector.broadcast %add3A_64 : f32 to vector<1x96xf32>
      %add3A_66 = arith.addf %div3A_62, %add3A_65 : vector<1x96xf32>
      %sqrt3A = math.sqrt %add3A_66 : vector<1x96xf32>
      %div3A_67 = vector.broadcast %sqrt3A : vector<1x96xf32> to vector<512x96xf32>
      %div3A_68 = arith.divf %sub3A_63, %div3A_67 : vector<512x96xf32>
      %swap3A = arith.constant 0 : index
      %swap3A_69 = arith.constant 0 : index
      %swap3A_70 = vector.load %arg6[%swap3A, %swap3A_69] : memref<512x96xf32, #tpu.memory_space<vmem>>, vector<512x96xf32>
      tpu.vector_store %arg6[%swap3A, %swap3A_69], %div3A_68 {strides = array<i32>} : memref<512x96xf32, #tpu.memory_space<vmem>>, vector<512x96xf32>,
    } else {
    }
    return
  }
  func.func @transform_0(%arg0: i32, %arg1: i32) -> (i32, i32, i32) {
    %c0_i32 = arith.constant 0 : i32
    %c0_i32_0 = arith.constant 0 : i32
    %c0_i32_1 = arith.constant 0 : i32
    return %c0_i32, %arg1, %c0_i32_0 : i32, i32, i32
  }
  func.func @transform_1(%arg0: i32, %arg1: i32) -> (i32, i32, i32) {
    %c0_i32 = arith.constant 0 : i32
    %c0_i32_0 = arith.constant 0 : i32
    %c0_i32_1 = arith.constant 0 : i32
    return %c0_i32, %arg1, %c0_i32_0 : i32, i32, i32
  }
  func.func @transform_2(%arg0: i32, %arg1: i32) -> (i32, i32) {
    %c0_i32 = arith.constant 0 : i32
    %c0_i32_0 = arith.constant 0 : i32
    return %arg1, %c0_i32 : i32, i32
  }
  func.func @transform_3(%arg0: i32, %arg1: i32) -> (i32, i32) {
    %c0_i32 = arith.constant 0 : i32
    %c0_i32_0 = arith.constant 0 : i32
    %c0_i32_1 = arith.constant 0 : i32
    return %c0_i32, %c0_i32_0 : i32, i32
  }
  func.func @transform_4(%arg0: i32, %arg1: i32) -> (i32, i32) {
    %c0_i32 = arith.constant 0 : i32
    %c0_i32_0 = arith.constant 0 : i32
    return %arg1, %c0_i32 : i32, i32
  }
}

module attributes {stable_mosaic.version = 14 : i64} {
  func.func @_xws_kernel(%arg0: i32, %arg1: memref<512x96xf32, #tpu.memory_space<vmem>>, %arg2: memref<96x64xf32, #tpu.memory_space<vmem>>, %arg3: memref<512x1xf32, #tpu.memory_space<vmem>>, %arg4: memref<512x64xf32, #tpu.memory_space<vmem>>) attributes {dimension_semantics = [#tpu.dimension_semantics<arbitrary>], iteration_bounds = array<i64: 20>, scalar_prefetch = 0 : i64, scratch_operands = 0 : i64, tpu.core_type = #tpu.core_type<tc>, window_params = [{transform_indices = @transform_0, window_bounds = array<i64: 512, 96>}, {pipeline_mode = #tpu.pipeline_mode<synchronous>, transform_indices = @transform_1, window_bounds = array<i64: 96, 64>}, {transform_indices = @transform_2, window_bounds = array<i64: 512, 1>}, {transform_indices = @transform_3, window_bounds = array<i64: 512, 64>}]} {
    %get3A = arith.constant 0 : index
    %get3A_0 = arith.constant 0 : index
    %get3A_1 = vector.load %arg3[%get3A, %get3A_0] : memref<512x1xf32, #tpu.memory_space<vmem>>, vector<512x1xf32>
    %get3A_2 = arith.constant 0 : index
    %get3A_3 = arith.constant 0 : index
    %get3A_4 = vector.load %arg1[%get3A_2, %get3A_3] : memref<512x96xf32, #tpu.memory_space<vmem>>, vector<512x96xf32>
    %get3A_5 = arith.constant 0 : index
    %get3A_6 = arith.constant 0 : index
    %get3A_7 = vector.load %arg2[%get3A_5, %get3A_6] : memref<96x64xf32, #tpu.memory_space<vmem>>, vector<96x64xf32>
    %dot_general3A = arith.constant dense<0.000000e+00> : vector<512x64xf32>
    %dot_general3A_8 = tpu.matmul %get3A_4, %get3A_7, %dot_general3A {dimension_numbers = #tpu.dot_dimension_numbers<[1], [0], [0], [1], [0, 0, 1, 1], [], []>, transpose_lhs_hint = false} : vector<512x96xf32>, vector<96x64xf32>, vector<512x64xf32> -> vector<512x64xf32>
    %mul3A = vector.broadcast %get3A_1 : vector<512x1xf32> to vector<512x64xf32>
    %mul3A_9 = arith.mulf %mul3A, %dot_general3A_8 : vector<512x64xf32>
    %swap3A = arith.constant 0 : index
    %swap3A_10 = arith.constant 0 : index
    %swap3A_11 = vector.load %arg4[%swap3A, %swap3A_10] : memref<512x64xf32, #tpu.memory_space<vmem>>, vector<512x64xf32>
    tpu.vector_store %arg4[%swap3A, %swap3A_10], %mul3A_9 {strides = array<i32>} : memref<512x64xf32, #tpu.memory_space<vmem>>, vector<512x64xf32>,
    return
  }
  func.func @transform_0(%arg0: i32) -> (i32, i32) {
    %c0_i32 = arith.constant 0 : i32
    %c0_i32_0 = arith.constant 0 : i32
    return %arg0, %c0_i32 : i32, i32
  }
  func.func @transform_1(%arg0: i32) -> (i32, i32) {
    %c0_i32 = arith.constant 0 : i32
    %c0_i32_0 = arith.constant 0 : i32
    %c0_i32_1 = arith.constant 0 : i32
    return %c0_i32, %c0_i32_0 : i32, i32
  }
  func.func @transform_2(%arg0: i32) -> (i32, i32) {
    %c0_i32 = arith.constant 0 : i32
    %c0_i32_0 = arith.constant 0 : i32
    return %arg0, %c0_i32 : i32, i32
  }
  func.func @transform_3(%arg0: i32) -> (i32, i32) {
    %c0_i32 = arith.constant 0 : i32
    %c0_i32_0 = arith.constant 0 : i32
    return %arg0, %c0_i32 : i32, i32
  }
}

module attributes {stable_mosaic.version = 14 : i64} {
  func.func @_post_kernel(%arg0: i32, %arg1: i32, %arg2: memref<2x512x32xf32, #tpu.memory_space<vmem>>, %arg3: memref<2x512x32xf32, #tpu.memory_space<vmem>>, %arg4: memref<512x1xf32, #tpu.memory_space<vmem>>, %arg5: memref<1x64xf32, #tpu.memory_space<vmem>>, %arg6: memref<512x64xf32, #tpu.memory_space<vmem>>, %arg7: memref<1x64xf32, #tpu.memory_space<vmem>>, %arg8: memref<1x64xf32, #tpu.memory_space<vmem>>) attributes {dimension_semantics = [#tpu.dimension_semantics<arbitrary>, #tpu.dimension_semantics<arbitrary>], iteration_bounds = array<i64: 3, 20>, scalar_prefetch = 0 : i64, scratch_operands = 2 : i64, tpu.core_type = #tpu.core_type<tc>, window_params = [{transform_indices = @transform_0, window_bounds = array<i64: 2, 512, 32>}, {transform_indices = @transform_1, window_bounds = array<i64: 2, 512, 32>}, {transform_indices = @transform_2, window_bounds = array<i64: 512, 1>}, {pipeline_mode = #tpu.pipeline_mode<synchronous>, transform_indices = @transform_3, window_bounds = array<i64: 1, 64>}, {transform_indices = @transform_4, window_bounds = array<i64: 512, 64>}]} {
    %get3A = arith.constant 0 : index
    %get3A_0 = arith.constant 0 : index
    %get3A_1 = arith.constant 0 : index
    %get3A_2 = vector.load %arg2[%get3A, %get3A_0, %get3A_1] : memref<2x512x32xf32, #tpu.memory_space<vmem>>, vector<2x512x32xf32>
    %get3A_3 = arith.constant 0 : index
    %get3A_4 = arith.constant 0 : index
    %get3A_5 = arith.constant 0 : index
    %get3A_6 = vector.load %arg3[%get3A_3, %get3A_4, %get3A_5] : memref<2x512x32xf32, #tpu.memory_space<vmem>>, vector<2x512x32xf32>
    %slice3A = vector.extract_strided_slice %get3A_2 {offsets = [0, 0, 0], sizes = [1, 512, 32], strides = [1, 1, 1]} : vector<2x512x32xf32> to vector<1x512x32xf32>
    %squeeze3A = vector.shape_cast %slice3A : vector<1x512x32xf32> to vector<512x32xf32>
    %slice3A_7 = vector.extract_strided_slice %get3A_6 {offsets = [0, 0, 0], sizes = [1, 512, 32], strides = [1, 1, 1]} : vector<2x512x32xf32> to vector<1x512x32xf32>
    %squeeze3A_8 = vector.shape_cast %slice3A_7 : vector<1x512x32xf32> to vector<512x32xf32>
    %add3A = arith.addf %squeeze3A, %squeeze3A_8 : vector<512x32xf32>
    %slice3A_9 = vector.extract_strided_slice %get3A_2 {offsets = [1, 0, 0], sizes = [1, 512, 32], strides = [1, 1, 1]} : vector<2x512x32xf32> to vector<1x512x32xf32>
    %squeeze3A_10 = vector.shape_cast %slice3A_9 : vector<1x512x32xf32> to vector<512x32xf32>
    %slice3A_11 = vector.extract_strided_slice %get3A_6 {offsets = [1, 0, 0], sizes = [1, 512, 32], strides = [1, 1, 1]} : vector<2x512x32xf32> to vector<1x512x32xf32>
    %squeeze3A_12 = vector.shape_cast %slice3A_11 : vector<1x512x32xf32> to vector<512x32xf32>
    %add3A_13 = arith.addf %squeeze3A_10, %squeeze3A_12 : vector<512x32xf32>
    %concatenate3A = tpu.concatenate %add3A, %add3A_13 in 1 : vector<512x32xf32>, vector<512x32xf32> -> vector<512x64xf32>
    %get3A_14 = arith.constant 0 : index
    %get3A_15 = arith.constant 0 : index
    %get3A_16 = vector.load %arg4[%get3A_14, %get3A_15] : memref<512x1xf32, #tpu.memory_space<vmem>>, vector<512x1xf32>
    %mul3A = vector.broadcast %get3A_16 : vector<512x1xf32> to vector<512x64xf32>
    %mul3A_17 = arith.mulf %concatenate3A, %mul3A : vector<512x64xf32>
    %get3A_18 = arith.constant 0 : index
    %get3A_19 = arith.constant 0 : index
    %get3A_20 = vector.load %arg5[%get3A_18, %get3A_19] : memref<1x64xf32, #tpu.memory_space<vmem>>, vector<1x64xf32>
    %add3A_21 = vector.broadcast %get3A_20 : vector<1x64xf32> to vector<512x64xf32>
    %add3A_22 = arith.addf %mul3A_17, %add3A_21 : vector<512x64xf32>
    %ge3A = arith.constant 0.000000e+00 : f32
    %ge3A_23 = vector.broadcast %ge3A : f32 to vector<512x64xf32>
    %ge3A_24 = arith.cmpf oge, %add3A_22, %ge3A_23 : vector<512x64xf32>
    %mul3A_25 = arith.constant 0.00999999977 : f32
    %mul3A_26 = vector.broadcast %mul3A_25 : f32 to vector<512x64xf32>
    %mul3A_27 = arith.mulf %mul3A_26, %add3A_22 : vector<512x64xf32>
    %select_n3A = arith.select %ge3A_24, %add3A_22, %mul3A_27 : vector<512x64xi1>, vector<512x64xf32>
    %mul3A_28 = arith.constant 512 : i32
    %mul3A_29 = arith.muli %arg1, %mul3A_28 : i32
    %iota3A = tpu.iota {dimensions = array<i32: 0>} : vector<512x1xi32>
    %add3A_30 = vector.broadcast %mul3A_29 : i32 to vector<512x1xi32>
    %add3A_31 = arith.addi %add3A_30, %iota3A : vector<512x1xi32>
    %lt3A = arith.constant 10000 : i32
    %lt3A_32 = vector.broadcast %lt3A : i32 to vector<512x1xi32>
    %lt3A_33 = arith.cmpi slt, %add3A_31, %lt3A_32 : vector<512x1xi32>
    %jit3A = arith.constant 0.000000e+00 : f32
    %broadcast_in_dim3A = vector.shape_cast %lt3A_33 : vector<512x1xi1> to vector<512x1xi1>
    %broadcast_in_dim3A_34 = vector.broadcast %broadcast_in_dim3A : vector<512x1xi1> to vector<512x64xi1>
    %broadcast_in_dim3A_35 = vector.broadcast %jit3A : f32 to vector<512x64xf32>
    %select_n3A_36 = arith.select %broadcast_in_dim3A_34, %select_n3A, %broadcast_in_dim3A_35 : vector<512x64xi1>, vector<512x64xf32>
    %lt3A_37 = arith.constant 10000 : i32
    %lt3A_38 = vector.broadcast %lt3A_37 : i32 to vector<512x1xi32>
    %lt3A_39 = arith.cmpi slt, %add3A_31, %lt3A_38 : vector<512x1xi32>
    %eq3A = arith.constant 0 : i32
    %eq3A_40 = arith.cmpi eq, %arg0, %eq3A : i32
    %convert_element_type3A = arith.extui %eq3A_40 : i1 to i32
    %cond3A = arith.constant 0 : i32
    %cond3A_41 = arith.cmpi ne, %convert_element_type3A, %cond3A : i32
    scf.if %cond3A_41 {
      %eq3A_52 = arith.constant 0 : i32
      %eq3A_53 = arith.cmpi eq, %arg1, %eq3A_52 : i32
      %convert_element_type3A_54 = arith.extui %eq3A_53 : i1 to i32
      %cond3A_55 = arith.constant 0 : i32
      %cond3A_56 = arith.cmpi ne, %convert_element_type3A_54, %cond3A_55 : i32
      scf.if %cond3A_56 {
        %broadcast_in_dim3A_65 = arith.constant 0.000000e+00 : f32
        %broadcast_in_dim3A_66 = vector.broadcast %broadcast_in_dim3A_65 : f32 to vector<1x64xf32>
        %swap3A_67 = arith.constant 0 : index
        %swap3A_68 = arith.constant 0 : index
        %swap3A_69 = vector.load %arg7[%swap3A_67, %swap3A_68] : memref<1x64xf32, #tpu.memory_space<vmem>>, vector<1x64xf32>
        tpu.vector_store %arg7[%swap3A_67, %swap3A_68], %broadcast_in_dim3A_66 {strides = array<i32>} : memref<1x64xf32, #tpu.memory_space<vmem>>, vector<1x64xf32>,
      } else {
      }
      %get3A_57 = arith.constant 0 : index
      %get3A_58 = arith.constant 0 : index
      %get3A_59 = vector.load %arg7[%get3A_57, %get3A_58] : memref<1x64xf32, #tpu.memory_space<vmem>>, vector<1x64xf32>
      %reduce_sum3A = arith.constant dense<0.000000e+00> : vector<64xf32>
      %reduce_sum3A_60 = vector.multi_reduction <add>, %select_n3A_36, %reduce_sum3A [0] : vector<512x64xf32> to vector<64xf32>
      %broadcast_in_dim3A_61 = vector.shape_cast %reduce_sum3A_60 : vector<64xf32> to vector<1x64xf32>
      %add3A_62 = arith.addf %get3A_59, %broadcast_in_dim3A_61 : vector<1x64xf32>
      %swap3A = arith.constant 0 : index
      %swap3A_63 = arith.constant 0 : index
      %swap3A_64 = vector.load %arg7[%swap3A, %swap3A_63] : memref<1x64xf32, #tpu.memory_space<vmem>>, vector<1x64xf32>
      tpu.vector_store %arg7[%swap3A, %swap3A_63], %add3A_62 {strides = array<i32>} : memref<1x64xf32, #tpu.memory_space<vmem>>, vector<1x64xf32>,
    } else {
    }
    %eq3A_42 = arith.constant 1 : i32
    %eq3A_43 = arith.cmpi eq, %arg0, %eq3A_42 : i32
    %convert_element_type3A_44 = arith.extui %eq3A_43 : i1 to i32
    %cond3A_45 = arith.constant 0 : i32
    %cond3A_46 = arith.cmpi ne, %convert_element_type3A_44, %cond3A_45 : i32
    scf.if %cond3A_46 {
      %eq3A_52 = arith.constant 0 : i32
      %eq3A_53 = arith.cmpi eq, %arg1, %eq3A_52 : i32
      %convert_element_type3A_54 = arith.extui %eq3A_53 : i1 to i32
      %cond3A_55 = arith.constant 0 : i32
      %cond3A_56 = arith.cmpi ne, %convert_element_type3A_54, %cond3A_55 : i32
      scf.if %cond3A_56 {
        %broadcast_in_dim3A_77 = arith.constant 0.000000e+00 : f32
        %broadcast_in_dim3A_78 = vector.broadcast %broadcast_in_dim3A_77 : f32 to vector<1x64xf32>
        %swap3A_79 = arith.constant 0 : index
        %swap3A_80 = arith.constant 0 : index
        %swap3A_81 = vector.load %arg8[%swap3A_79, %swap3A_80] : memref<1x64xf32, #tpu.memory_space<vmem>>, vector<1x64xf32>
        tpu.vector_store %arg8[%swap3A_79, %swap3A_80], %broadcast_in_dim3A_78 {strides = array<i32>} : memref<1x64xf32, #tpu.memory_space<vmem>>, vector<1x64xf32>,
      } else {
      }
      %get3A_57 = arith.constant 0 : index
      %get3A_58 = arith.constant 0 : index
      %get3A_59 = vector.load %arg7[%get3A_57, %get3A_58] : memref<1x64xf32, #tpu.memory_space<vmem>>, vector<1x64xf32>
      %div3A = arith.constant 1.000000e+04 : f32
      %div3A_60 = vector.broadcast %div3A : f32 to vector<1x64xf32>
      %div3A_61 = arith.divf %get3A_59, %div3A_60 : vector<1x64xf32>
      %sub3A = vector.broadcast %div3A_61 : vector<1x64xf32> to vector<512x64xf32>
      %sub3A_62 = arith.subf %select_n3A_36, %sub3A : vector<512x64xf32>
      %jit3A_63 = arith.constant 0.000000e+00 : f32
      %broadcast_in_dim3A_64 = vector.shape_cast %lt3A_39 : vector<512x1xi1> to vector<512x1xi1>
      %broadcast_in_dim3A_65 = vector.broadcast %broadcast_in_dim3A_64 : vector<512x1xi1> to vector<512x64xi1>
      %broadcast_in_dim3A_66 = vector.broadcast %jit3A_63 : f32 to vector<512x64xf32>
      %select_n3A_67 = arith.select %broadcast_in_dim3A_65, %sub3A_62, %broadcast_in_dim3A_66 : vector<512x64xi1>, vector<512x64xf32>
      %get3A_68 = arith.constant 0 : index
      %get3A_69 = arith.constant 0 : index
      %get3A_70 = vector.load %arg8[%get3A_68, %get3A_69] : memref<1x64xf32, #tpu.memory_space<vmem>>, vector<1x64xf32>
      %mul3A_71 = arith.mulf %select_n3A_67, %select_n3A_67 : vector<512x64xf32>
      %reduce_sum3A = arith.constant dense<0.000000e+00> : vector<64xf32>
      %reduce_sum3A_72 = vector.multi_reduction <add>, %mul3A_71, %reduce_sum3A [0] : vector<512x64xf32> to vector<64xf32>
      %broadcast_in_dim3A_73 = vector.shape_cast %reduce_sum3A_72 : vector<64xf32> to vector<1x64xf32>
      %add3A_74 = arith.addf %get3A_70, %broadcast_in_dim3A_73 : vector<1x64xf32>
      %swap3A = arith.constant 0 : index
      %swap3A_75 = arith.constant 0 : index
      %swap3A_76 = vector.load %arg8[%swap3A, %swap3A_75] : memref<1x64xf32, #tpu.memory_space<vmem>>, vector<1x64xf32>
      tpu.vector_store %arg8[%swap3A, %swap3A_75], %add3A_74 {strides = array<i32>} : memref<1x64xf32, #tpu.memory_space<vmem>>, vector<1x64xf32>,
    } else {
    }
    %eq3A_47 = arith.constant 2 : i32
    %eq3A_48 = arith.cmpi eq, %arg0, %eq3A_47 : i32
    %convert_element_type3A_49 = arith.extui %eq3A_48 : i1 to i32
    %cond3A_50 = arith.constant 0 : i32
    %cond3A_51 = arith.cmpi ne, %convert_element_type3A_49, %cond3A_50 : i32
    scf.if %cond3A_51 {
      %get3A_52 = arith.constant 0 : index
      %get3A_53 = arith.constant 0 : index
      %get3A_54 = vector.load %arg7[%get3A_52, %get3A_53] : memref<1x64xf32, #tpu.memory_space<vmem>>, vector<1x64xf32>
      %div3A = arith.constant 1.000000e+04 : f32
      %div3A_55 = vector.broadcast %div3A : f32 to vector<1x64xf32>
      %div3A_56 = arith.divf %get3A_54, %div3A_55 : vector<1x64xf32>
      %get3A_57 = arith.constant 0 : index
      %get3A_58 = arith.constant 0 : index
      %get3A_59 = vector.load %arg8[%get3A_57, %get3A_58] : memref<1x64xf32, #tpu.memory_space<vmem>>, vector<1x64xf32>
      %div3A_60 = arith.constant 1.000000e+04 : f32
      %div3A_61 = vector.broadcast %div3A_60 : f32 to vector<1x64xf32>
      %div3A_62 = arith.divf %get3A_59, %div3A_61 : vector<1x64xf32>
      %sub3A = vector.broadcast %div3A_56 : vector<1x64xf32> to vector<512x64xf32>
      %sub3A_63 = arith.subf %select_n3A_36, %sub3A : vector<512x64xf32>
      %add3A_64 = arith.constant 9.99999974E-6 : f32
      %add3A_65 = vector.broadcast %add3A_64 : f32 to vector<1x64xf32>
      %add3A_66 = arith.addf %div3A_62, %add3A_65 : vector<1x64xf32>
      %sqrt3A = math.sqrt %add3A_66 : vector<1x64xf32>
      %div3A_67 = vector.broadcast %sqrt3A : vector<1x64xf32> to vector<512x64xf32>
      %div3A_68 = arith.divf %sub3A_63, %div3A_67 : vector<512x64xf32>
      %swap3A = arith.constant 0 : index
      %swap3A_69 = arith.constant 0 : index
      %swap3A_70 = vector.load %arg6[%swap3A, %swap3A_69] : memref<512x64xf32, #tpu.memory_space<vmem>>, vector<512x64xf32>
      tpu.vector_store %arg6[%swap3A, %swap3A_69], %div3A_68 {strides = array<i32>} : memref<512x64xf32, #tpu.memory_space<vmem>>, vector<512x64xf32>,
    } else {
    }
    return
  }
  func.func @transform_0(%arg0: i32, %arg1: i32) -> (i32, i32, i32) {
    %c0_i32 = arith.constant 0 : i32
    %c0_i32_0 = arith.constant 0 : i32
    %c0_i32_1 = arith.constant 0 : i32
    return %c0_i32, %arg1, %c0_i32_0 : i32, i32, i32
  }
  func.func @transform_1(%arg0: i32, %arg1: i32) -> (i32, i32, i32) {
    %c0_i32 = arith.constant 0 : i32
    %c0_i32_0 = arith.constant 0 : i32
    %c0_i32_1 = arith.constant 0 : i32
    return %c0_i32, %arg1, %c0_i32_0 : i32, i32, i32
  }
  func.func @transform_2(%arg0: i32, %arg1: i32) -> (i32, i32) {
    %c0_i32 = arith.constant 0 : i32
    %c0_i32_0 = arith.constant 0 : i32
    return %arg1, %c0_i32 : i32, i32
  }
  func.func @transform_3(%arg0: i32, %arg1: i32) -> (i32, i32) {
    %c0_i32 = arith.constant 0 : i32
    %c0_i32_0 = arith.constant 0 : i32
    %c0_i32_1 = arith.constant 0 : i32
    return %c0_i32, %c0_i32_0 : i32, i32
  }
  func.func @transform_4(%arg0: i32, %arg1: i32) -> (i32, i32) {
    %c0_i32 = arith.constant 0 : i32
    %c0_i32_0 = arith.constant 0 : i32
    return %arg1, %c0_i32 : i32, i32
  }
}

module attributes {stable_mosaic.version = 14 : i64} {
  func.func @_head_kernel(%arg0: memref<10240x64xf32, #tpu.memory_space<vmem>>, %arg1: memref<16x1xf32, #tpu.memory_space<vmem>>, %arg2: memref<16x1xf32, #tpu.memory_space<vmem>>, %arg3: memref<64x32xf32, #tpu.memory_space<vmem>>, %arg4: memref<1x32xf32, #tpu.memory_space<vmem>>, %arg5: memref<32x16xf32, #tpu.memory_space<vmem>>, %arg6: memref<1x16xf32, #tpu.memory_space<vmem>>, %arg7: memref<16x1xf32, #tpu.memory_space<vmem>>, %arg8: memref<1x1xf32, #tpu.memory_space<vmem>>, %arg9: memref<16x1xf32, #tpu.memory_space<vmem>>) attributes {dimension_semantics = [], scalar_prefetch = 0 : i64, scratch_operands = 0 : i64, tpu.core_type = #tpu.core_type<tc>} {
    %iota3A = tpu.iota {dimensions = array<i32: 1>} : vector<16x10240xi32>
    %iota3A_0 = tpu.iota {dimensions = array<i32: 0>} : vector<16x10240xi32>
    %jit3A = arith.constant 625 : i32
    %div3A = vector.broadcast %jit3A : i32 to vector<16x10240xi32>
    %div3A_1 = arith.divsi %iota3A, %div3A : vector<16x10240xi32>
    %sign3A = arith.constant 0 : i32
    %sign3A_2 = vector.broadcast %sign3A : i32 to vector<16x10240xi32>
    %sign3A_3 = arith.cmpi sgt, %iota3A, %sign3A_2 : vector<16x10240xi32>
    %sign3A_4 = arith.extui %sign3A_3 : vector<16x10240xi1> to vector<16x10240xi32>
    %sign3A_5 = arith.constant 0 : i32
    %sign3A_6 = vector.broadcast %sign3A_5 : i32 to vector<16x10240xi32>
    %sign3A_7 = arith.cmpi slt, %iota3A, %sign3A_6 : vector<16x10240xi32>
    %sign3A_8 = arith.extui %sign3A_7 : vector<16x10240xi1> to vector<16x10240xi32>
    %sign3A_9 = arith.subi %sign3A_4, %sign3A_8 : vector<16x10240xi32>
    %sign3A_10 = arith.constant 0 : i32
    %sign3A_11 = arith.cmpi sgt, %jit3A, %sign3A_10 : i32
    %sign3A_12 = arith.extui %sign3A_11 : i1 to i32
    %sign3A_13 = arith.constant 0 : i32
    %sign3A_14 = arith.cmpi slt, %jit3A, %sign3A_13 : i32
    %sign3A_15 = arith.extui %sign3A_14 : i1 to i32
    %sign3A_16 = arith.subi %sign3A_12, %sign3A_15 : i32
    %ne3A = vector.broadcast %sign3A_16 : i32 to vector<16x10240xi32>
    %ne3A_17 = arith.cmpi ne, %sign3A_9, %ne3A : vector<16x10240xi32>
    %rem3A = vector.broadcast %jit3A : i32 to vector<16x10240xi32>
    %rem3A_18 = arith.remsi %iota3A, %rem3A : vector<16x10240xi32>
    %ne3A_19 = arith.constant 0 : i32
    %ne3A_20 = vector.broadcast %ne3A_19 : i32 to vector<16x10240xi32>
    %ne3A_21 = arith.cmpi ne, %rem3A_18, %ne3A_20 : vector<16x10240xi32>
    %and3A = arith.andi %ne3A_17, %ne3A_21 : vector<16x10240xi1>
    %sub3A = arith.constant 1 : i32
    %sub3A_22 = vector.broadcast %sub3A : i32 to vector<16x10240xi32>
    %sub3A_23 = arith.subi %div3A_1, %sub3A_22 : vector<16x10240xi32>
    %select_n3A = arith.select %and3A, %sub3A_23, %div3A_1 : vector<16x10240xi1>, vector<16x10240xi32>
    %eq3A = arith.cmpi eq, %select_n3A, %iota3A_0 : vector<16x10240xi32>
    %jit3A_24 = arith.constant 1.000000e+00 : f32
    %jit3A_25 = arith.constant 0.000000e+00 : f32
    %broadcast_in_dim3A = vector.broadcast %jit3A_24 : f32 to vector<16x10240xf32>
    %broadcast_in_dim3A_26 = vector.broadcast %jit3A_25 : f32 to vector<16x10240xf32>
    %select_n3A_27 = arith.select %eq3A, %broadcast_in_dim3A, %broadcast_in_dim3A_26 : vector<16x10240xi1>, vector<16x10240xf32>
    %get3A = arith.constant 0 : index
    %get3A_28 = arith.constant 0 : index
    %get3A_29 = vector.load %arg0[%get3A, %get3A_28] : memref<10240x64xf32, #tpu.memory_space<vmem>>, vector<10240x64xf32>
    %dot_general3A = arith.constant dense<0.000000e+00> : vector<16x64xf32>
    %dot_general3A_30 = tpu.matmul %select_n3A_27, %get3A_29, %dot_general3A {dimension_numbers = #tpu.dot_dimension_numbers<[1], [0], [0], [1], [0, 0, 1, 1], [], []>, precision = #tpu.contract_precision<fp32>, transpose_lhs_hint = false} : vector<16x10240xf32>, vector<10240x64xf32>, vector<16x64xf32> -> vector<16x64xf32>
    %iota3A_31 = tpu.iota {dimensions = array<i32: 1>} : vector<16x64xi32>
    %eq3A_32 = arith.constant 50 : i32
    %eq3A_33 = vector.broadcast %eq3A_32 : i32 to vector<16x64xi32>
    %eq3A_34 = arith.cmpi eq, %iota3A_31, %eq3A_33 : vector<16x64xi32>
    %get3A_35 = arith.constant 0 : index
    %get3A_36 = arith.constant 0 : index
    %get3A_37 = vector.load %arg1[%get3A_35, %get3A_36] : memref<16x1xf32, #tpu.memory_space<vmem>>, vector<16x1xf32>
    %jit3A_38 = arith.constant 0.000000e+00 : f32
    %broadcast_in_dim3A_39 = vector.shape_cast %get3A_37 : vector<16x1xf32> to vector<16x1xf32>
    %broadcast_in_dim3A_40 = vector.broadcast %broadcast_in_dim3A_39 : vector<16x1xf32> to vector<16x64xf32>
    %broadcast_in_dim3A_41 = vector.broadcast %jit3A_38 : f32 to vector<16x64xf32>
    %select_n3A_42 = arith.select %eq3A_34, %broadcast_in_dim3A_40, %broadcast_in_dim3A_41 : vector<16x64xi1>, vector<16x64xf32>
    %add3A = arith.addf %dot_general3A_30, %select_n3A_42 : vector<16x64xf32>
    %eq3A_43 = arith.constant 51 : i32
    %eq3A_44 = vector.broadcast %eq3A_43 : i32 to vector<16x64xi32>
    %eq3A_45 = arith.cmpi eq, %iota3A_31, %eq3A_44 : vector<16x64xi32>
    %get3A_46 = arith.constant 0 : index
    %get3A_47 = arith.constant 0 : index
    %get3A_48 = vector.load %arg2[%get3A_46, %get3A_47] : memref<16x1xf32, #tpu.memory_space<vmem>>, vector<16x1xf32>
    %jit3A_49 = arith.constant 0.000000e+00 : f32
    %broadcast_in_dim3A_50 = vector.shape_cast %get3A_48 : vector<16x1xf32> to vector<16x1xf32>
    %broadcast_in_dim3A_51 = vector.broadcast %broadcast_in_dim3A_50 : vector<16x1xf32> to vector<16x64xf32>
    %broadcast_in_dim3A_52 = vector.broadcast %jit3A_49 : f32 to vector<16x64xf32>
    %select_n3A_53 = arith.select %eq3A_45, %broadcast_in_dim3A_51, %broadcast_in_dim3A_52 : vector<16x64xi1>, vector<16x64xf32>
    %add3A_54 = arith.addf %add3A, %select_n3A_53 : vector<16x64xf32>
    %get3A_55 = arith.constant 0 : index
    %get3A_56 = arith.constant 0 : index
    %get3A_57 = vector.load %arg3[%get3A_55, %get3A_56] : memref<64x32xf32, #tpu.memory_space<vmem>>, vector<64x32xf32>
    %dot_general3A_58 = arith.constant dense<0.000000e+00> : vector<16x32xf32>
    %dot_general3A_59 = tpu.matmul %add3A_54, %get3A_57, %dot_general3A_58 {dimension_numbers = #tpu.dot_dimension_numbers<[1], [0], [0], [1], [0, 0, 1, 1], [], []>, transpose_lhs_hint = false} : vector<16x64xf32>, vector<64x32xf32>, vector<16x32xf32> -> vector<16x32xf32>
    %get3A_60 = arith.constant 0 : index
    %get3A_61 = arith.constant 0 : index
    %get3A_62 = vector.load %arg4[%get3A_60, %get3A_61] : memref<1x32xf32, #tpu.memory_space<vmem>>, vector<1x32xf32>
    %add3A_63 = vector.broadcast %get3A_62 : vector<1x32xf32> to vector<16x32xf32>
    %add3A_64 = arith.addf %dot_general3A_59, %add3A_63 : vector<16x32xf32>
    %get3A_65 = arith.constant 0 : index
    %get3A_66 = arith.constant 0 : index
    %get3A_67 = vector.load %arg5[%get3A_65, %get3A_66] : memref<32x16xf32, #tpu.memory_space<vmem>>, vector<32x16xf32>
    %dot_general3A_68 = arith.constant dense<0.000000e+00> : vector<16x16xf32>
    %dot_general3A_69 = tpu.matmul %add3A_64, %get3A_67, %dot_general3A_68 {dimension_numbers = #tpu.dot_dimension_numbers<[1], [0], [0], [1], [0, 0, 1, 1], [], []>, transpose_lhs_hint = false} : vector<16x32xf32>, vector<32x16xf32>, vector<16x16xf32> -> vector<16x16xf32>
    %get3A_70 = arith.constant 0 : index
    %get3A_71 = arith.constant 0 : index
    %get3A_72 = vector.load %arg6[%get3A_70, %get3A_71] : memref<1x16xf32, #tpu.memory_space<vmem>>, vector<1x16xf32>
    %add3A_73 = vector.broadcast %get3A_72 : vector<1x16xf32> to vector<16x16xf32>
    %add3A_74 = arith.addf %dot_general3A_69, %add3A_73 : vector<16x16xf32>
    %get3A_75 = arith.constant 0 : index
    %get3A_76 = arith.constant 0 : index
    %get3A_77 = vector.load %arg7[%get3A_75, %get3A_76] : memref<16x1xf32, #tpu.memory_space<vmem>>, vector<16x1xf32>
    %dot_general3A_78 = arith.constant dense<0.000000e+00> : vector<16x1xf32>
    %dot_general3A_79 = tpu.matmul %add3A_74, %get3A_77, %dot_general3A_78 {dimension_numbers = #tpu.dot_dimension_numbers<[1], [0], [0], [1], [0, 0, 1, 1], [], []>, transpose_lhs_hint = false} : vector<16x16xf32>, vector<16x1xf32>, vector<16x1xf32> -> vector<16x1xf32>
    %get3A_80 = arith.constant 0 : index
    %get3A_81 = arith.constant 0 : index
    %get3A_82 = vector.load %arg8[%get3A_80, %get3A_81] : memref<1x1xf32, #tpu.memory_space<vmem>>, vector<1x1xf32>
    %add3A_83 = vector.broadcast %get3A_82 : vector<1x1xf32> to vector<16x1xf32>
    %add3A_84 = arith.addf %dot_general3A_79, %add3A_83 : vector<16x1xf32>
    %swap3A = arith.constant 0 : index
    %swap3A_85 = arith.constant 0 : index
    %swap3A_86 = vector.load %arg9[%swap3A, %swap3A_85] : memref<16x1xf32, #tpu.memory_space<vmem>>, vector<16x1xf32>
    tpu.vector_store %arg9[%swap3A, %swap3A_85], %add3A_84 {strides = array<i32>} : memref<16x1xf32, #tpu.memory_space<vmem>>, vector<16x1xf32>,
    return
  }
}

</mosaic_0001>

<sc_bundles>
// kernel: kernel.24.cloned.1.call-start
scs
__scs_entry_jumppad:
0x0: {  	(pc) =	sbr.rel $0x88, $3  }
0x1: {  	(tag) =	ssettag $0x0;
	lr =	simm.s32 $0x1  }
0x2: {  	[smem:$0x3F83] =	sst lr;
	_ =	strace $0xD0000000  }
0x3: {  	_ = 	snop  }
0x4: {  	_ = 	snop  }
0x5: {  	_ = 	snop  }
0x6: {  	_ = 	snop  }
0x7: {  	_ = 	snop  }
__scs_overlays_trampoline_lowered:
0x8: {  	[smem:$0x3F92] =	sst s0  }
0x9: {  	[smem:$0x3F93] =	sst s1  }
0xa: {  	[smem:$0x3F94] =	sst s2  }
0xb: {  	[smem:$0x3F95] =	sst s3  }
0xc: {  	[smem:$0x3F96] =	sst s4  }
0xd: {  	[smem:$0x3F97] =	sst s5  }
0xe: {  	[smem:$0x3F98] =	sst s6  }
0xf: {  	[smem:$0x3F99] =	sst s7  }
0x10: {  	[smem:$0x3F9A] =	sst s8  }
0x11: {  	[smem:$0x3F9B] =	sst s9;
	s0 =	simm.s32 @!p0 $0x0  }
0x12: {  	s1 =	sld [smem:$0x3F81];
	s0 =	simm.s32 @p0 $0x1  }
0x13: {  	[smem:$0x3F9C] =	sst s0;
	s0 =	simm.s32 @!p1 $0x0  }
0x14: {  	s2 =	sld [smem:$0x3F80];
	s0 =	simm.s32 @p1 $0x1  }
0x15: {  	[smem:$0x3F9D] =	sst s0;
	s0 =	simm.s32 @!p2 $0x0  }
0x16: {  	s3 =	sld [smem:$0x3FDB];
	s0 =	simm.s32 @p2 $0x1  }
0x17: {  	s4 =	simm.s32 $0x1BF5;
	[smem:$0x3F9F] =	sst s0  }
0x18: {  	s0 =	sld [smem:$0x3F82];
	_ =	swait.ge [sflag:s4], $0x0  }
0x19: {  	s7 =	sld [smem:$0x3F83]  }
0x1a: {  	s8 =	sadd.s32 $0xFFFFE003, lr  }
0x1b: {  	s9 =	sadd.s32 $0xFFFFFEF7, lr;
	s5 =	simm.s32 $0xFFFFFFFF;
	p2 =	slt.u32 s8, $0xFFFFF086  }
0x1c: {  	p1 =	slt.u32 s9, $0xF7A;
	s5 =	simm.s32 @!p2 $0x0  }
0x1d: {  	s5 =	simm.s32 @p1 $0x1;
	p0 =	seq.s32 s7, s2  }
0x1e: {  	s7 =	smul.u32 @!p0 $0xF7A, s2;
	p2 =	seq.s32 @!p0 s5, $0x0  }
0x1f: {  	s9 =	smul.u32 $0xF7A, s1;
	s8 =	simm.s32 @!p0 $0x1BF5;
	p2 =	por !p2, p0  }
0x20: {  	[sflag:s8] =	ssyncset.s32 @!p0 $0xFFFFF086;
	s6 =	sadd.s32 @!p0 s3, s7;
	s7 =	simm.s32 @!p0 $0x108  }
0x21: {  	s3 =	sadd.s32 s3, s9;
	s6 =	sadd.s32 @!p0 $0x88, s6;
	s7 =	simm.s32 @p2 $0x1082  }
0x22: {  	[simem:s7], [sflag:s8] =	dma.local @!p0 [hbm:s6], $0xF7A  }
0x23: {  	s9 =	sor.u32 $0xD0000000, s2;
	s6 =	simm.s32 $0x108;
	_ =	swait.ge @!p0 [sflag:s8], $0x0  }
0x24: {  	s3 =	sadd.s32 $0x88, s3;
	s6 =	simm.s32 @!p1 $0x1082;
	[sflag:s4] =	ssyncset.s32 $0xFFFFF086  }
0x25: {  	[simem:s6], [sflag:s4] =	dma.local [hbm:s3], $0xF7A  }
0x26: {  	[smem:$0x3F83] =	sst s1;
	(tag) =	ssettag s2;
	_ =	strace s9  }
0x27: {  	s1 =	sld [smem:$0x3F93]  }
0x28: {  	s2 =	sld [smem:$0x3F94]  }
0x29: {  	s4 =	sld [smem:$0x3F96]  }
0x2a: {  	p0 =	seq.s32 s5, $0x0;
	s5 =	sld [smem:$0x3F97]  }
0x2b: {  	s6 =	sld [smem:$0x3F98]  }
0x2c: {  	s7 =	sld [smem:$0x3F99]  }
0x2d: {  	s3 =	simm.s32 $0x108;
	s8 =	sld [smem:$0x3F9A]  }
0x2e: {  	s3 =	simm.s32 @!p0 $0x1082;
	s9 =	sld [smem:$0x3F9B]  }
0x2f: {  	lr =	sadd.s32 s0, s3;
	s0 =	sld [smem:$0x3F92]  }
0x30: {  	s3 =	sld [smem:$0x3F95]  }
0x31: {  	[smem:$0x3F9E] =	sst s10  }
0x32: {  	s10 =	sld [smem:$0x3F9C];
	_ =	sdelay $0x3  }
0x33: {  	p0 =	seq.s32 s10, $0x1;
	s10 =	sld [smem:$0x3F9E];
	_ =	sdelay $0x3  }
0x34: {  	[smem:$0x3F9E] =	sst s10  }
0x35: {  	s10 =	sld [smem:$0x3F9D];
	_ =	sdelay $0x3  }
0x36: {  	p1 =	seq.s32 s10, $0x1;
	s10 =	sld [smem:$0x3F9E];
	_ =	sdelay $0x3  }
0x37: {  	[smem:$0x3F9E] =	sst s10  }
0x38: {  	s10 =	sld [smem:$0x3F9F]  }
0x39: {  	_ = 	snop;
	(pc) =	sbr.ind lr, $3  }
0x3a: {  	_ = 	snop  }
0x3b: {  	_ = 	snop  }
0x3c: {  	p2 =	seq.s32 s10, $0x1;
	s10 =	sld [smem:$0x3F9E]  }
0x3d: {  	_ =	shalt  }
0x3e: {  	_ =	shalt  }
0x3f: {  	_ =	shalt  }
0x40: {  	_ =	shalt  }
0x41: {  	_ =	shalt  }
0x42: {  	_ =	shalt  }
0x43: {  	_ =	shalt  }
0x44: {  	_ =	shalt  }
0x45: {  	_ =	shalt  }
0x46: {  	_ =	shalt  }
0x47: {  	_ =	shalt  }
0x48: {  	_ =	shalt  }
0x49: {  	_ =	shalt  }
0x4a: {  	_ =	shalt  }
0x4b: {  	_ =	shalt  }
0x4c: {  	_ =	shalt  }
0x4d: {  	_ =	shalt  }
0x4e: {  	_ =	shalt  }
0x4f: {  	_ =	shalt  }
0x50: {  	_ =	shalt  }
0x51: {  	_ =	shalt  }
0x52: {  	_ =	shalt  }
0x53: {  	_ =	shalt  }
0x54: {  	_ =	shalt  }
0x55: {  	_ =	shalt  }
0x56: {  	_ =	shalt  }
0x57: {  	_ =	shalt  }
0x58: {  	_ =	shalt  }
0x59: {  	_ =	shalt  }
0x5a: {  	_ =	shalt  }
0x5b: {  	_ =	shalt  }
0x5c: {  	_ =	shalt  }
0x5d: {  	_ =	shalt  }
0x5e: {  	_ =	shalt  }
0x5f: {  	_ =	shalt  }
0x60: {  	_ =	shalt  }
0x61: {  	_ =	shalt  }
0x62: {  	_ =	shalt  }
0x63: {  	_ =	shalt  }
0x64: {  	_ =	shalt  }
0x65: {  	_ =	shalt  }
0x66: {  	_ =	shalt  }
0x67: {  	_ =	shalt  }
0x68: {  	_ =	shalt  }
0x69: {  	_ =	shalt  }
0x6a: {  	_ =	shalt  }
0x6b: {  	_ =	shalt  }
0x6c: {  	_ =	shalt  }
0x6d: {  	_ =	shalt  }
0x6e: {  	_ =	shalt  }
0x6f: {  	_ =	shalt  }
0x70: {  	_ =	shalt  }
0x71: {  	_ =	shalt  }
0x72: {  	_ =	shalt  }
0x73: {  	_ =	shalt  }
0x74: {  	_ =	shalt  }
0x75: {  	_ =	shalt  }
0x76: {  	_ =	shalt  }
0x77: {  	_ =	shalt  }
0x78: {  	_ =	shalt  }
0x79: {  	_ =	shalt  }
0x7a: {  	_ =	shalt  }
0x7b: {  	_ =	shalt  }
0x7c: {  	_ =	shalt  }
0x7d: {  	_ =	shalt  }
0x7e: {  	_ =	shalt  }
0x7f: {  	_ =	shalt  }
0x80: {  	_ =	shalt  }
0x81: {  	_ =	shalt  }
0x82: {  	_ =	shalt  }
0x83: {  	_ =	shalt  }
0x84: {  	_ =	shalt  }
0x85: {  	_ =	shalt  }
0x86: {  	_ =	shalt  }
0x87: {  	_ =	shalt  }
.Lfunc_end0:
.L_simem_size_0:
called_computation_lowered:
.L_overlay_start_0:
0x88: {  	s2 =	sld [smem:$0x3FD9]  }
0x89: {  	s3 =	sld [smem:$0x3FFE];
	_ =	sdelay $0x1  }
0x8a: {  	s1 =	srdreg.scid  }
0x8b: {  	s0 =	sand.u32 $0x1, s1  }
0x8c: {  	s16 =	sshll.u32 s0, $0xA;
	s2 =	sadd.s32 s3, s2  }
0x8d: {  	s2 =	sadd.s32 s2, s16  }
0x8e: {  	[smem:$0x3FAA] =	sst s2  }
0x8f: {  	_ = 	snop  }
0x90: {  	(tm) =	ssettm $0x1  }
0x91: {  	s17 =	sld [smem:$0x3FFB];
	_ =	sdelay $0x3  }
0x92: {  	_ =	strace s17  }
0x93: {  	s2 =	sld [smem:$0x3FFC];
	_ =	sdelay $0x3  }
0x94: {  	_ =	strace s2  }
0x95: {  	s2 =	sld [smem:$0x3FFD];
	_ =	sdelay $0x3  }
0x96: {  	_ =	strace s2  }
0x97: {  	_ =	strace $0x8FFFFFFF  }
0x98: {  	s18 =	sld [smem:$0x3FDB];
	_ =	sdelay $0x1  }
0x99: {  	s19 =	simm.s32 $_scs_section_size  }
0x9a: {  	s4 =	simm.s32 $_size__tile_overlayer_lowered;
	s5 =	simm.s32 $_tile_overlayer_lowered  }
0x9b: {  	s22 =	simm.s32 $0x1BFF;
	s21 =	sshll.u32 s5, $0x1;
	s2 =	sadd.s32 s19, s18  }
0x9c: {  	s6 =	simm.s32 $0x0;
	s20 =	sshll.u32 s4, $0x1;
	s4 =	sadd.s32 s21, s2  }
0x9d: {  	[timem:s6], [sflag:s22] =	dma.local [hbm:s4], s20  }
0x9e: {  	_ =	swait.ge [sflag:s22], s20  }
0x9f: {  	s3 =	ssub.s32 $0x0, s20;
	[sflag:s22] =	ssyncset.done $0x0  }
0xa0: {  	[sflag:s22] =	ssyncadd.s32 s3;
	_ =	sdelay $0x1  }
0xa1: {  	s23 =	simm.s32 $0x1B8B  }
0xa2: {  	_ =	swait.ge [sflag:s23], $0x1  }
0xa3: {  	[sflag:s23] =	ssyncset.done $0x0  }
0xa4: {  	s25 =	simm.s32 $0x1B8E;
	s24 =	sld [smem:$0x3FFE];
	[sflag:s23] =	ssyncadd.s32 $0xFFFFFFFF  }
0xa5: {  	s26 =	simm.s32 $execute0_lowered;
	[smem:$0x3FD2] =	sst s25  }
0xa6: {  	s4 =	sshll.u32 s26, $0x1;
	_ =	strace $0x80000046;
	[dreg:$0x1] =	wrdreg $0xFFFFFFFF  }
0xa7: {  	s28 =	simm.s32 $_size_execute0_lowered;
	s2 =	sadd.s32 s2, s4;
	[dreg:$0x0] =	wrdreg $0x0  }
0xa8: {  	s4 =	sshll.u32 s28, $0x1;
	[dreg:$0x2] =	wrdreg s2  }
0xa9: {  	[dreg:$0x3] =	wrdreg s4  }
0xaa: {  	[dreg:$0x4] =	wrdreg $0xC0  }
0xab: {  	_ =	task [dreg:s6], $0x5FFFF  }
0xac: {  	[dreg:$0x1] =	wrdreg $0xFFFFFFFF  }
0xad: {  	[dreg:$0x0] =	wrdreg $0x60  }
0xae: {  	[dreg:$0x2] =	wrdreg s24  }
0xaf: {  	[dreg:$0x3] =	wrdreg $0x30000  }
0xb0: {  	[dreg:$0x4] =	wrdreg $0x9  }
0xb1: {  	_ =	task.clear_ibuf [dreg:s6], $0x5FFFF;
	_ =	strace $0x90000046  }
0xb2: {  	s29 =	simm.s32 $0x9;
	_ =	strace $0x80000048  }
0xb3: {  	_ =	swait.ge [sflag:s29], $0x1  }
0xb4: {  	[sflag:s29] =	ssyncadd.s32 $0xFFFFFFFF  }
0xb5: {  	_ =	strace $0x90000048  }
0xb6: {  	_ =	sfence  }
0xb7: {  	s30 =	sld [smem:$0x0];
	_ =	sdelay $0x2  }
0xb8: {  	s31 =	sshll.u32 s1, $0xD;
	s1 =	sshrl.u32 s1, $0x2  }
0xb9: {  	s3 =	sand.u32 $0x4000, s31;
	s1 =	sadd.s32 s1, s30  }
0xba: {  	s0 =	sor.u32 s3, s0;
	s1 =	sshll.u32 s1, $0x11  }
0xbb: {  	s0 =	sor.u32 s1, s0  }
0xbc: {  	s0 =	sadd.s32 $0x8F2B, s0  }
0xbd: {  	[sflag:s0] =	ssyncadd.remote.s32 $0x1  }
0xbe: {  	_ =	sfence.sel $0xFFFF  }
0xbf: {  	[dreg:$0x0] =	wrdreg $0xFFFFFFFF;
	(pc) =	sbr.abs _section_cstart, $3  }
0xc0: {  	[dreg:$0x1] =	wrdreg $0xFFFFFFFF  }
0xc1: {  	_ =	task.clear_ibuf [dreg:s6], $0x2FFFF;
	_ =	strace $0x9FFFFFFF  }
0xc2: {  	(tm) =	ssettm $0x7FFFFFFF  }
0xc3: {  	_ =	shalt  }
tec
execute0_lowered:
.L_overlay_start_1:
0x0: {  	(tag) =	ssettag $0x1  }
0x1: {  	s5 =	rddreg [dreg:$0x0]  }
0x2: {  	s2 =	rddreg [dreg:$0x1]  }
0x3: {  	s0 =	rddreg [dreg:$0x2];
	s1 =	stileid.u32  }
0x4: {  	s3 =	simm.s32 $0x0;
	s4 =	srdreg.scid;
	s6 =	smul.u32 $0x500, s1  }
0x5: {  	s15 =	simm.s32 $0x0;
	[smem:$0x7FF] =	sst s3;
	s7 =	smul.u32 $0x2800, s1  }
0x6: {  	s8 =	sand.u32 $0x1, s4;
	s4 =	sadd.s32 $0x19200, s5;
	s31 =	sshll.u32 s1, $0x6  }
0x7: {  	_ =	strace $0x80000047;
	s10 =	smul.u32 $0x5000, s8;
	s8 =	ssub.s32 $0x2, s8  }
0x8: {  	s9 =	sadd.s32 s6, s5;
	s11 =	sshrl.u32 s7, $0x3;
	s12 =	sshrl.u32 s8, $0x1  }
0x9: {  	s14 =	sadd.s32 s7, s2;
	s11 =	sadd.s32 s11, s5;
	s6 =	sadd.s32 s6, s10  }
0xa: {  	s8 =	ssub.s32 s8, s12;
	s12 =	sor.u32 $0x1C01, s31;
	s13 =	sadd.s32 s6, s5  }
0xb: {  	s5 =	sadd.s32 $0x14200, s9;
	s6 =	sadd.s32 $0x19400, s11;
	s8 =	smax.u32 s8, $0x1  }
0xc: {  	s9 =	sshrl.u32 s10, $0x2;
	s10 =	simm.s32 $0x1;
	s11 =	simm.s32 $0x2800  }
0xd: {  	s7 =	sadd.s32 $0x1E400, s13;
	s13 =	sshrl.u32 s14, $0x3;
	s14 =	simm.s32 $0x80  }
.LBB2_1:
0xe: {  	[tilespmem:s3], [sflag:$0x1] =	stream.linear.gather [hbm4b:s5+s3], $0x2800, $0x38;
	[tilespmem:$0x5800] =	vst v63  }
0xf: {  	_ =	swait.ge [sflag:s10], $0x2800  }
0x10: {  	[sflag:s10] =	ssyncset.done $0x0  }
0x11: {  	[sflag:s10] =	ssyncadd.s32 $0xFFFFD800  }
0x12: {  	[tilespmem:s11], [sflag:$0x1] =	stream.linear.gather [hbm4b:s4+s3], $0x800, $0x38;
	[tilespmem:$0x5800] =	vst v63  }
0x13: {  	_ =	swait.ge [sflag:s10], $0x800  }
0x14: {  	[sflag:s10] =	ssyncset.done $0x0  }
0x15: {  	[sflag:s10] =	ssyncadd.s32 $0xFFFFF800  }
0x16: {  	[spmem:s13], [sflag:s12] =	dma.local [hbm:s6], $0x500  }
0x17: {  	_ =	swait.ge [sflag:s10], $0x500  }
0x18: {  	[sflag:s10] =	ssyncset.done $0x0  }
0x19: {  	[sflag:s10] =	ssyncadd.s32 $0xFFFFFB00  }
0x1a: {  	s16 =	sadd.s32 $0x0, s9;
	[bflag:$0x0] =	sbarrier.arrive $0xFFFF  }
0x1b: {  	[spmem:s2] =	stream.indirect.scatter.add.f32 [tilespmem:s11], [sflag:$0x1], $0x10, s16, s14, $0xb8;
	[tilespmem:$0x5800] =	vst v63  }
0x1c: {  	s16 =	simm.s32 $0x200;
	_ =	swait.ge [sflag:s10], $0x800  }
.LBB2_2:
0x1d: {  	s17 =	sshra.s32 s16, $0x2;
	[sflag:s10] =	ssyncset.done $0x0;
	p0 =	sne.s32 s16, $0x4E00  }
.Ltmp0:
0x1e: {  	s17 =	sadd.s32 s17, s9;
	[sflag:s10] =	ssyncadd.s32 $0xFFFFF800;
	(pc) =	sbr.rel @p0 .LBB2_2-.Ltmp0, $3  }
0x1f: {  	[spmem:s2] =	stream.indirect.scatter.add.f32 [tilespmem:s11], [sflag:$0x1], $0x10, s17, s14, $0xb8;
	[tilespmem:$0x5800] =	vst v63  }
0x20: {  	s16 =	sadd.s32 $0x200, s16;
	_ =	sdelay $0x1  }
0x21: {  	_ =	swait.ge [sflag:s10], $0x800  }
0x22: {  	[sflag:s10] =	ssyncset.done $0x0;
	s15 =	sadd.s32 $0x1, s15  }
0x23: {  	[sflag:s10] =	ssyncadd.s32 $0xFFFFF800;
	p0 =	sne.s32 s15, s8  }
.Ltmp1:
0x24: {  	[bflag:$0x0] =	sbarrier.arrive $0xFFFF;
	(pc) =	sbr.rel @p0 .LBB2_1-.Ltmp1, $4  }
0x25: {  	[hbm:s7], [sflag:s12] =	dma.local [spmem:s13], $0x500  }
0x26: {  	_ =	swait.ge [sflag:s10], $0x500  }
0x27: {  	[sflag:s10] =	ssyncset.done $0x0  }
0x28: {  	[sflag:s10] =	ssyncadd.s32 $0xFFFFFB00  }
0x29: {  	_ =	sfence.sel $0x180000  }
0x2a: {  	[bflag:$0x0] =	sbarrier.arrive $0xFFFF  }
0x2b: {  	p0 =	sne.s32 s1, $0x0;
	_ =	strace $0x90000047  }
0x2c: {  	s0 =	sadd.s32 @!p0 $0x100000, s0;
	[bflag:$0x2] =	sbarrier.arrive $0xFFFF  }
0x2d: {  	[sflag:s0] =	ssyncadd.tile.s32 @!p0 $0x1;
	_ =	shalt  }
.Lfunc_end2:
_tile_overlayer_lowered:
.L_overlay_start_2:
0x2e: {  	(tag) =	ssettag $0x2  }
0x2f: {  	s0 =	rddreg [dreg:$0x0];
	s2 =	stileid.u32  }
0x30: {  	s1 =	rddreg [dreg:$0x1];
	p0 =	sne.s32 s2, $0x0  }
0x31: {  	s3 =	rddreg [dreg:$0x2];
	[bflag:$0x3] =	sbarrier.arrive $0xFFFF;
	s2 =	simm.s32 @!p0 $0x1C01  }
0x32: {  	[timem:s3], [sflag:s2] =	dma.local @!p0 [hbm:s0], s1  }
0x33: {  	s0 =	simm.s32 @!p0 $0x1  }
0x34: {  	_ =	swait.ge @!p0 [sflag:s0], s1  }
0x35: {  	s1 =	ssub.s32 @!p0 $0x0, s1;
	[sflag:s0] =	ssyncset.done @!p0 $0x0  }
0x36: {  	[sflag:s0] =	ssyncadd.s32 @!p0 s1  }
0x37: {  	[bflag:$0x3] =	sbarrier.arrive $0xFFFF  }
0x38: {  	_ =	shalt  }

// kernel: kernel.27.cloned.1.call-start
scs
__scs_entry_jumppad:
0x0: {  	(pc) =	sbr.rel $0x88, $3  }
0x1: {  	(tag) =	ssettag $0x0;
	lr =	simm.s32 $0x1  }
0x2: {  	[smem:$0x3F83] =	sst lr;
	_ =	strace $0xD0000000  }
0x3: {  	_ = 	snop  }
0x4: {  	_ = 	snop  }
0x5: {  	_ = 	snop  }
0x6: {  	_ = 	snop  }
0x7: {  	_ = 	snop  }
__scs_overlays_trampoline_lowered:
0x8: {  	[smem:$0x3F92] =	sst s0  }
0x9: {  	[smem:$0x3F93] =	sst s1  }
0xa: {  	[smem:$0x3F94] =	sst s2  }
0xb: {  	[smem:$0x3F95] =	sst s3  }
0xc: {  	[smem:$0x3F96] =	sst s4  }
0xd: {  	[smem:$0x3F97] =	sst s5  }
0xe: {  	[smem:$0x3F98] =	sst s6  }
0xf: {  	[smem:$0x3F99] =	sst s7  }
0x10: {  	[smem:$0x3F9A] =	sst s8  }
0x11: {  	[smem:$0x3F9B] =	sst s9;
	s0 =	simm.s32 @!p0 $0x0  }
0x12: {  	s1 =	sld [smem:$0x3F81];
	s0 =	simm.s32 @p0 $0x1  }
0x13: {  	[smem:$0x3F9C] =	sst s0;
	s0 =	simm.s32 @!p1 $0x0  }
0x14: {  	s2 =	sld [smem:$0x3F80];
	s0 =	simm.s32 @p1 $0x1  }
0x15: {  	[smem:$0x3F9D] =	sst s0;
	s0 =	simm.s32 @!p2 $0x0  }
0x16: {  	s3 =	sld [smem:$0x3FDB];
	s0 =	simm.s32 @p2 $0x1  }
0x17: {  	s4 =	simm.s32 $0x1BF5;
	[smem:$0x3F9F] =	sst s0  }
0x18: {  	s0 =	sld [smem:$0x3F82];
	_ =	swait.ge [sflag:s4], $0x0  }
0x19: {  	s7 =	sld [smem:$0x3F83]  }
0x1a: {  	s8 =	sadd.s32 $0xFFFFE003, lr  }
0x1b: {  	s9 =	sadd.s32 $0xFFFFFEF7, lr;
	s5 =	simm.s32 $0xFFFFFFFF;
	p2 =	slt.u32 s8, $0xFFFFF086  }
0x1c: {  	p1 =	slt.u32 s9, $0xF7A;
	s5 =	simm.s32 @!p2 $0x0  }
0x1d: {  	s5 =	simm.s32 @p1 $0x1;
	p0 =	seq.s32 s7, s2  }
0x1e: {  	s7 =	smul.u32 @!p0 $0xF7A, s2;
	p2 =	seq.s32 @!p0 s5, $0x0  }
0x1f: {  	s9 =	smul.u32 $0xF7A, s1;
	s8 =	simm.s32 @!p0 $0x1BF5;
	p2 =	por !p2, p0  }
0x20: {  	[sflag:s8] =	ssyncset.s32 @!p0 $0xFFFFF086;
	s6 =	sadd.s32 @!p0 s3, s7;
	s7 =	simm.s32 @!p0 $0x108  }
0x21: {  	s3 =	sadd.s32 s3, s9;
	s6 =	sadd.s32 @!p0 $0x88, s6;
	s7 =	simm.s32 @p2 $0x1082  }
0x22: {  	[simem:s7], [sflag:s8] =	dma.local @!p0 [hbm:s6], $0xF7A  }
0x23: {  	s9 =	sor.u32 $0xD0000000, s2;
	s6 =	simm.s32 $0x108;
	_ =	swait.ge @!p0 [sflag:s8], $0x0  }
0x24: {  	s3 =	sadd.s32 $0x88, s3;
	s6 =	simm.s32 @!p1 $0x1082;
	[sflag:s4] =	ssyncset.s32 $0xFFFFF086  }
0x25: {  	[simem:s6], [sflag:s4] =	dma.local [hbm:s3], $0xF7A  }
0x26: {  	[smem:$0x3F83] =	sst s1;
	(tag) =	ssettag s2;
	_ =	strace s9  }
0x27: {  	s1 =	sld [smem:$0x3F93]  }
0x28: {  	s2 =	sld [smem:$0x3F94]  }
0x29: {  	s4 =	sld [smem:$0x3F96]  }
0x2a: {  	p0 =	seq.s32 s5, $0x0;
	s5 =	sld [smem:$0x3F97]  }
0x2b: {  	s6 =	sld [smem:$0x3F98]  }
0x2c: {  	s7 =	sld [smem:$0x3F99]  }
0x2d: {  	s3 =	simm.s32 $0x108;
	s8 =	sld [smem:$0x3F9A]  }
0x2e: {  	s3 =	simm.s32 @!p0 $0x1082;
	s9 =	sld [smem:$0x3F9B]  }
0x2f: {  	lr =	sadd.s32 s0, s3;
	s0 =	sld [smem:$0x3F92]  }
0x30: {  	s3 =	sld [smem:$0x3F95]  }
0x31: {  	[smem:$0x3F9E] =	sst s10  }
0x32: {  	s10 =	sld [smem:$0x3F9C];
	_ =	sdelay $0x3  }
0x33: {  	p0 =	seq.s32 s10, $0x1;
	s10 =	sld [smem:$0x3F9E];
	_ =	sdelay $0x3  }
0x34: {  	[smem:$0x3F9E] =	sst s10  }
0x35: {  	s10 =	sld [smem:$0x3F9D];
	_ =	sdelay $0x3  }
0x36: {  	p1 =	seq.s32 s10, $0x1;
	s10 =	sld [smem:$0x3F9E];
	_ =	sdelay $0x3  }
0x37: {  	[smem:$0x3F9E] =	sst s10  }
0x38: {  	s10 =	sld [smem:$0x3F9F]  }
0x39: {  	_ = 	snop;
	(pc) =	sbr.ind lr, $3  }
0x3a: {  	_ = 	snop  }
0x3b: {  	_ = 	snop  }
0x3c: {  	p2 =	seq.s32 s10, $0x1;
	s10 =	sld [smem:$0x3F9E]  }
0x3d: {  	_ =	shalt  }
0x3e: {  	_ =	shalt  }
0x3f: {  	_ =	shalt  }
0x40: {  	_ =	shalt  }
0x41: {  	_ =	shalt  }
0x42: {  	_ =	shalt  }
0x43: {  	_ =	shalt  }
0x44: {  	_ =	shalt  }
0x45: {  	_ =	shalt  }
0x46: {  	_ =	shalt  }
0x47: {  	_ =	shalt  }
0x48: {  	_ =	shalt  }
0x49: {  	_ =	shalt  }
0x4a: {  	_ =	shalt  }
0x4b: {  	_ =	shalt  }
0x4c: {  	_ =	shalt  }
0x4d: {  	_ =	shalt  }
0x4e: {  	_ =	shalt  }
0x4f: {  	_ =	shalt  }
0x50: {  	_ =	shalt  }
0x51: {  	_ =	shalt  }
0x52: {  	_ =	shalt  }
0x53: {  	_ =	shalt  }
0x54: {  	_ =	shalt  }
0x55: {  	_ =	shalt  }
0x56: {  	_ =	shalt  }
0x57: {  	_ =	shalt  }
0x58: {  	_ =	shalt  }
0x59: {  	_ =	shalt  }
0x5a: {  	_ =	shalt  }
0x5b: {  	_ =	shalt  }
0x5c: {  	_ =	shalt  }
0x5d: {  	_ =	shalt  }
0x5e: {  	_ =	shalt  }
0x5f: {  	_ =	shalt  }
0x60: {  	_ =	shalt  }
0x61: {  	_ =	shalt  }
0x62: {  	_ =	shalt  }
0x63: {  	_ =	shalt  }
0x64: {  	_ =	shalt  }
0x65: {  	_ =	shalt  }
0x66: {  	_ =	shalt  }
0x67: {  	_ =	shalt  }
0x68: {  	_ =	shalt  }
0x69: {  	_ =	shalt  }
0x6a: {  	_ =	shalt  }
0x6b: {  	_ =	shalt  }
0x6c: {  	_ =	shalt  }
0x6d: {  	_ =	shalt  }
0x6e: {  	_ =	shalt  }
0x6f: {  	_ =	shalt  }
0x70: {  	_ =	shalt  }
0x71: {  	_ =	shalt  }
0x72: {  	_ =	shalt  }
0x73: {  	_ =	shalt  }
0x74: {  	_ =	shalt  }
0x75: {  	_ =	shalt  }
0x76: {  	_ =	shalt  }
0x77: {  	_ =	shalt  }
0x78: {  	_ =	shalt  }
0x79: {  	_ =	shalt  }
0x7a: {  	_ =	shalt  }
0x7b: {  	_ =	shalt  }
0x7c: {  	_ =	shalt  }
0x7d: {  	_ =	shalt  }
0x7e: {  	_ =	shalt  }
0x7f: {  	_ =	shalt  }
0x80: {  	_ =	shalt  }
0x81: {  	_ =	shalt  }
0x82: {  	_ =	shalt  }
0x83: {  	_ =	shalt  }
0x84: {  	_ =	shalt  }
0x85: {  	_ =	shalt  }
0x86: {  	_ =	shalt  }
0x87: {  	_ =	shalt  }
.Lfunc_end0:
.L_simem_size_0:
called_computation.1_lowered:
.L_overlay_start_0:
0x88: {  	s2 =	sld [smem:$0x3FD9]  }
0x89: {  	s3 =	sld [smem:$0x3FFE];
	_ =	sdelay $0x1  }
0x8a: {  	s1 =	srdreg.scid  }
0x8b: {  	s0 =	sand.u32 $0x1, s1  }
0x8c: {  	s17 =	sshll.u32 s0, $0xA;
	s2 =	sadd.s32 s3, s2  }
0x8d: {  	s2 =	sadd.s32 s2, s17  }
0x8e: {  	[smem:$0x3FAA] =	sst s2  }
0x8f: {  	_ = 	snop  }
0x90: {  	(tm) =	ssettm $0x1  }
0x91: {  	s18 =	sld [smem:$0x3FFB];
	_ =	sdelay $0x3  }
0x92: {  	_ =	strace s18  }
0x93: {  	s2 =	sld [smem:$0x3FFC];
	_ =	sdelay $0x3  }
0x94: {  	_ =	strace s2  }
0x95: {  	s2 =	sld [smem:$0x3FFD];
	_ =	sdelay $0x3  }
0x96: {  	_ =	strace s2  }
0x97: {  	_ =	strace $0x8FFFFFFF  }
0x98: {  	s19 =	sld [smem:$0x3FDB];
	_ =	sdelay $0x1  }
0x99: {  	s20 =	simm.s32 $_scs_section_size  }
0x9a: {  	s4 =	simm.s32 $_size__tile_overlayer_lowered;
	s5 =	simm.s32 $_tile_overlayer_lowered  }
0x9b: {  	s6 =	simm.s32 $0x1BFF;
	s21 =	sshll.u32 s5, $0x1;
	s3 =	sadd.s32 s20, s19  }
0x9c: {  	s22 =	simm.s32 $0x0;
	s4 =	sshll.u32 s4, $0x1;
	s5 =	sadd.s32 s21, s3  }
0x9d: {  	[timem:s22], [sflag:s6] =	dma.local [hbm:s5], s4  }
0x9e: {  	_ =	swait.ge [sflag:s6], s4  }
0x9f: {  	s4 =	ssub.s32 $0x0, s4;
	[sflag:s6] =	ssyncset.done $0x0  }
0xa0: {  	[sflag:s6] =	ssyncadd.s32 s4;
	_ =	sdelay $0x1  }
0xa1: {  	s23 =	simm.s32 $0x1B8B  }
0xa2: {  	_ =	swait.ge [sflag:s23], $0x1  }
0xa3: {  	[sflag:s23] =	ssyncset.done $0x0  }
0xa4: {  	[sflag:s23] =	ssyncadd.s32 $0xFFFFFFFF  }
0xa5: {  	s4 =	sld [smem:$0x0]  }
0xa6: {  	s5 =	sand.u32 $0xFFFFFFFE, s1  }
0xa7: {  	p0 =	sne.s32 s1, s5  }
0xa8: {  	s5 =	sshll.u32 @p0 s5, $0xE  }
0xa9: {  	s5 =	sadd.s32 @p0 $0x11B8D, s5;
	s6 =	sshll.u32 @p0 s4, $0x11  }
0xaa: {  	s5 =	sor.u32 @p0 s6, s5  }
0xab: {  	[sflag:s5] =	ssyncadd.remote.s32 @p0 $0x1;
	_ =	sdelay $0x1  }
0xac: {  	s5 =	simm.s32 @p0 $0x1B8D  }
0xad: {  	_ =	swait.eq @p0 [sflag:s5], $0x1  }
0xae: {  	[sflag:s5] =	ssyncadd.s32 @p0 $0xFFFFFFFF  }
0xaf: {  	s6 =	sshll.u32 @!p0 s1, $0xE  }
0xb0: {  	s6 =	sor.u32 @!p0 $0x4000, s6;
	s5 =	simm.s32 @!p0 $0x1B8D  }
0xb1: {  	s4 =	sshll.u32 @!p0 s4, $0x11;
	s6 =	sadd.s32 @!p0 $0x11B8D, s6;
	_ =	swait.eq @!p0 [sflag:s5], $0x1  }
0xb2: {  	s4 =	sor.u32 @!p0 s4, s6;
	[sflag:s5] =	ssyncadd.s32 @!p0 $0xFFFFFFFF  }
0xb3: {  	s25 =	simm.s32 $0x1B8E;
	s24 =	sld [smem:$0x3FFE];
	[sflag:s4] =	ssyncadd.remote.s32 @!p0 $0x1  }
0xb4: {  	s26 =	simm.s32 $execute0_lowered;
	[smem:$0x3FD2] =	sst s25  }
0xb5: {  	s5 =	sshll.u32 s26, $0x1;
	_ =	strace $0x8000004C;
	[dreg:$0x1] =	wrdreg $0xFFFFFFFF  }
0xb6: {  	s28 =	simm.s32 $_size_execute0_lowered;
	s3 =	sadd.s32 s3, s5;
	[dreg:$0x0] =	wrdreg $0x0  }
0xb7: {  	s5 =	sshll.u32 s28, $0x1;
	[dreg:$0x2] =	wrdreg s3  }
0xb8: {  	[dreg:$0x3] =	wrdreg s5  }
0xb9: {  	[dreg:$0x4] =	wrdreg $0xC0  }
0xba: {  	_ =	task [dreg:s22], $0x5FFFF  }
0xbb: {  	[dreg:$0x1] =	wrdreg $0xFFFFFFFF  }
0xbc: {  	[dreg:$0x0] =	wrdreg $0x60  }
0xbd: {  	[dreg:$0x2] =	wrdreg s24  }
0xbe: {  	[dreg:$0x3] =	wrdreg $0x78000  }
0xbf: {  	[dreg:$0x4] =	wrdreg $0x9  }
0xc0: {  	_ =	task.clear_ibuf [dreg:s22], $0x5FFFF;
	_ =	strace $0x9000004C  }
0xc1: {  	s29 =	simm.s32 $0x9;
	_ =	strace $0x8000004E  }
0xc2: {  	_ =	swait.ge [sflag:s29], $0x1  }
0xc3: {  	[sflag:s29] =	ssyncadd.s32 $0xFFFFFFFF  }
0xc4: {  	_ =	strace $0x9000004E  }
0xc5: {  	_ =	sfence  }
0xc6: {  	s30 =	sld [smem:$0x0];
	_ =	sdelay $0x2  }
0xc7: {  	s31 =	sshll.u32 s1, $0xD;
	s1 =	sshrl.u32 s1, $0x2  }
0xc8: {  	s4 =	sand.u32 $0x4000, s31;
	s1 =	sadd.s32 s1, s30  }
0xc9: {  	s0 =	sor.u32 s4, s0;
	s1 =	sshll.u32 s1, $0x11  }
0xca: {  	s0 =	sor.u32 s1, s0  }
0xcb: {  	s0 =	sadd.s32 $0x8F2B, s0  }
0xcc: {  	[sflag:s0] =	ssyncadd.remote.s32 $0x1  }
0xcd: {  	_ =	sfence.sel $0xFFFF  }
0xce: {  	[dreg:$0x0] =	wrdreg $0xFFFFFFFF;
	(pc) =	sbr.abs _section_cstart, $3  }
0xcf: {  	[dreg:$0x1] =	wrdreg $0xFFFFFFFF  }
0xd0: {  	_ =	task.clear_ibuf [dreg:s22], $0x2FFFF;
	_ =	strace $0x9FFFFFFF  }
0xd1: {  	(tm) =	ssettm $0x7FFFFFFF  }
tec
execute0_lowered:
.L_overlay_start_1:
0x0: {  	(tag) =	ssettag $0x1  }
0x1: {  	s1 =	srdreg.scid  }
0x2: {  	s0 =	stileid.u32;
	s5 =	rddreg [dreg:$0x0]  }
0x3: {  	s2 =	rddreg [dreg:$0x1];
	s3 =	simm.s32 $0x0;
	s14 =	simm.s32 $0x80  }
0x4: {  	s15 =	simm.s32 $0x5000;
	s16 =	simm.s32 $0x1;
	s4 =	smul.u32 $0x2800, s0  }
0x5: {  	s6 =	sand.u32 $0x1, s1;
	s1 =	rddreg [dreg:$0x2];
	s8 =	smul.u32 $0xC800, s0  }
0x6: {  	s17 =	simm.s32 $0x0;
	[smem:$0x7FF] =	sst s3;
	s9 =	smul.u32 $0x1900, s0  }
0x7: {  	s31 =	sshll.u32 s0, $0x6;
	s7 =	smul.u32 $0x28000, s6;
	_ =	strace $0x8000004D  }
0x8: {  	s10 =	smul.u32 $0x19000, s6;
	s6 =	ssub.s32 $0x2, s6;
	s12 =	sshrl.u32 s8, $0x3  }
0x9: {  	s30 =	sshrl.u32 s6, $0x1;
	s13 =	sadd.s32 s8, s2;
	s7 =	sadd.s32 s4, s7  }
0xa: {  	s4 =	sshrl.u32 s4, $0x3;
	s9 =	sadd.s32 s9, s10;
	s12 =	sadd.s32 s12, s5  }
0xb: {  	s10 =	ssub.s32 s6, s30;
	s13 =	sshrl.u32 s13, $0x3;
	s7 =	sshrl.u32 s7, $0x3  }
0xc: {  	s11 =	sadd.s32 s4, s5;
	s4 =	sadd.s32 $0x136200, s5;
	s9 =	sadd.s32 s9, s5  }
0xd: {  	s7 =	sadd.s32 s7, s5;
	s6 =	sadd.s32 $0x14200, s11;
	s8 =	sadd.s32 $0x69200, s9  }
0xe: {  	s9 =	smax.u32 s10, $0x1;
	s10 =	simm.s32 $0x2;
	s11 =	simm.s32 $0x2800  }
0xf: {  	s5 =	sadd.s32 $0xA200, s7;
	s7 =	sadd.s32 $0xEB200, s12;
	s12 =	sor.u32 $0x1C02, s31  }
.LBB2_1:
0x10: {  	[tilespmem:s3], [sflag:$0x2] =	stream.linear.gather [hbm4b:s5+s3], $0x2800, $0x38;
	[tilespmem:$0x14000] =	vst v63  }
0x11: {  	_ =	swait.ge [sflag:s10], $0x2800  }
0x12: {  	[sflag:s10] =	ssyncset.done $0x0  }
0x13: {  	[sflag:s10] =	ssyncadd.s32 $0xFFFFD800  }
0x14: {  	[tilespmem:s11], [sflag:$0x2] =	stream.linear.gather [hbm4b:s6+s3], $0x2800, $0x38;
	[tilespmem:$0x14000] =	vst v63  }
0x15: {  	_ =	swait.ge [sflag:s10], $0x2800  }
0x16: {  	[sflag:s10] =	ssyncset.done $0x0  }
0x17: {  	[sflag:s10] =	ssyncadd.s32 $0xFFFFD800  }
0x18: {  	[spmem:s13], [sflag:s12] =	dma.local [hbm:s7], $0x1900  }
0x19: {  	_ =	swait.ge [sflag:s10], $0x1900  }
0x1a: {  	[sflag:s10] =	ssyncset.done $0x0  }
0x1b: {  	[sflag:s10] =	ssyncadd.s32 $0xFFFFE700  }
0x1c: {  	s18 =	simm.s32 $0x0;
	[bflag:$0x0] =	sbarrier.arrive $0xFFFF  }
0x1d: {  	[tilespmem:s15], [sflag:$0x1] =	stream.indirect.gather [hbm4b:s4+s14], $0x50, s18, s14, $0xb8;
	[tilespmem:$0x14000] =	vst v63  }
0x1e: {  	_ =	swait.ge [sflag:s16], $0x2800  }
0x1f: {  	[sflag:s16] =	ssyncset.done $0x0  }
0x20: {  	s31 =	simm.s32 $0x2800;
	[sflag:s16] =	ssyncadd.s32 $0xFFFFD800  }
0x21: {  	[spmem:s2] =	stream.indirect.scatter.add.f32 [tilespmem:s15], [sflag:$0x2], $0x50, s31, s14, $0xb8;
	[tilespmem:$0x14000] =	vst v63  }
0x22: {  	_ =	swait.ge [sflag:s10], $0x2800  }
0x23: {  	s19 =	simm.s32 $0x400;
	s18 =	simm.s32 $0x200;
	[sflag:s10] =	ssyncset.done $0x0  }
.LBB2_2:
0x24: {  	s20 =	sshra.s32 s18, $0x2  }
0x25: {  	[sflag:s10] =	ssyncadd.s32 $0xFFFFD800;
	s18 =	smov.u32 s19;
	s21 =	sadd.s32 $0x200, s19  }
0x26: {  	[tilespmem:s15], [sflag:$0x1] =	stream.indirect.gather [hbm4b:s4+s14], $0x50, s20, s14, $0xb8;
	[tilespmem:$0x14000] =	vst v63  }
0x27: {  	p0 =	sne.s32 s19, $0x9E00;
	_ =	swait.ge [sflag:s16], $0x2800  }
.Ltmp0:
0x28: {  	[sflag:s16] =	ssyncset.done $0x0;
	(pc) =	sbr.rel @p0 .LBB2_2-.Ltmp0, $4  }
0x29: {  	s19 =	sadd.s32 $0x2800, s20;
	[sflag:s16] =	ssyncadd.s32 $0xFFFFD800  }
0x2a: {  	[spmem:s2] =	stream.indirect.scatter.add.f32 [tilespmem:s15], [sflag:$0x2], $0x50, s19, s14, $0xb8;
	[tilespmem:$0x14000] =	vst v63  }
0x2b: {  	_ =	swait.ge [sflag:s10], $0x2800  }
0x2c: {  	s19 =	smov.u32 s21;
	[sflag:s10] =	ssyncset.done $0x0  }
0x2d: {  	s18 =	sshra.s32 s18, $0x2;
	[sflag:s10] =	ssyncadd.s32 $0xFFFFD800  }
0x2e: {  	[tilespmem:s15], [sflag:$0x1] =	stream.indirect.gather [hbm4b:s4+s14], $0x50, s18, s14, $0xb8;
	[tilespmem:$0x14000] =	vst v63  }
0x2f: {  	_ =	swait.ge [sflag:s16], $0x2800  }
0x30: {  	[sflag:s16] =	ssyncset.done $0x0  }
0x31: {  	s18 =	sadd.s32 $0x2800, s18;
	[sflag:s16] =	ssyncadd.s32 $0xFFFFD800  }
0x32: {  	[spmem:s2] =	stream.indirect.scatter.add.f32 [tilespmem:s15], [sflag:$0x2], $0x50, s18, s14, $0xb8;
	[tilespmem:$0x14000] =	vst v63  }
0x33: {  	_ =	swait.ge [sflag:s10], $0x2800  }
0x34: {  	s17 =	sadd.s32 $0x1, s17;
	[sflag:s10] =	ssyncset.done $0x0  }
0x35: {  	p0 =	sne.s32 s17, s9;
	[sflag:s10] =	ssyncadd.s32 $0xFFFFD800  }
.Ltmp1:
0x36: {  	[bflag:$0x0] =	sbarrier.arrive $0xFFFF;
	(pc) =	sbr.rel @p0 .LBB2_1-.Ltmp1, $4  }
0x37: {  	[hbm:s8], [sflag:s12] =	dma.local [spmem:s13], $0x1900  }
0x38: {  	_ =	swait.ge [sflag:s10], $0x1900  }
0x39: {  	[sflag:s10] =	ssyncset.done $0x0  }
0x3a: {  	[sflag:s10] =	ssyncadd.s32 $0xFFFFE700  }
0x3b: {  	_ =	sfence.sel $0x180000  }
0x3c: {  	[bflag:$0x0] =	sbarrier.arrive $0xFFFF  }
0x3d: {  	p0 =	sne.s32 s0, $0x0;
	_ =	strace $0x9000004D  }
0x3e: {  	s0 =	sadd.s32 @!p0 $0x100000, s1;
	[bflag:$0x2] =	sbarrier.arrive $0xFFFF  }
0x3f: {  	[sflag:s0] =	ssyncadd.tile.s32 @!p0 $0x1;
	_ =	shalt  }
.Lfunc_end2:
_tile_overlayer_lowered:
.L_overlay_start_2:
0x40: {  	(tag) =	ssettag $0x2  }
0x41: {  	s0 =	rddreg [dreg:$0x0];
	s2 =	stileid.u32  }
0x42: {  	s1 =	rddreg [dreg:$0x1];
	p0 =	sne.s32 s2, $0x0  }
0x43: {  	s3 =	rddreg [dreg:$0x2];
	[bflag:$0x3] =	sbarrier.arrive $0xFFFF;
	s2 =	simm.s32 @!p0 $0x1C02  }
0x44: {  	[timem:s3], [sflag:s2] =	dma.local @!p0 [hbm:s0], s1  }
0x45: {  	s0 =	simm.s32 @!p0 $0x2  }
0x46: {  	_ =	swait.ge @!p0 [sflag:s0], s1  }
0x47: {  	s1 =	ssub.s32 @!p0 $0x0, s1;
	[sflag:s0] =	ssyncset.done @!p0 $0x0  }
0x48: {  	[sflag:s0] =	ssyncadd.s32 @!p0 s1  }
0x49: {  	[bflag:$0x3] =	sbarrier.arrive $0xFFFF  }
0x4a: {  	_ =	shalt  }

// kernel: kernel.30.cloned.1.call-start
scs
__scs_entry_jumppad:
0x0: {  	(pc) =	sbr.rel $0x88, $3  }
0x1: {  	(tag) =	ssettag $0x0;
	lr =	simm.s32 $0x1  }
0x2: {  	[smem:$0x3F83] =	sst lr;
	_ =	strace $0xD0000000  }
0x3: {  	_ = 	snop  }
0x4: {  	_ = 	snop  }
0x5: {  	_ = 	snop  }
0x6: {  	_ = 	snop  }
0x7: {  	_ = 	snop  }
__scs_overlays_trampoline_lowered:
0x8: {  	[smem:$0x3F92] =	sst s0  }
0x9: {  	[smem:$0x3F93] =	sst s1  }
0xa: {  	[smem:$0x3F94] =	sst s2  }
0xb: {  	[smem:$0x3F95] =	sst s3  }
0xc: {  	[smem:$0x3F96] =	sst s4  }
0xd: {  	[smem:$0x3F97] =	sst s5  }
0xe: {  	[smem:$0x3F98] =	sst s6  }
0xf: {  	[smem:$0x3F99] =	sst s7  }
0x10: {  	[smem:$0x3F9A] =	sst s8  }
0x11: {  	[smem:$0x3F9B] =	sst s9;
	s0 =	simm.s32 @!p0 $0x0  }
0x12: {  	s1 =	sld [smem:$0x3F81];
	s0 =	simm.s32 @p0 $0x1  }
0x13: {  	[smem:$0x3F9C] =	sst s0;
	s0 =	simm.s32 @!p1 $0x0  }
0x14: {  	s2 =	sld [smem:$0x3F80];
	s0 =	simm.s32 @p1 $0x1  }
0x15: {  	[smem:$0x3F9D] =	sst s0;
	s0 =	simm.s32 @!p2 $0x0  }
0x16: {  	s3 =	sld [smem:$0x3FDB];
	s0 =	simm.s32 @p2 $0x1  }
0x17: {  	s4 =	simm.s32 $0x1BF5;
	[smem:$0x3F9F] =	sst s0  }
0x18: {  	s0 =	sld [smem:$0x3F82];
	_ =	swait.ge [sflag:s4], $0x0  }
0x19: {  	s7 =	sld [smem:$0x3F83]  }
0x1a: {  	s8 =	sadd.s32 $0xFFFFE003, lr  }
0x1b: {  	s9 =	sadd.s32 $0xFFFFFEF7, lr;
	s5 =	simm.s32 $0xFFFFFFFF;
	p2 =	slt.u32 s8, $0xFFFFF086  }
0x1c: {  	p1 =	slt.u32 s9, $0xF7A;
	s5 =	simm.s32 @!p2 $0x0  }
0x1d: {  	s5 =	simm.s32 @p1 $0x1;
	p0 =	seq.s32 s7, s2  }
0x1e: {  	s7 =	smul.u32 @!p0 $0xF7A, s2;
	p2 =	seq.s32 @!p0 s5, $0x0  }
0x1f: {  	s9 =	smul.u32 $0xF7A, s1;
	s8 =	simm.s32 @!p0 $0x1BF5;
	p2 =	por !p2, p0  }
0x20: {  	[sflag:s8] =	ssyncset.s32 @!p0 $0xFFFFF086;
	s6 =	sadd.s32 @!p0 s3, s7;
	s7 =	simm.s32 @!p0 $0x108  }
0x21: {  	s3 =	sadd.s32 s3, s9;
	s6 =	sadd.s32 @!p0 $0x88, s6;
	s7 =	simm.s32 @p2 $0x1082  }
0x22: {  	[simem:s7], [sflag:s8] =	dma.local @!p0 [hbm:s6], $0xF7A  }
0x23: {  	s9 =	sor.u32 $0xD0000000, s2;
	s6 =	simm.s32 $0x108;
	_ =	swait.ge @!p0 [sflag:s8], $0x0  }
0x24: {  	s3 =	sadd.s32 $0x88, s3;
	s6 =	simm.s32 @!p1 $0x1082;
	[sflag:s4] =	ssyncset.s32 $0xFFFFF086  }
0x25: {  	[simem:s6], [sflag:s4] =	dma.local [hbm:s3], $0xF7A  }
0x26: {  	[smem:$0x3F83] =	sst s1;
	(tag) =	ssettag s2;
	_ =	strace s9  }
0x27: {  	s1 =	sld [smem:$0x3F93]  }
0x28: {  	s2 =	sld [smem:$0x3F94]  }
0x29: {  	s4 =	sld [smem:$0x3F96]  }
0x2a: {  	p0 =	seq.s32 s5, $0x0;
	s5 =	sld [smem:$0x3F97]  }
0x2b: {  	s6 =	sld [smem:$0x3F98]  }
0x2c: {  	s7 =	sld [smem:$0x3F99]  }
0x2d: {  	s3 =	simm.s32 $0x108;
	s8 =	sld [smem:$0x3F9A]  }
0x2e: {  	s3 =	simm.s32 @!p0 $0x1082;
	s9 =	sld [smem:$0x3F9B]  }
0x2f: {  	lr =	sadd.s32 s0, s3;
	s0 =	sld [smem:$0x3F92]  }
0x30: {  	s3 =	sld [smem:$0x3F95]  }
0x31: {  	[smem:$0x3F9E] =	sst s10  }
0x32: {  	s10 =	sld [smem:$0x3F9C];
	_ =	sdelay $0x3  }
0x33: {  	p0 =	seq.s32 s10, $0x1;
	s10 =	sld [smem:$0x3F9E];
	_ =	sdelay $0x3  }
0x34: {  	[smem:$0x3F9E] =	sst s10  }
0x35: {  	s10 =	sld [smem:$0x3F9D];
	_ =	sdelay $0x3  }
0x36: {  	p1 =	seq.s32 s10, $0x1;
	s10 =	sld [smem:$0x3F9E];
	_ =	sdelay $0x3  }
0x37: {  	[smem:$0x3F9E] =	sst s10  }
0x38: {  	s10 =	sld [smem:$0x3F9F]  }
0x39: {  	_ = 	snop;
	(pc) =	sbr.ind lr, $3  }
0x3a: {  	_ = 	snop  }
0x3b: {  	_ = 	snop  }
0x3c: {  	p2 =	seq.s32 s10, $0x1;
	s10 =	sld [smem:$0x3F9E]  }
0x3d: {  	_ =	shalt  }
0x3e: {  	_ =	shalt  }
0x3f: {  	_ =	shalt  }
0x40: {  	_ =	shalt  }
0x41: {  	_ =	shalt  }
0x42: {  	_ =	shalt  }
0x43: {  	_ =	shalt  }
0x44: {  	_ =	shalt  }
0x45: {  	_ =	shalt  }
0x46: {  	_ =	shalt  }
0x47: {  	_ =	shalt  }
0x48: {  	_ =	shalt  }
0x49: {  	_ =	shalt  }
0x4a: {  	_ =	shalt  }
0x4b: {  	_ =	shalt  }
0x4c: {  	_ =	shalt  }
0x4d: {  	_ =	shalt  }
0x4e: {  	_ =	shalt  }
0x4f: {  	_ =	shalt  }
0x50: {  	_ =	shalt  }
0x51: {  	_ =	shalt  }
0x52: {  	_ =	shalt  }
0x53: {  	_ =	shalt  }
0x54: {  	_ =	shalt  }
0x55: {  	_ =	shalt  }
0x56: {  	_ =	shalt  }
0x57: {  	_ =	shalt  }
0x58: {  	_ =	shalt  }
0x59: {  	_ =	shalt  }
0x5a: {  	_ =	shalt  }
0x5b: {  	_ =	shalt  }
0x5c: {  	_ =	shalt  }
0x5d: {  	_ =	shalt  }
0x5e: {  	_ =	shalt  }
0x5f: {  	_ =	shalt  }
0x60: {  	_ =	shalt  }
0x61: {  	_ =	shalt  }
0x62: {  	_ =	shalt  }
0x63: {  	_ =	shalt  }
0x64: {  	_ =	shalt  }
0x65: {  	_ =	shalt  }
0x66: {  	_ =	shalt  }
0x67: {  	_ =	shalt  }
0x68: {  	_ =	shalt  }
0x69: {  	_ =	shalt  }
0x6a: {  	_ =	shalt  }
0x6b: {  	_ =	shalt  }
0x6c: {  	_ =	shalt  }
0x6d: {  	_ =	shalt  }
0x6e: {  	_ =	shalt  }
0x6f: {  	_ =	shalt  }
0x70: {  	_ =	shalt  }
0x71: {  	_ =	shalt  }
0x72: {  	_ =	shalt  }
0x73: {  	_ =	shalt  }
0x74: {  	_ =	shalt  }
0x75: {  	_ =	shalt  }
0x76: {  	_ =	shalt  }
0x77: {  	_ =	shalt  }
0x78: {  	_ =	shalt  }
0x79: {  	_ =	shalt  }
0x7a: {  	_ =	shalt  }
0x7b: {  	_ =	shalt  }
0x7c: {  	_ =	shalt  }
0x7d: {  	_ =	shalt  }
0x7e: {  	_ =	shalt  }
0x7f: {  	_ =	shalt  }
0x80: {  	_ =	shalt  }
0x81: {  	_ =	shalt  }
0x82: {  	_ =	shalt  }
0x83: {  	_ =	shalt  }
0x84: {  	_ =	shalt  }
0x85: {  	_ =	shalt  }
0x86: {  	_ =	shalt  }
0x87: {  	_ =	shalt  }
.Lfunc_end0:
.L_simem_size_0:
called_computation.2_lowered:
.L_overlay_start_0:
0x88: {  	s2 =	sld [smem:$0x3FD9]  }
0x89: {  	s3 =	sld [smem:$0x3FFE];
	_ =	sdelay $0x1  }
0x8a: {  	s1 =	srdreg.scid  }
0x8b: {  	s0 =	sand.u32 $0x1, s1  }
0x8c: {  	s16 =	sshll.u32 s0, $0xA;
	s2 =	sadd.s32 s3, s2  }
0x8d: {  	s2 =	sadd.s32 s2, s16  }
0x8e: {  	[smem:$0x3FAA] =	sst s2  }
0x8f: {  	_ = 	snop  }
0x90: {  	(tm) =	ssettm $0x1  }
0x91: {  	s17 =	sld [smem:$0x3FFB];
	_ =	sdelay $0x3  }
0x92: {  	_ =	strace s17  }
0x93: {  	s2 =	sld [smem:$0x3FFC];
	_ =	sdelay $0x3  }
0x94: {  	_ =	strace s2  }
0x95: {  	s2 =	sld [smem:$0x3FFD];
	_ =	sdelay $0x3  }
0x96: {  	_ =	strace s2  }
0x97: {  	_ =	strace $0x8FFFFFFF  }
0x98: {  	s18 =	sld [smem:$0x3FDB];
	_ =	sdelay $0x1  }
0x99: {  	s19 =	simm.s32 $_scs_section_size  }
0x9a: {  	s4 =	simm.s32 $_size__tile_overlayer_lowered;
	s5 =	simm.s32 $_tile_overlayer_lowered  }
0x9b: {  	s22 =	simm.s32 $0x1BFF;
	s21 =	sshll.u32 s5, $0x1;
	s2 =	sadd.s32 s19, s18  }
0x9c: {  	s6 =	simm.s32 $0x0;
	s20 =	sshll.u32 s4, $0x1;
	s4 =	sadd.s32 s21, s2  }
0x9d: {  	[timem:s6], [sflag:s22] =	dma.local [hbm:s4], s20  }
0x9e: {  	_ =	swait.ge [sflag:s22], s20  }
0x9f: {  	s3 =	ssub.s32 $0x0, s20;
	[sflag:s22] =	ssyncset.done $0x0  }
0xa0: {  	[sflag:s22] =	ssyncadd.s32 s3;
	_ =	sdelay $0x1  }
0xa1: {  	s23 =	simm.s32 $0x1B8B  }
0xa2: {  	_ =	swait.ge [sflag:s23], $0x1  }
0xa3: {  	[sflag:s23] =	ssyncset.done $0x0  }
0xa4: {  	s25 =	simm.s32 $0x1B8E;
	s24 =	sld [smem:$0x3FFE];
	[sflag:s23] =	ssyncadd.s32 $0xFFFFFFFF  }
0xa5: {  	s26 =	simm.s32 $execute0_lowered;
	[smem:$0x3FD2] =	sst s25  }
0xa6: {  	s4 =	sshll.u32 s26, $0x1;
	_ =	strace $0x80000049;
	[dreg:$0x1] =	wrdreg $0xFFFFFFFF  }
0xa7: {  	s28 =	simm.s32 $_size_execute0_lowered;
	s2 =	sadd.s32 s2, s4;
	[dreg:$0x0] =	wrdreg $0x0  }
0xa8: {  	s4 =	sshll.u32 s28, $0x1;
	[dreg:$0x2] =	wrdreg s2  }
0xa9: {  	[dreg:$0x3] =	wrdreg s4  }
0xaa: {  	[dreg:$0x4] =	wrdreg $0xC0  }
0xab: {  	_ =	task [dreg:s6], $0x5FFFF  }
0xac: {  	[dreg:$0x1] =	wrdreg $0xFFFFFFFF  }
0xad: {  	[dreg:$0x0] =	wrdreg $0x60  }
0xae: {  	[dreg:$0x2] =	wrdreg s24  }
0xaf: {  	[dreg:$0x3] =	wrdreg $0x78000  }
0xb0: {  	[dreg:$0x4] =	wrdreg $0xA  }
0xb1: {  	_ =	task.clear_ibuf [dreg:s6], $0x5FFFF;
	_ =	strace $0x90000049  }
0xb2: {  	s29 =	simm.s32 $0xA;
	_ =	strace $0x8000004B  }
0xb3: {  	_ =	swait.ge [sflag:s29], $0x1  }
0xb4: {  	[sflag:s29] =	ssyncadd.s32 $0xFFFFFFFF  }
0xb5: {  	_ =	strace $0x9000004B  }
0xb6: {  	_ =	sfence  }
0xb7: {  	s30 =	sld [smem:$0x0];
	_ =	sdelay $0x2  }
0xb8: {  	s31 =	sshll.u32 s1, $0xD;
	s1 =	sshrl.u32 s1, $0x2  }
0xb9: {  	s3 =	sand.u32 $0x4000, s31;
	s1 =	sadd.s32 s1, s30  }
0xba: {  	s0 =	sor.u32 s3, s0;
	s1 =	sshll.u32 s1, $0x11  }
0xbb: {  	s0 =	sor.u32 s1, s0  }
0xbc: {  	s0 =	sadd.s32 $0x8F2B, s0  }
0xbd: {  	[sflag:s0] =	ssyncadd.remote.s32 $0x1  }
0xbe: {  	_ =	sfence.sel $0xFFFF  }
0xbf: {  	[dreg:$0x0] =	wrdreg $0xFFFFFFFF;
	(pc) =	sbr.abs _section_cstart, $3  }
0xc0: {  	[dreg:$0x1] =	wrdreg $0xFFFFFFFF  }
0xc1: {  	_ =	task.clear_ibuf [dreg:s6], $0x2FFFF;
	_ =	strace $0x9FFFFFFF  }
0xc2: {  	(tm) =	ssettm $0x7FFFFFFF  }
0xc3: {  	_ =	shalt  }
tec
execute0_lowered:
.L_overlay_start_1:
0x0: {  	(tag) =	ssettag $0x1  }
0x1: {  	s1 =	srdreg.scid  }
0x2: {  	s0 =	stileid.u32;
	s5 =	rddreg [dreg:$0x0]  }
0x3: {  	s2 =	rddreg [dreg:$0x1];
	s3 =	simm.s32 $0x0;
	s14 =	simm.s32 $0x80  }
0x4: {  	s15 =	simm.s32 $0x5000;
	s16 =	simm.s32 $0x1;
	s4 =	smul.u32 $0x2800, s0  }
0x5: {  	s6 =	sand.u32 $0x1, s1;
	s1 =	rddreg [dreg:$0x2];
	s8 =	smul.u32 $0xC800, s0  }
0x6: {  	s17 =	simm.s32 $0x0;
	[smem:$0x7FF] =	sst s3;
	s9 =	smul.u32 $0x1900, s0  }
0x7: {  	s31 =	sshll.u32 s0, $0x6;
	s7 =	smul.u32 $0x28000, s6;
	_ =	strace $0x8000004A  }
0x8: {  	s10 =	smul.u32 $0x19000, s6;
	s6 =	ssub.s32 $0x2, s6;
	s12 =	sshrl.u32 s8, $0x3  }
0x9: {  	s30 =	sshrl.u32 s6, $0x1;
	s13 =	sadd.s32 s8, s2;
	s7 =	sadd.s32 s4, s7  }
0xa: {  	s4 =	sshrl.u32 s4, $0x3;
	s9 =	sadd.s32 s9, s10;
	s12 =	sadd.s32 s12, s5  }
0xb: {  	s10 =	ssub.s32 s6, s30;
	s13 =	sshrl.u32 s13, $0x3;
	s7 =	sshrl.u32 s7, $0x3  }
0xc: {  	s11 =	sadd.s32 s4, s5;
	s4 =	sadd.s32 $0xB9200, s5;
	s9 =	sadd.s32 s9, s5  }
0xd: {  	s7 =	sadd.s32 s7, s5;
	s6 =	sadd.s32 $0x14200, s11;
	s8 =	sadd.s32 $0x104200, s9  }
0xe: {  	s9 =	smax.u32 s10, $0x1;
	s10 =	simm.s32 $0x2;
	s11 =	simm.s32 $0x2800  }
0xf: {  	s5 =	sadd.s32 $0xA200, s7;
	s7 =	sadd.s32 $0xEB200, s12;
	s12 =	sor.u32 $0x1C02, s31  }
.LBB2_1:
0x10: {  	[tilespmem:s3], [sflag:$0x2] =	stream.linear.gather [hbm4b:s5+s3], $0x2800, $0x38;
	[tilespmem:$0x14000] =	vst v63  }
0x11: {  	_ =	swait.ge [sflag:s10], $0x2800  }
0x12: {  	[sflag:s10] =	ssyncset.done $0x0  }
0x13: {  	[sflag:s10] =	ssyncadd.s32 $0xFFFFD800  }
0x14: {  	[tilespmem:s11], [sflag:$0x2] =	stream.linear.gather [hbm4b:s6+s3], $0x2800, $0x38;
	[tilespmem:$0x14000] =	vst v63  }
0x15: {  	_ =	swait.ge [sflag:s10], $0x2800  }
0x16: {  	[sflag:s10] =	ssyncset.done $0x0  }
0x17: {  	[sflag:s10] =	ssyncadd.s32 $0xFFFFD800  }
0x18: {  	[spmem:s13], [sflag:s12] =	dma.local [hbm:s7], $0x1900  }
0x19: {  	_ =	swait.ge [sflag:s10], $0x1900  }
0x1a: {  	[sflag:s10] =	ssyncset.done $0x0  }
0x1b: {  	[sflag:s10] =	ssyncadd.s32 $0xFFFFE700  }
0x1c: {  	s18 =	simm.s32 $0x0;
	[bflag:$0x0] =	sbarrier.arrive $0xFFFF  }
0x1d: {  	[tilespmem:s15], [sflag:$0x1] =	stream.indirect.gather [hbm4b:s4+s14], $0x50, s18, s14, $0xb8;
	[tilespmem:$0x14000] =	vst v63  }
0x1e: {  	_ =	swait.ge [sflag:s16], $0x2800  }
0x1f: {  	[sflag:s16] =	ssyncset.done $0x0  }
0x20: {  	s31 =	simm.s32 $0x2800;
	[sflag:s16] =	ssyncadd.s32 $0xFFFFD800  }
0x21: {  	[spmem:s2] =	stream.indirect.scatter.add.f32 [tilespmem:s15], [sflag:$0x2], $0x50, s31, s14, $0xb8;
	[tilespmem:$0x14000] =	vst v63  }
0x22: {  	_ =	swait.ge [sflag:s10], $0x2800  }
0x23: {  	s19 =	simm.s32 $0x400;
	s18 =	simm.s32 $0x200;
	[sflag:s10] =	ssyncset.done $0x0  }
.LBB2_2:
0x24: {  	s20 =	sshra.s32 s18, $0x2  }
0x25: {  	[sflag:s10] =	ssyncadd.s32 $0xFFFFD800;
	s18 =	smov.u32 s19;
	s21 =	sadd.s32 $0x200, s19  }
0x26: {  	[tilespmem:s15], [sflag:$0x1] =	stream.indirect.gather [hbm4b:s4+s14], $0x50, s20, s14, $0xb8;
	[tilespmem:$0x14000] =	vst v63  }
0x27: {  	p0 =	sne.s32 s19, $0x9E00;
	_ =	swait.ge [sflag:s16], $0x2800  }
.Ltmp0:
0x28: {  	[sflag:s16] =	ssyncset.done $0x0;
	(pc) =	sbr.rel @p0 .LBB2_2-.Ltmp0, $4  }
0x29: {  	s19 =	sadd.s32 $0x2800, s20;
	[sflag:s16] =	ssyncadd.s32 $0xFFFFD800  }
0x2a: {  	[spmem:s2] =	stream.indirect.scatter.add.f32 [tilespmem:s15], [sflag:$0x2], $0x50, s19, s14, $0xb8;
	[tilespmem:$0x14000] =	vst v63  }
0x2b: {  	_ =	swait.ge [sflag:s10], $0x2800  }
0x2c: {  	s19 =	smov.u32 s21;
	[sflag:s10] =	ssyncset.done $0x0  }
0x2d: {  	s18 =	sshra.s32 s18, $0x2;
	[sflag:s10] =	ssyncadd.s32 $0xFFFFD800  }
0x2e: {  	[tilespmem:s15], [sflag:$0x1] =	stream.indirect.gather [hbm4b:s4+s14], $0x50, s18, s14, $0xb8;
	[tilespmem:$0x14000] =	vst v63  }
0x2f: {  	_ =	swait.ge [sflag:s16], $0x2800  }
0x30: {  	[sflag:s16] =	ssyncset.done $0x0  }
0x31: {  	s18 =	sadd.s32 $0x2800, s18;
	[sflag:s16] =	ssyncadd.s32 $0xFFFFD800  }
0x32: {  	[spmem:s2] =	stream.indirect.scatter.add.f32 [tilespmem:s15], [sflag:$0x2], $0x50, s18, s14, $0xb8;
	[tilespmem:$0x14000] =	vst v63  }
0x33: {  	_ =	swait.ge [sflag:s10], $0x2800  }
0x34: {  	s17 =	sadd.s32 $0x1, s17;
	[sflag:s10] =	ssyncset.done $0x0  }
0x35: {  	p0 =	sne.s32 s17, s9;
	[sflag:s10] =	ssyncadd.s32 $0xFFFFD800  }
.Ltmp1:
0x36: {  	[bflag:$0x0] =	sbarrier.arrive $0xFFFF;
	(pc) =	sbr.rel @p0 .LBB2_1-.Ltmp1, $4  }
0x37: {  	[hbm:s8], [sflag:s12] =	dma.local [spmem:s13], $0x1900  }
0x38: {  	_ =	swait.ge [sflag:s10], $0x1900  }
0x39: {  	[sflag:s10] =	ssyncset.done $0x0  }
0x3a: {  	[sflag:s10] =	ssyncadd.s32 $0xFFFFE700  }
0x3b: {  	_ =	sfence.sel $0x180000  }
0x3c: {  	[bflag:$0x0] =	sbarrier.arrive $0xFFFF  }
0x3d: {  	p0 =	sne.s32 s0, $0x0;
	_ =	strace $0x9000004A  }
0x3e: {  	s0 =	sadd.s32 @!p0 $0x100000, s1;
	[bflag:$0x2] =	sbarrier.arrive $0xFFFF  }
0x3f: {  	[sflag:s0] =	ssyncadd.tile.s32 @!p0 $0x1;
	_ =	shalt  }
.Lfunc_end2:
_tile_overlayer_lowered:
.L_overlay_start_2:
0x40: {  	(tag) =	ssettag $0x2  }
0x41: {  	s0 =	rddreg [dreg:$0x0];
	s2 =	stileid.u32  }
0x42: {  	s1 =	rddreg [dreg:$0x1];
	p0 =	sne.s32 s2, $0x0  }
0x43: {  	s3 =	rddreg [dreg:$0x2];
	[bflag:$0x3] =	sbarrier.arrive $0xFFFF;
	s2 =	simm.s32 @!p0 $0x1C02  }
0x44: {  	[timem:s3], [sflag:s2] =	dma.local @!p0 [hbm:s0], s1  }
0x45: {  	s0 =	simm.s32 @!p0 $0x2  }
0x46: {  	_ =	swait.ge @!p0 [sflag:s0], s1  }
0x47: {  	s1 =	ssub.s32 @!p0 $0x0, s1;
	[sflag:s0] =	ssyncset.done @!p0 $0x0  }
0x48: {  	[sflag:s0] =	ssyncadd.s32 @!p0 s1  }
0x49: {  	[bflag:$0x3] =	sbarrier.arrive $0xFFFF  }
0x4a: {  	_ =	shalt  }

// kernel: kernel.33.cloned.1.call-start
scs
__scs_entry_jumppad:
0x0: {  	(pc) =	sbr.rel $0x88, $3  }
0x1: {  	(tag) =	ssettag $0x0;
	lr =	simm.s32 $0x1  }
0x2: {  	[smem:$0x3F83] =	sst lr;
	_ =	strace $0xD0000000  }
0x3: {  	_ = 	snop  }
0x4: {  	_ = 	snop  }
0x5: {  	_ = 	snop  }
0x6: {  	_ = 	snop  }
0x7: {  	_ = 	snop  }
__scs_overlays_trampoline_lowered:
0x8: {  	[smem:$0x3F92] =	sst s0  }
0x9: {  	[smem:$0x3F93] =	sst s1  }
0xa: {  	[smem:$0x3F94] =	sst s2  }
0xb: {  	[smem:$0x3F95] =	sst s3  }
0xc: {  	[smem:$0x3F96] =	sst s4  }
0xd: {  	[smem:$0x3F97] =	sst s5  }
0xe: {  	[smem:$0x3F98] =	sst s6  }
0xf: {  	[smem:$0x3F99] =	sst s7  }
0x10: {  	[smem:$0x3F9A] =	sst s8  }
0x11: {  	[smem:$0x3F9B] =	sst s9;
	s0 =	simm.s32 @!p0 $0x0  }
0x12: {  	s1 =	sld [smem:$0x3F81];
	s0 =	simm.s32 @p0 $0x1  }
0x13: {  	[smem:$0x3F9C] =	sst s0;
	s0 =	simm.s32 @!p1 $0x0  }
0x14: {  	s2 =	sld [smem:$0x3F80];
	s0 =	simm.s32 @p1 $0x1  }
0x15: {  	[smem:$0x3F9D] =	sst s0;
	s0 =	simm.s32 @!p2 $0x0  }
0x16: {  	s3 =	sld [smem:$0x3FDB];
	s0 =	simm.s32 @p2 $0x1  }
0x17: {  	s4 =	simm.s32 $0x1BF5;
	[smem:$0x3F9F] =	sst s0  }
0x18: {  	s0 =	sld [smem:$0x3F82];
	_ =	swait.ge [sflag:s4], $0x0  }
0x19: {  	s7 =	sld [smem:$0x3F83]  }
0x1a: {  	s8 =	sadd.s32 $0xFFFFE003, lr  }
0x1b: {  	s9 =	sadd.s32 $0xFFFFFEF7, lr;
	s5 =	simm.s32 $0xFFFFFFFF;
	p2 =	slt.u32 s8, $0xFFFFF086  }
0x1c: {  	p1 =	slt.u32 s9, $0xF7A;
	s5 =	simm.s32 @!p2 $0x0  }
0x1d: {  	s5 =	simm.s32 @p1 $0x1;
	p0 =	seq.s32 s7, s2  }
0x1e: {  	s7 =	smul.u32 @!p0 $0xF7A, s2;
	p2 =	seq.s32 @!p0 s5, $0x0  }
0x1f: {  	s9 =	smul.u32 $0xF7A, s1;
	s8 =	simm.s32 @!p0 $0x1BF5;
	p2 =	por !p2, p0  }
0x20: {  	[sflag:s8] =	ssyncset.s32 @!p0 $0xFFFFF086;
	s6 =	sadd.s32 @!p0 s3, s7;
	s7 =	simm.s32 @!p0 $0x108  }
0x21: {  	s3 =	sadd.s32 s3, s9;
	s6 =	sadd.s32 @!p0 $0x88, s6;
	s7 =	simm.s32 @p2 $0x1082  }
0x22: {  	[simem:s7], [sflag:s8] =	dma.local @!p0 [hbm:s6], $0xF7A  }
0x23: {  	s9 =	sor.u32 $0xD0000000, s2;
	s6 =	simm.s32 $0x108;
	_ =	swait.ge @!p0 [sflag:s8], $0x0  }
0x24: {  	s3 =	sadd.s32 $0x88, s3;
	s6 =	simm.s32 @!p1 $0x1082;
	[sflag:s4] =	ssyncset.s32 $0xFFFFF086  }
0x25: {  	[simem:s6], [sflag:s4] =	dma.local [hbm:s3], $0xF7A  }
0x26: {  	[smem:$0x3F83] =	sst s1;
	(tag) =	ssettag s2;
	_ =	strace s9  }
0x27: {  	s1 =	sld [smem:$0x3F93]  }
0x28: {  	s2 =	sld [smem:$0x3F94]  }
0x29: {  	s4 =	sld [smem:$0x3F96]  }
0x2a: {  	p0 =	seq.s32 s5, $0x0;
	s5 =	sld [smem:$0x3F97]  }
0x2b: {  	s6 =	sld [smem:$0x3F98]  }
0x2c: {  	s7 =	sld [smem:$0x3F99]  }
0x2d: {  	s3 =	simm.s32 $0x108;
	s8 =	sld [smem:$0x3F9A]  }
0x2e: {  	s3 =	simm.s32 @!p0 $0x1082;
	s9 =	sld [smem:$0x3F9B]  }
0x2f: {  	lr =	sadd.s32 s0, s3;
	s0 =	sld [smem:$0x3F92]  }
0x30: {  	s3 =	sld [smem:$0x3F95]  }
0x31: {  	[smem:$0x3F9E] =	sst s10  }
0x32: {  	s10 =	sld [smem:$0x3F9C];
	_ =	sdelay $0x3  }
0x33: {  	p0 =	seq.s32 s10, $0x1;
	s10 =	sld [smem:$0x3F9E];
	_ =	sdelay $0x3  }
0x34: {  	[smem:$0x3F9E] =	sst s10  }
0x35: {  	s10 =	sld [smem:$0x3F9D];
	_ =	sdelay $0x3  }
0x36: {  	p1 =	seq.s32 s10, $0x1;
	s10 =	sld [smem:$0x3F9E];
	_ =	sdelay $0x3  }
0x37: {  	[smem:$0x3F9E] =	sst s10  }
0x38: {  	s10 =	sld [smem:$0x3F9F]  }
0x39: {  	_ = 	snop;
	(pc) =	sbr.ind lr, $3  }
0x3a: {  	_ = 	snop  }
0x3b: {  	_ = 	snop  }
0x3c: {  	p2 =	seq.s32 s10, $0x1;
	s10 =	sld [smem:$0x3F9E]  }
0x3d: {  	_ =	shalt  }
0x3e: {  	_ =	shalt  }
0x3f: {  	_ =	shalt  }
0x40: {  	_ =	shalt  }
0x41: {  	_ =	shalt  }
0x42: {  	_ =	shalt  }
0x43: {  	_ =	shalt  }
0x44: {  	_ =	shalt  }
0x45: {  	_ =	shalt  }
0x46: {  	_ =	shalt  }
0x47: {  	_ =	shalt  }
0x48: {  	_ =	shalt  }
0x49: {  	_ =	shalt  }
0x4a: {  	_ =	shalt  }
0x4b: {  	_ =	shalt  }
0x4c: {  	_ =	shalt  }
0x4d: {  	_ =	shalt  }
0x4e: {  	_ =	shalt  }
0x4f: {  	_ =	shalt  }
0x50: {  	_ =	shalt  }
0x51: {  	_ =	shalt  }
0x52: {  	_ =	shalt  }
0x53: {  	_ =	shalt  }
0x54: {  	_ =	shalt  }
0x55: {  	_ =	shalt  }
0x56: {  	_ =	shalt  }
0x57: {  	_ =	shalt  }
0x58: {  	_ =	shalt  }
0x59: {  	_ =	shalt  }
0x5a: {  	_ =	shalt  }
0x5b: {  	_ =	shalt  }
0x5c: {  	_ =	shalt  }
0x5d: {  	_ =	shalt  }
0x5e: {  	_ =	shalt  }
0x5f: {  	_ =	shalt  }
0x60: {  	_ =	shalt  }
0x61: {  	_ =	shalt  }
0x62: {  	_ =	shalt  }
0x63: {  	_ =	shalt  }
0x64: {  	_ =	shalt  }
0x65: {  	_ =	shalt  }
0x66: {  	_ =	shalt  }
0x67: {  	_ =	shalt  }
0x68: {  	_ =	shalt  }
0x69: {  	_ =	shalt  }
0x6a: {  	_ =	shalt  }
0x6b: {  	_ =	shalt  }
0x6c: {  	_ =	shalt  }
0x6d: {  	_ =	shalt  }
0x6e: {  	_ =	shalt  }
0x6f: {  	_ =	shalt  }
0x70: {  	_ =	shalt  }
0x71: {  	_ =	shalt  }
0x72: {  	_ =	shalt  }
0x73: {  	_ =	shalt  }
0x74: {  	_ =	shalt  }
0x75: {  	_ =	shalt  }
0x76: {  	_ =	shalt  }
0x77: {  	_ =	shalt  }
0x78: {  	_ =	shalt  }
0x79: {  	_ =	shalt  }
0x7a: {  	_ =	shalt  }
0x7b: {  	_ =	shalt  }
0x7c: {  	_ =	shalt  }
0x7d: {  	_ =	shalt  }
0x7e: {  	_ =	shalt  }
0x7f: {  	_ =	shalt  }
0x80: {  	_ =	shalt  }
0x81: {  	_ =	shalt  }
0x82: {  	_ =	shalt  }
0x83: {  	_ =	shalt  }
0x84: {  	_ =	shalt  }
0x85: {  	_ =	shalt  }
0x86: {  	_ =	shalt  }
0x87: {  	_ =	shalt  }
.Lfunc_end0:
.L_simem_size_0:
called_computation.3_lowered:
.L_overlay_start_0:
0x88: {  	s2 =	sld [smem:$0x3FD9]  }
0x89: {  	s3 =	sld [smem:$0x3FFE];
	_ =	sdelay $0x1  }
0x8a: {  	s1 =	srdreg.scid  }
0x8b: {  	s0 =	sand.u32 $0x1, s1  }
0x8c: {  	s16 =	sshll.u32 s0, $0xA;
	s2 =	sadd.s32 s3, s2  }
0x8d: {  	s2 =	sadd.s32 s2, s16  }
0x8e: {  	[smem:$0x3FAA] =	sst s2  }
0x8f: {  	_ = 	snop  }
0x90: {  	(tm) =	ssettm $0x1  }
0x91: {  	s17 =	sld [smem:$0x3FFB];
	_ =	sdelay $0x3  }
0x92: {  	_ =	strace s17  }
0x93: {  	s2 =	sld [smem:$0x3FFC];
	_ =	sdelay $0x3  }
0x94: {  	_ =	strace s2  }
0x95: {  	s2 =	sld [smem:$0x3FFD];
	_ =	sdelay $0x3  }
0x96: {  	_ =	strace s2  }
0x97: {  	_ =	strace $0x8FFFFFFF  }
0x98: {  	s18 =	sld [smem:$0x3FDB];
	_ =	sdelay $0x1  }
0x99: {  	s19 =	simm.s32 $_scs_section_size  }
0x9a: {  	s4 =	simm.s32 $_size__tile_overlayer_lowered;
	s5 =	simm.s32 $_tile_overlayer_lowered  }
0x9b: {  	s22 =	simm.s32 $0x1BFF;
	s21 =	sshll.u32 s5, $0x1;
	s2 =	sadd.s32 s19, s18  }
0x9c: {  	s6 =	simm.s32 $0x0;
	s20 =	sshll.u32 s4, $0x1;
	s4 =	sadd.s32 s21, s2  }
0x9d: {  	[timem:s6], [sflag:s22] =	dma.local [hbm:s4], s20  }
0x9e: {  	_ =	swait.ge [sflag:s22], s20  }
0x9f: {  	s3 =	ssub.s32 $0x0, s20;
	[sflag:s22] =	ssyncset.done $0x0  }
0xa0: {  	[sflag:s22] =	ssyncadd.s32 s3;
	_ =	sdelay $0x1  }
0xa1: {  	s23 =	simm.s32 $0x1B8B  }
0xa2: {  	_ =	swait.ge [sflag:s23], $0x1  }
0xa3: {  	[sflag:s23] =	ssyncset.done $0x0  }
0xa4: {  	s25 =	simm.s32 $0x1B8E;
	s24 =	sld [smem:$0x3FFE];
	[sflag:s23] =	ssyncadd.s32 $0xFFFFFFFF  }
0xa5: {  	s26 =	simm.s32 $execute0_lowered;
	[smem:$0x3FD2] =	sst s25  }
0xa6: {  	s4 =	sshll.u32 s26, $0x1;
	_ =	strace $0x8000004F;
	[dreg:$0x1] =	wrdreg $0xFFFFFFFF  }
0xa7: {  	s28 =	simm.s32 $_size_execute0_lowered;
	s2 =	sadd.s32 s2, s4;
	[dreg:$0x0] =	wrdreg $0x0  }
0xa8: {  	s4 =	sshll.u32 s28, $0x1;
	[dreg:$0x2] =	wrdreg s2  }
0xa9: {  	[dreg:$0x3] =	wrdreg s4  }
0xaa: {  	[dreg:$0x4] =	wrdreg $0xC0  }
0xab: {  	_ =	task [dreg:s6], $0x5FFFF  }
0xac: {  	[dreg:$0x1] =	wrdreg $0xFFFFFFFF  }
0xad: {  	[dreg:$0x0] =	wrdreg $0x60  }
0xae: {  	[dreg:$0x2] =	wrdreg s24  }
0xaf: {  	[dreg:$0x3] =	wrdreg $0x80000  }
0xb0: {  	[dreg:$0x4] =	wrdreg $0x9  }
0xb1: {  	_ =	task.clear_ibuf [dreg:s6], $0x5FFFF;
	_ =	strace $0x9000004F  }
0xb2: {  	s29 =	simm.s32 $0x9;
	_ =	strace $0x80000051  }
0xb3: {  	_ =	swait.ge [sflag:s29], $0x1  }
0xb4: {  	[sflag:s29] =	ssyncadd.s32 $0xFFFFFFFF  }
0xb5: {  	_ =	strace $0x90000051  }
0xb6: {  	_ =	sfence  }
0xb7: {  	s30 =	sld [smem:$0x0];
	_ =	sdelay $0x2  }
0xb8: {  	s31 =	sshll.u32 s1, $0xD;
	s1 =	sshrl.u32 s1, $0x2  }
0xb9: {  	s3 =	sand.u32 $0x4000, s31;
	s1 =	sadd.s32 s1, s30  }
0xba: {  	s0 =	sor.u32 s3, s0;
	s1 =	sshll.u32 s1, $0x11  }
0xbb: {  	s0 =	sor.u32 s1, s0  }
0xbc: {  	s0 =	sadd.s32 $0x8F2B, s0  }
0xbd: {  	[sflag:s0] =	ssyncadd.remote.s32 $0x1  }
0xbe: {  	_ =	sfence.sel $0xFFFF  }
0xbf: {  	[dreg:$0x0] =	wrdreg $0xFFFFFFFF;
	(pc) =	sbr.abs _section_cstart, $3  }
0xc0: {  	[dreg:$0x1] =	wrdreg $0xFFFFFFFF  }
0xc1: {  	_ =	task.clear_ibuf [dreg:s6], $0x2FFFF;
	_ =	strace $0x9FFFFFFF  }
0xc2: {  	(tm) =	ssettm $0x7FFFFFFF  }
0xc3: {  	_ =	shalt  }
tec
execute0_lowered:
.L_overlay_start_1:
0x0: {  	(tag) =	ssettag $0x1  }
0x1: {  	s1 =	srdreg.scid  }
0x2: {  	s0 =	stileid.u32;
	s5 =	rddreg [dreg:$0x0]  }
0x3: {  	s2 =	rddreg [dreg:$0x1];
	s3 =	simm.s32 $0x0;
	s14 =	simm.s32 $0x80  }
0x4: {  	s15 =	simm.s32 $0x5000;
	s16 =	simm.s32 $0x1;
	s4 =	smul.u32 $0x2800, s0  }
0x5: {  	s6 =	sand.u32 $0x1, s1;
	s1 =	rddreg [dreg:$0x2];
	s8 =	smul.u32 $0xF000, s0  }
0x6: {  	s17 =	simm.s32 $0x0;
	[smem:$0x7FF] =	sst s3;
	s9 =	smul.u32 $0x1E00, s0  }
0x7: {  	s31 =	sshll.u32 s0, $0x6;
	s7 =	smul.u32 $0x28000, s6;
	_ =	strace $0x80000050  }
0x8: {  	s10 =	smul.u32 $0x1E000, s6;
	s6 =	ssub.s32 $0x2, s6;
	s12 =	sshrl.u32 s8, $0x3  }
0x9: {  	s30 =	sshrl.u32 s6, $0x1;
	s13 =	sadd.s32 s8, s2;
	s7 =	sadd.s32 s4, s7  }
0xa: {  	s4 =	sshrl.u32 s4, $0x3;
	s9 =	sadd.s32 s9, s10;
	s12 =	sadd.s32 s12, s5  }
0xb: {  	s10 =	ssub.s32 s6, s30;
	s13 =	sshrl.u32 s13, $0x3;
	s7 =	sshrl.u32 s7, $0x3  }
0xc: {  	s11 =	sadd.s32 s4, s5;
	s4 =	sadd.s32 $0x69200, s5;
	s9 =	sadd.s32 s9, s5  }
0xd: {  	s7 =	sadd.s32 s7, s5;
	s6 =	sadd.s32 $0x14200, s11;
	s8 =	sadd.s32 $0xC3200, s9  }
0xe: {  	s9 =	smax.u32 s10, $0x1;
	s10 =	simm.s32 $0x2;
	s11 =	simm.s32 $0x2800  }
0xf: {  	s5 =	sadd.s32 $0xA200, s7;
	s7 =	sadd.s32 $0xA5200, s12;
	s12 =	sor.u32 $0x1C02, s31  }
.LBB2_1:
0x10: {  	[tilespmem:s3], [sflag:$0x2] =	stream.linear.gather [hbm4b:s5+s3], $0x2800, $0x38;
	[tilespmem:$0x17000] =	vst v63  }
0x11: {  	_ =	swait.ge [sflag:s10], $0x2800  }
0x12: {  	[sflag:s10] =	ssyncset.done $0x0  }
0x13: {  	[sflag:s10] =	ssyncadd.s32 $0xFFFFD800  }
0x14: {  	[tilespmem:s11], [sflag:$0x2] =	stream.linear.gather [hbm4b:s6+s3], $0x2800, $0x38;
	[tilespmem:$0x17000] =	vst v63  }
0x15: {  	_ =	swait.ge [sflag:s10], $0x2800  }
0x16: {  	[sflag:s10] =	ssyncset.done $0x0  }
0x17: {  	[sflag:s10] =	ssyncadd.s32 $0xFFFFD800  }
0x18: {  	[spmem:s13], [sflag:s12] =	dma.local [hbm:s7], $0x1E00  }
0x19: {  	_ =	swait.ge [sflag:s10], $0x1E00  }
0x1a: {  	[sflag:s10] =	ssyncset.done $0x0  }
0x1b: {  	[sflag:s10] =	ssyncadd.s32 $0xFFFFE200  }
0x1c: {  	s18 =	simm.s32 $0x0;
	[bflag:$0x0] =	sbarrier.arrive $0xFFFF  }
0x1d: {  	[tilespmem:s15], [sflag:$0x1] =	stream.indirect.gather [hbm4b:s4+s14], $0x60, s18, s14, $0xb8;
	[tilespmem:$0x17000] =	vst v63  }
0x1e: {  	_ =	swait.ge [sflag:s16], $0x3000  }
0x1f: {  	[sflag:s16] =	ssyncset.done $0x0  }
0x20: {  	s31 =	simm.s32 $0x2800;
	[sflag:s16] =	ssyncadd.s32 $0xFFFFD000  }
0x21: {  	[spmem:s2] =	stream.indirect.scatter.add.f32 [tilespmem:s15], [sflag:$0x2], $0x60, s31, s14, $0xb8;
	[tilespmem:$0x17000] =	vst v63  }
0x22: {  	_ =	swait.ge [sflag:s10], $0x3000  }
0x23: {  	s19 =	simm.s32 $0x400;
	s18 =	simm.s32 $0x200;
	[sflag:s10] =	ssyncset.done $0x0  }
.LBB2_2:
0x24: {  	s20 =	sshra.s32 s18, $0x2  }
0x25: {  	[sflag:s10] =	ssyncadd.s32 $0xFFFFD000;
	s18 =	smov.u32 s19;
	s21 =	sadd.s32 $0x200, s19  }
0x26: {  	[tilespmem:s15], [sflag:$0x1] =	stream.indirect.gather [hbm4b:s4+s14], $0x60, s20, s14, $0xb8;
	[tilespmem:$0x17000] =	vst v63  }
0x27: {  	p0 =	sne.s32 s19, $0x9E00;
	_ =	swait.ge [sflag:s16], $0x3000  }
.Ltmp0:
0x28: {  	[sflag:s16] =	ssyncset.done $0x0;
	(pc) =	sbr.rel @p0 .LBB2_2-.Ltmp0, $4  }
0x29: {  	s19 =	sadd.s32 $0x2800, s20;
	[sflag:s16] =	ssyncadd.s32 $0xFFFFD000  }
0x2a: {  	[spmem:s2] =	stream.indirect.scatter.add.f32 [tilespmem:s15], [sflag:$0x2], $0x60, s19, s14, $0xb8;
	[tilespmem:$0x17000] =	vst v63  }
0x2b: {  	_ =	swait.ge [sflag:s10], $0x3000  }
0x2c: {  	s19 =	smov.u32 s21;
	[sflag:s10] =	ssyncset.done $0x0  }
0x2d: {  	s18 =	sshra.s32 s18, $0x2;
	[sflag:s10] =	ssyncadd.s32 $0xFFFFD000  }
0x2e: {  	[tilespmem:s15], [sflag:$0x1] =	stream.indirect.gather [hbm4b:s4+s14], $0x60, s18, s14, $0xb8;
	[tilespmem:$0x17000] =	vst v63  }
0x2f: {  	_ =	swait.ge [sflag:s16], $0x3000  }
0x30: {  	[sflag:s16] =	ssyncset.done $0x0  }
0x31: {  	s18 =	sadd.s32 $0x2800, s18;
	[sflag:s16] =	ssyncadd.s32 $0xFFFFD000  }
0x32: {  	[spmem:s2] =	stream.indirect.scatter.add.f32 [tilespmem:s15], [sflag:$0x2], $0x60, s18, s14, $0xb8;
	[tilespmem:$0x17000] =	vst v63  }
0x33: {  	_ =	swait.ge [sflag:s10], $0x3000  }
0x34: {  	s17 =	sadd.s32 $0x1, s17;
	[sflag:s10] =	ssyncset.done $0x0  }
0x35: {  	p0 =	sne.s32 s17, s9;
	[sflag:s10] =	ssyncadd.s32 $0xFFFFD000  }
.Ltmp1:
0x36: {  	[bflag:$0x0] =	sbarrier.arrive $0xFFFF;
	(pc) =	sbr.rel @p0 .LBB2_1-.Ltmp1, $4  }
0x37: {  	[hbm:s8], [sflag:s12] =	dma.local [spmem:s13], $0x1E00  }
0x38: {  	_ =	swait.ge [sflag:s10], $0x1E00  }
0x39: {  	[sflag:s10] =	ssyncset.done $0x0  }
0x3a: {  	[sflag:s10] =	ssyncadd.s32 $0xFFFFE200  }
0x3b: {  	_ =	sfence.sel $0x180000  }
0x3c: {  	[bflag:$0x0] =	sbarrier.arrive $0xFFFF  }
0x3d: {  	p0 =	sne.s32 s0, $0x0;
	_ =	strace $0x90000050  }
0x3e: {  	s0 =	sadd.s32 @!p0 $0x100000, s1;
	[bflag:$0x2] =	sbarrier.arrive $0xFFFF  }
0x3f: {  	[sflag:s0] =	ssyncadd.tile.s32 @!p0 $0x1;
	_ =	shalt  }
.Lfunc_end2:
_tile_overlayer_lowered:
.L_overlay_start_2:
0x40: {  	(tag) =	ssettag $0x2  }
0x41: {  	s0 =	rddreg [dreg:$0x0];
	s2 =	stileid.u32  }
0x42: {  	s1 =	rddreg [dreg:$0x1];
	p0 =	sne.s32 s2, $0x0  }
0x43: {  	s3 =	rddreg [dreg:$0x2];
	[bflag:$0x3] =	sbarrier.arrive $0xFFFF;
	s2 =	simm.s32 @!p0 $0x1C02  }
0x44: {  	[timem:s3], [sflag:s2] =	dma.local @!p0 [hbm:s0], s1  }
0x45: {  	s0 =	simm.s32 @!p0 $0x2  }
0x46: {  	_ =	swait.ge @!p0 [sflag:s0], s1  }
0x47: {  	s1 =	ssub.s32 @!p0 $0x0, s1;
	[sflag:s0] =	ssyncset.done @!p0 $0x0  }
0x48: {  	[sflag:s0] =	ssyncadd.s32 @!p0 s1  }
0x49: {  	[bflag:$0x3] =	sbarrier.arrive $0xFFFF  }
0x4a: {  	_ =	shalt  }

// kernel: kernel.36.cloned.1.call-start
scs
__scs_entry_jumppad:
0x0: {  	(pc) =	sbr.rel $0x88, $3  }
0x1: {  	(tag) =	ssettag $0x0;
	lr =	simm.s32 $0x1  }
0x2: {  	[smem:$0x3F83] =	sst lr;
	_ =	strace $0xD0000000  }
0x3: {  	_ = 	snop  }
0x4: {  	_ = 	snop  }
0x5: {  	_ = 	snop  }
0x6: {  	_ = 	snop  }
0x7: {  	_ = 	snop  }
__scs_overlays_trampoline_lowered:
0x8: {  	[smem:$0x3F92] =	sst s0  }
0x9: {  	[smem:$0x3F93] =	sst s1  }
0xa: {  	[smem:$0x3F94] =	sst s2  }
0xb: {  	[smem:$0x3F95] =	sst s3  }
0xc: {  	[smem:$0x3F96] =	sst s4  }
0xd: {  	[smem:$0x3F97] =	sst s5  }
0xe: {  	[smem:$0x3F98] =	sst s6  }
0xf: {  	[smem:$0x3F99] =	sst s7  }
0x10: {  	[smem:$0x3F9A] =	sst s8  }
0x11: {  	[smem:$0x3F9B] =	sst s9;
	s0 =	simm.s32 @!p0 $0x0  }
0x12: {  	s1 =	sld [smem:$0x3F81];
	s0 =	simm.s32 @p0 $0x1  }
0x13: {  	[smem:$0x3F9C] =	sst s0;
	s0 =	simm.s32 @!p1 $0x0  }
0x14: {  	s2 =	sld [smem:$0x3F80];
	s0 =	simm.s32 @p1 $0x1  }
0x15: {  	[smem:$0x3F9D] =	sst s0;
	s0 =	simm.s32 @!p2 $0x0  }
0x16: {  	s3 =	sld [smem:$0x3FDB];
	s0 =	simm.s32 @p2 $0x1  }
0x17: {  	s4 =	simm.s32 $0x1BF5;
	[smem:$0x3F9F] =	sst s0  }
0x18: {  	s0 =	sld [smem:$0x3F82];
	_ =	swait.ge [sflag:s4], $0x0  }
0x19: {  	s7 =	sld [smem:$0x3F83]  }
0x1a: {  	s8 =	sadd.s32 $0xFFFFE003, lr  }
0x1b: {  	s9 =	sadd.s32 $0xFFFFFEF7, lr;
	s5 =	simm.s32 $0xFFFFFFFF;
	p2 =	slt.u32 s8, $0xFFFFF086  }
0x1c: {  	p1 =	slt.u32 s9, $0xF7A;
	s5 =	simm.s32 @!p2 $0x0  }
0x1d: {  	s5 =	simm.s32 @p1 $0x1;
	p0 =	seq.s32 s7, s2  }
0x1e: {  	s7 =	smul.u32 @!p0 $0xF7A, s2;
	p2 =	seq.s32 @!p0 s5, $0x0  }
0x1f: {  	s9 =	smul.u32 $0xF7A, s1;
	s8 =	simm.s32 @!p0 $0x1BF5;
	p2 =	por !p2, p0  }
0x20: {  	[sflag:s8] =	ssyncset.s32 @!p0 $0xFFFFF086;
	s6 =	sadd.s32 @!p0 s3, s7;
	s7 =	simm.s32 @!p0 $0x108  }
0x21: {  	s3 =	sadd.s32 s3, s9;
	s6 =	sadd.s32 @!p0 $0x88, s6;
	s7 =	simm.s32 @p2 $0x1082  }
0x22: {  	[simem:s7], [sflag:s8] =	dma.local @!p0 [hbm:s6], $0xF7A  }
0x23: {  	s9 =	sor.u32 $0xD0000000, s2;
	s6 =	simm.s32 $0x108;
	_ =	swait.ge @!p0 [sflag:s8], $0x0  }
0x24: {  	s3 =	sadd.s32 $0x88, s3;
	s6 =	simm.s32 @!p1 $0x1082;
	[sflag:s4] =	ssyncset.s32 $0xFFFFF086  }
0x25: {  	[simem:s6], [sflag:s4] =	dma.local [hbm:s3], $0xF7A  }
0x26: {  	[smem:$0x3F83] =	sst s1;
	(tag) =	ssettag s2;
	_ =	strace s9  }
0x27: {  	s1 =	sld [smem:$0x3F93]  }
0x28: {  	s2 =	sld [smem:$0x3F94]  }
0x29: {  	s4 =	sld [smem:$0x3F96]  }
0x2a: {  	p0 =	seq.s32 s5, $0x0;
	s5 =	sld [smem:$0x3F97]  }
0x2b: {  	s6 =	sld [smem:$0x3F98]  }
0x2c: {  	s7 =	sld [smem:$0x3F99]  }
0x2d: {  	s3 =	simm.s32 $0x108;
	s8 =	sld [smem:$0x3F9A]  }
0x2e: {  	s3 =	simm.s32 @!p0 $0x1082;
	s9 =	sld [smem:$0x3F9B]  }
0x2f: {  	lr =	sadd.s32 s0, s3;
	s0 =	sld [smem:$0x3F92]  }
0x30: {  	s3 =	sld [smem:$0x3F95]  }
0x31: {  	[smem:$0x3F9E] =	sst s10  }
0x32: {  	s10 =	sld [smem:$0x3F9C];
	_ =	sdelay $0x3  }
0x33: {  	p0 =	seq.s32 s10, $0x1;
	s10 =	sld [smem:$0x3F9E];
	_ =	sdelay $0x3  }
0x34: {  	[smem:$0x3F9E] =	sst s10  }
0x35: {  	s10 =	sld [smem:$0x3F9D];
	_ =	sdelay $0x3  }
0x36: {  	p1 =	seq.s32 s10, $0x1;
	s10 =	sld [smem:$0x3F9E];
	_ =	sdelay $0x3  }
0x37: {  	[smem:$0x3F9E] =	sst s10  }
0x38: {  	s10 =	sld [smem:$0x3F9F]  }
0x39: {  	_ = 	snop;
	(pc) =	sbr.ind lr, $3  }
0x3a: {  	_ = 	snop  }
0x3b: {  	_ = 	snop  }
0x3c: {  	p2 =	seq.s32 s10, $0x1;
	s10 =	sld [smem:$0x3F9E]  }
0x3d: {  	_ =	shalt  }
0x3e: {  	_ =	shalt  }
0x3f: {  	_ =	shalt  }
0x40: {  	_ =	shalt  }
0x41: {  	_ =	shalt  }
0x42: {  	_ =	shalt  }
0x43: {  	_ =	shalt  }
0x44: {  	_ =	shalt  }
0x45: {  	_ =	shalt  }
0x46: {  	_ =	shalt  }
0x47: {  	_ =	shalt  }
0x48: {  	_ =	shalt  }
0x49: {  	_ =	shalt  }
0x4a: {  	_ =	shalt  }
0x4b: {  	_ =	shalt  }
0x4c: {  	_ =	shalt  }
0x4d: {  	_ =	shalt  }
0x4e: {  	_ =	shalt  }
0x4f: {  	_ =	shalt  }
0x50: {  	_ =	shalt  }
0x51: {  	_ =	shalt  }
0x52: {  	_ =	shalt  }
0x53: {  	_ =	shalt  }
0x54: {  	_ =	shalt  }
0x55: {  	_ =	shalt  }
0x56: {  	_ =	shalt  }
0x57: {  	_ =	shalt  }
0x58: {  	_ =	shalt  }
0x59: {  	_ =	shalt  }
0x5a: {  	_ =	shalt  }
0x5b: {  	_ =	shalt  }
0x5c: {  	_ =	shalt  }
0x5d: {  	_ =	shalt  }
0x5e: {  	_ =	shalt  }
0x5f: {  	_ =	shalt  }
0x60: {  	_ =	shalt  }
0x61: {  	_ =	shalt  }
0x62: {  	_ =	shalt  }
0x63: {  	_ =	shalt  }
0x64: {  	_ =	shalt  }
0x65: {  	_ =	shalt  }
0x66: {  	_ =	shalt  }
0x67: {  	_ =	shalt  }
0x68: {  	_ =	shalt  }
0x69: {  	_ =	shalt  }
0x6a: {  	_ =	shalt  }
0x6b: {  	_ =	shalt  }
0x6c: {  	_ =	shalt  }
0x6d: {  	_ =	shalt  }
0x6e: {  	_ =	shalt  }
0x6f: {  	_ =	shalt  }
0x70: {  	_ =	shalt  }
0x71: {  	_ =	shalt  }
0x72: {  	_ =	shalt  }
0x73: {  	_ =	shalt  }
0x74: {  	_ =	shalt  }
0x75: {  	_ =	shalt  }
0x76: {  	_ =	shalt  }
0x77: {  	_ =	shalt  }
0x78: {  	_ =	shalt  }
0x79: {  	_ =	shalt  }
0x7a: {  	_ =	shalt  }
0x7b: {  	_ =	shalt  }
0x7c: {  	_ =	shalt  }
0x7d: {  	_ =	shalt  }
0x7e: {  	_ =	shalt  }
0x7f: {  	_ =	shalt  }
0x80: {  	_ =	shalt  }
0x81: {  	_ =	shalt  }
0x82: {  	_ =	shalt  }
0x83: {  	_ =	shalt  }
0x84: {  	_ =	shalt  }
0x85: {  	_ =	shalt  }
0x86: {  	_ =	shalt  }
0x87: {  	_ =	shalt  }
.Lfunc_end0:
.L_simem_size_0:
called_computation.4_lowered:
.L_overlay_start_0:
0x88: {  	s2 =	sld [smem:$0x3FD9]  }
0x89: {  	s3 =	sld [smem:$0x3FFE];
	_ =	sdelay $0x1  }
0x8a: {  	s1 =	srdreg.scid  }
0x8b: {  	s0 =	sand.u32 $0x1, s1  }
0x8c: {  	s16 =	sshll.u32 s0, $0xA;
	s2 =	sadd.s32 s3, s2  }
0x8d: {  	s2 =	sadd.s32 s2, s16  }
0x8e: {  	[smem:$0x3FAA] =	sst s2  }
0x8f: {  	_ = 	snop  }
0x90: {  	(tm) =	ssettm $0x1  }
0x91: {  	s17 =	sld [smem:$0x3FFB];
	_ =	sdelay $0x3  }
0x92: {  	_ =	strace s17  }
0x93: {  	s2 =	sld [smem:$0x3FFC];
	_ =	sdelay $0x3  }
0x94: {  	_ =	strace s2  }
0x95: {  	s2 =	sld [smem:$0x3FFD];
	_ =	sdelay $0x3  }
0x96: {  	_ =	strace s2  }
0x97: {  	_ =	strace $0x8FFFFFFF  }
0x98: {  	s18 =	sld [smem:$0x3FDB];
	_ =	sdelay $0x1  }
0x99: {  	s19 =	simm.s32 $_scs_section_size  }
0x9a: {  	s4 =	simm.s32 $_size__tile_overlayer_lowered;
	s5 =	simm.s32 $_tile_overlayer_lowered  }
0x9b: {  	s22 =	simm.s32 $0x1BFF;
	s21 =	sshll.u32 s5, $0x1;
	s2 =	sadd.s32 s19, s18  }
0x9c: {  	s6 =	simm.s32 $0x0;
	s20 =	sshll.u32 s4, $0x1;
	s4 =	sadd.s32 s21, s2  }
0x9d: {  	[timem:s6], [sflag:s22] =	dma.local [hbm:s4], s20  }
0x9e: {  	_ =	swait.ge [sflag:s22], s20  }
0x9f: {  	s3 =	ssub.s32 $0x0, s20;
	[sflag:s22] =	ssyncset.done $0x0  }
0xa0: {  	[sflag:s22] =	ssyncadd.s32 s3;
	_ =	sdelay $0x1  }
0xa1: {  	s23 =	simm.s32 $0x1B8B  }
0xa2: {  	_ =	swait.ge [sflag:s23], $0x1  }
0xa3: {  	[sflag:s23] =	ssyncset.done $0x0  }
0xa4: {  	s25 =	simm.s32 $0x1B8E;
	s24 =	sld [smem:$0x3FFE];
	[sflag:s23] =	ssyncadd.s32 $0xFFFFFFFF  }
0xa5: {  	s26 =	simm.s32 $execute0_lowered;
	[smem:$0x3FD2] =	sst s25  }
0xa6: {  	s4 =	sshll.u32 s26, $0x1;
	_ =	strace $0x80000052;
	[dreg:$0x1] =	wrdreg $0xFFFFFFFF  }
0xa7: {  	s28 =	simm.s32 $_size_execute0_lowered;
	s2 =	sadd.s32 s2, s4;
	[dreg:$0x0] =	wrdreg $0x0  }
0xa8: {  	s4 =	sshll.u32 s28, $0x1;
	[dreg:$0x2] =	wrdreg s2  }
0xa9: {  	[dreg:$0x3] =	wrdreg s4  }
0xaa: {  	[dreg:$0x4] =	wrdreg $0xC0  }
0xab: {  	_ =	task [dreg:s6], $0x5FFFF  }
0xac: {  	[dreg:$0x1] =	wrdreg $0xFFFFFFFF  }
0xad: {  	[dreg:$0x0] =	wrdreg $0x60  }
0xae: {  	[dreg:$0x2] =	wrdreg s24  }
0xaf: {  	[dreg:$0x3] =	wrdreg $0x68000  }
0xb0: {  	[dreg:$0x4] =	wrdreg $0x9  }
0xb1: {  	_ =	task.clear_ibuf [dreg:s6], $0x5FFFF;
	_ =	strace $0x90000052  }
0xb2: {  	s29 =	simm.s32 $0x9;
	_ =	strace $0x80000054  }
0xb3: {  	_ =	swait.ge [sflag:s29], $0x1  }
0xb4: {  	[sflag:s29] =	ssyncadd.s32 $0xFFFFFFFF  }
0xb5: {  	_ =	strace $0x90000054  }
0xb6: {  	_ =	sfence  }
0xb7: {  	s30 =	sld [smem:$0x0];
	_ =	sdelay $0x2  }
0xb8: {  	s31 =	sshll.u32 s1, $0xD;
	s1 =	sshrl.u32 s1, $0x2  }
0xb9: {  	s3 =	sand.u32 $0x4000, s31;
	s1 =	sadd.s32 s1, s30  }
0xba: {  	s0 =	sor.u32 s3, s0;
	s1 =	sshll.u32 s1, $0x11  }
0xbb: {  	s0 =	sor.u32 s1, s0  }
0xbc: {  	s0 =	sadd.s32 $0x8F2B, s0  }
0xbd: {  	[sflag:s0] =	ssyncadd.remote.s32 $0x1  }
0xbe: {  	_ =	sfence.sel $0xFFFF  }
0xbf: {  	[dreg:$0x0] =	wrdreg $0xFFFFFFFF;
	(pc) =	sbr.abs _section_cstart, $3  }
0xc0: {  	[dreg:$0x1] =	wrdreg $0xFFFFFFFF  }
0xc1: {  	_ =	task.clear_ibuf [dreg:s6], $0x2FFFF;
	_ =	strace $0x9FFFFFFF  }
0xc2: {  	(tm) =	ssettm $0x7FFFFFFF  }
0xc3: {  	_ =	shalt  }
tec
execute0_lowered:
.L_overlay_start_1:
0x0: {  	(tag) =	ssettag $0x1  }
0x1: {  	s1 =	srdreg.scid  }
0x2: {  	s0 =	stileid.u32;
	s5 =	rddreg [dreg:$0x0]  }
0x3: {  	s2 =	rddreg [dreg:$0x1];
	s3 =	simm.s32 $0x0;
	s14 =	simm.s32 $0x80  }
0x4: {  	s15 =	simm.s32 $0x5000;
	s16 =	simm.s32 $0x1;
	s4 =	smul.u32 $0x2800, s0  }
0x5: {  	s6 =	sand.u32 $0x1, s1;
	s1 =	rddreg [dreg:$0x2];
	s8 =	smul.u32 $0x7800, s0  }
0x6: {  	s17 =	simm.s32 $0x0;
	[smem:$0x7FF] =	sst s3;
	s9 =	smul.u32 $0xF00, s0  }
0x7: {  	s31 =	sshll.u32 s0, $0x6;
	s7 =	smul.u32 $0x28000, s6;
	_ =	strace $0x80000053  }
0x8: {  	s10 =	smul.u32 $0xF000, s6;
	s6 =	ssub.s32 $0x2, s6;
	s12 =	sshrl.u32 s8, $0x3  }
0x9: {  	s30 =	sshrl.u32 s6, $0x1;
	s13 =	sadd.s32 s8, s2;
	s7 =	sadd.s32 s4, s7  }
0xa: {  	s4 =	sshrl.u32 s4, $0x3;
	s9 =	sadd.s32 s9, s10;
	s12 =	sadd.s32 s12, s5  }
0xb: {  	s10 =	ssub.s32 s6, s30;
	s13 =	sshrl.u32 s13, $0x3;
	s7 =	sshrl.u32 s7, $0x3  }
0xc: {  	s11 =	sadd.s32 s4, s5;
	s4 =	sadd.s32 $0x69200, s5;
	s9 =	sadd.s32 s9, s5  }
0xd: {  	s7 =	sadd.s32 s7, s5;
	s6 =	sadd.s32 $0x14200, s11;
	s8 =	sadd.s32 $0x96200, s9  }
0xe: {  	s9 =	smax.u32 s10, $0x1;
	s10 =	simm.s32 $0x2;
	s11 =	simm.s32 $0x2800  }
0xf: {  	s5 =	sadd.s32 $0xA200, s7;
	s7 =	sadd.s32 $0x87200, s12;
	s12 =	sor.u32 $0x1C02, s31  }
.LBB2_1:
0x10: {  	[tilespmem:s3], [sflag:$0x2] =	stream.linear.gather [hbm4b:s5+s3], $0x2800, $0x38;
	[tilespmem:$0xE000] =	vst v63  }
0x11: {  	_ =	swait.ge [sflag:s10], $0x2800  }
0x12: {  	[sflag:s10] =	ssyncset.done $0x0  }
0x13: {  	[sflag:s10] =	ssyncadd.s32 $0xFFFFD800  }
0x14: {  	[tilespmem:s11], [sflag:$0x2] =	stream.linear.gather [hbm4b:s6+s3], $0x2800, $0x38;
	[tilespmem:$0xE000] =	vst v63  }
0x15: {  	_ =	swait.ge [sflag:s10], $0x2800  }
0x16: {  	[sflag:s10] =	ssyncset.done $0x0  }
0x17: {  	[sflag:s10] =	ssyncadd.s32 $0xFFFFD800  }
0x18: {  	[spmem:s13], [sflag:s12] =	dma.local [hbm:s7], $0xF00  }
0x19: {  	_ =	swait.ge [sflag:s10], $0xF00  }
0x1a: {  	[sflag:s10] =	ssyncset.done $0x0  }
0x1b: {  	[sflag:s10] =	ssyncadd.s32 $0xFFFFF100  }
0x1c: {  	s18 =	simm.s32 $0x0;
	[bflag:$0x0] =	sbarrier.arrive $0xFFFF  }
0x1d: {  	[tilespmem:s15], [sflag:$0x1] =	stream.indirect.gather [hbm4b:s4+s14], $0x30, s18, s14, $0xb8;
	[tilespmem:$0xE000] =	vst v63  }
0x1e: {  	_ =	swait.ge [sflag:s16], $0x1800  }
0x1f: {  	[sflag:s16] =	ssyncset.done $0x0  }
0x20: {  	s31 =	simm.s32 $0x2800;
	[sflag:s16] =	ssyncadd.s32 $0xFFFFE800  }
0x21: {  	[spmem:s2] =	stream.indirect.scatter.add.f32 [tilespmem:s15], [sflag:$0x2], $0x30, s31, s14, $0xb8;
	[tilespmem:$0xE000] =	vst v63  }
0x22: {  	_ =	swait.ge [sflag:s10], $0x1800  }
0x23: {  	s19 =	simm.s32 $0x400;
	s18 =	simm.s32 $0x200;
	[sflag:s10] =	ssyncset.done $0x0  }
.LBB2_2:
0x24: {  	s20 =	sshra.s32 s18, $0x2  }
0x25: {  	[sflag:s10] =	ssyncadd.s32 $0xFFFFE800;
	s18 =	smov.u32 s19;
	s21 =	sadd.s32 $0x200, s19  }
0x26: {  	[tilespmem:s15], [sflag:$0x1] =	stream.indirect.gather [hbm4b:s4+s14], $0x30, s20, s14, $0xb8;
	[tilespmem:$0xE000] =	vst v63  }
0x27: {  	p0 =	sne.s32 s19, $0x9E00;
	_ =	swait.ge [sflag:s16], $0x1800  }
.Ltmp0:
0x28: {  	[sflag:s16] =	ssyncset.done $0x0;
	(pc) =	sbr.rel @p0 .LBB2_2-.Ltmp0, $4  }
0x29: {  	s19 =	sadd.s32 $0x2800, s20;
	[sflag:s16] =	ssyncadd.s32 $0xFFFFE800  }
0x2a: {  	[spmem:s2] =	stream.indirect.scatter.add.f32 [tilespmem:s15], [sflag:$0x2], $0x30, s19, s14, $0xb8;
	[tilespmem:$0xE000] =	vst v63  }
0x2b: {  	_ =	swait.ge [sflag:s10], $0x1800  }
0x2c: {  	s19 =	smov.u32 s21;
	[sflag:s10] =	ssyncset.done $0x0  }
0x2d: {  	s18 =	sshra.s32 s18, $0x2;
	[sflag:s10] =	ssyncadd.s32 $0xFFFFE800  }
0x2e: {  	[tilespmem:s15], [sflag:$0x1] =	stream.indirect.gather [hbm4b:s4+s14], $0x30, s18, s14, $0xb8;
	[tilespmem:$0xE000] =	vst v63  }
0x2f: {  	_ =	swait.ge [sflag:s16], $0x1800  }
0x30: {  	[sflag:s16] =	ssyncset.done $0x0  }
0x31: {  	s18 =	sadd.s32 $0x2800, s18;
	[sflag:s16] =	ssyncadd.s32 $0xFFFFE800  }
0x32: {  	[spmem:s2] =	stream.indirect.scatter.add.f32 [tilespmem:s15], [sflag:$0x2], $0x30, s18, s14, $0xb8;
	[tilespmem:$0xE000] =	vst v63  }
0x33: {  	_ =	swait.ge [sflag:s10], $0x1800  }
0x34: {  	s17 =	sadd.s32 $0x1, s17;
	[sflag:s10] =	ssyncset.done $0x0  }
0x35: {  	p0 =	sne.s32 s17, s9;
	[sflag:s10] =	ssyncadd.s32 $0xFFFFE800  }
.Ltmp1:
0x36: {  	[bflag:$0x0] =	sbarrier.arrive $0xFFFF;
	(pc) =	sbr.rel @p0 .LBB2_1-.Ltmp1, $4  }
0x37: {  	[hbm:s8], [sflag:s12] =	dma.local [spmem:s13], $0xF00  }
0x38: {  	_ =	swait.ge [sflag:s10], $0xF00  }
0x39: {  	[sflag:s10] =	ssyncset.done $0x0  }
0x3a: {  	[sflag:s10] =	ssyncadd.s32 $0xFFFFF100  }
0x3b: {  	_ =	sfence.sel $0x180000  }
0x3c: {  	[bflag:$0x0] =	sbarrier.arrive $0xFFFF  }
0x3d: {  	p0 =	sne.s32 s0, $0x0;
	_ =	strace $0x90000053  }
0x3e: {  	s0 =	sadd.s32 @!p0 $0x100000, s1;
	[bflag:$0x2] =	sbarrier.arrive $0xFFFF  }
0x3f: {  	[sflag:s0] =	ssyncadd.tile.s32 @!p0 $0x1;
	_ =	shalt  }
.Lfunc_end2:
_tile_overlayer_lowered:
.L_overlay_start_2:
0x40: {  	(tag) =	ssettag $0x2  }
0x41: {  	s0 =	rddreg [dreg:$0x0];
	s2 =	stileid.u32  }
0x42: {  	s1 =	rddreg [dreg:$0x1];
	p0 =	sne.s32 s2, $0x0  }
0x43: {  	s3 =	rddreg [dreg:$0x2];
	[bflag:$0x3] =	sbarrier.arrive $0xFFFF;
	s2 =	simm.s32 @!p0 $0x1C02  }
0x44: {  	[timem:s3], [sflag:s2] =	dma.local @!p0 [hbm:s0], s1  }
0x45: {  	s0 =	simm.s32 @!p0 $0x2  }
0x46: {  	_ =	swait.ge @!p0 [sflag:s0], s1  }
0x47: {  	s1 =	ssub.s32 @!p0 $0x0, s1;
	[sflag:s0] =	ssyncset.done @!p0 $0x0  }
0x48: {  	[sflag:s0] =	ssyncadd.s32 @!p0 s1  }
0x49: {  	[bflag:$0x3] =	sbarrier.arrive $0xFFFF  }
0x4a: {  	_ =	shalt  }

// kernel: kernel.39.cloned.1.call-start
scs
__scs_entry_jumppad:
0x0: {  	(pc) =	sbr.rel $0x88, $3  }
0x1: {  	(tag) =	ssettag $0x0;
	lr =	simm.s32 $0x1  }
0x2: {  	[smem:$0x3F83] =	sst lr;
	_ =	strace $0xD0000000  }
0x3: {  	_ = 	snop  }
0x4: {  	_ = 	snop  }
0x5: {  	_ = 	snop  }
0x6: {  	_ = 	snop  }
0x7: {  	_ = 	snop  }
__scs_overlays_trampoline_lowered:
0x8: {  	[smem:$0x3F92] =	sst s0  }
0x9: {  	[smem:$0x3F93] =	sst s1  }
0xa: {  	[smem:$0x3F94] =	sst s2  }
0xb: {  	[smem:$0x3F95] =	sst s3  }
0xc: {  	[smem:$0x3F96] =	sst s4  }
0xd: {  	[smem:$0x3F97] =	sst s5  }
0xe: {  	[smem:$0x3F98] =	sst s6  }
0xf: {  	[smem:$0x3F99] =	sst s7  }
0x10: {  	[smem:$0x3F9A] =	sst s8  }
0x11: {  	[smem:$0x3F9B] =	sst s9;
	s0 =	simm.s32 @!p0 $0x0  }
0x12: {  	s1 =	sld [smem:$0x3F81];
	s0 =	simm.s32 @p0 $0x1  }
0x13: {  	[smem:$0x3F9C] =	sst s0;
	s0 =	simm.s32 @!p1 $0x0  }
0x14: {  	s2 =	sld [smem:$0x3F80];
	s0 =	simm.s32 @p1 $0x1  }
0x15: {  	[smem:$0x3F9D] =	sst s0;
	s0 =	simm.s32 @!p2 $0x0  }
0x16: {  	s3 =	sld [smem:$0x3FDB];
	s0 =	simm.s32 @p2 $0x1  }
0x17: {  	s4 =	simm.s32 $0x1BF5;
	[smem:$0x3F9F] =	sst s0  }
0x18: {  	s0 =	sld [smem:$0x3F82];
	_ =	swait.ge [sflag:s4], $0x0  }
0x19: {  	s7 =	sld [smem:$0x3F83]  }
0x1a: {  	s8 =	sadd.s32 $0xFFFFE003, lr  }
0x1b: {  	s9 =	sadd.s32 $0xFFFFFEF7, lr;
	s5 =	simm.s32 $0xFFFFFFFF;
	p2 =	slt.u32 s8, $0xFFFFF086  }
0x1c: {  	p1 =	slt.u32 s9, $0xF7A;
	s5 =	simm.s32 @!p2 $0x0  }
0x1d: {  	s5 =	simm.s32 @p1 $0x1;
	p0 =	seq.s32 s7, s2  }
0x1e: {  	s7 =	smul.u32 @!p0 $0xF7A, s2;
	p2 =	seq.s32 @!p0 s5, $0x0  }
0x1f: {  	s9 =	smul.u32 $0xF7A, s1;
	s8 =	simm.s32 @!p0 $0x1BF5;
	p2 =	por !p2, p0  }
0x20: {  	[sflag:s8] =	ssyncset.s32 @!p0 $0xFFFFF086;
	s6 =	sadd.s32 @!p0 s3, s7;
	s7 =	simm.s32 @!p0 $0x108  }
0x21: {  	s3 =	sadd.s32 s3, s9;
	s6 =	sadd.s32 @!p0 $0x88, s6;
	s7 =	simm.s32 @p2 $0x1082  }
0x22: {  	[simem:s7], [sflag:s8] =	dma.local @!p0 [hbm:s6], $0xF7A  }
0x23: {  	s9 =	sor.u32 $0xD0000000, s2;
	s6 =	simm.s32 $0x108;
	_ =	swait.ge @!p0 [sflag:s8], $0x0  }
0x24: {  	s3 =	sadd.s32 $0x88, s3;
	s6 =	simm.s32 @!p1 $0x1082;
	[sflag:s4] =	ssyncset.s32 $0xFFFFF086  }
0x25: {  	[simem:s6], [sflag:s4] =	dma.local [hbm:s3], $0xF7A  }
0x26: {  	[smem:$0x3F83] =	sst s1;
	(tag) =	ssettag s2;
	_ =	strace s9  }
0x27: {  	s1 =	sld [smem:$0x3F93]  }
0x28: {  	s2 =	sld [smem:$0x3F94]  }
0x29: {  	s4 =	sld [smem:$0x3F96]  }
0x2a: {  	p0 =	seq.s32 s5, $0x0;
	s5 =	sld [smem:$0x3F97]  }
0x2b: {  	s6 =	sld [smem:$0x3F98]  }
0x2c: {  	s7 =	sld [smem:$0x3F99]  }
0x2d: {  	s3 =	simm.s32 $0x108;
	s8 =	sld [smem:$0x3F9A]  }
0x2e: {  	s3 =	simm.s32 @!p0 $0x1082;
	s9 =	sld [smem:$0x3F9B]  }
0x2f: {  	lr =	sadd.s32 s0, s3;
	s0 =	sld [smem:$0x3F92]  }
0x30: {  	s3 =	sld [smem:$0x3F95]  }
0x31: {  	[smem:$0x3F9E] =	sst s10  }
0x32: {  	s10 =	sld [smem:$0x3F9C];
	_ =	sdelay $0x3  }
0x33: {  	p0 =	seq.s32 s10, $0x1;
	s10 =	sld [smem:$0x3F9E];
	_ =	sdelay $0x3  }
0x34: {  	[smem:$0x3F9E] =	sst s10  }
0x35: {  	s10 =	sld [smem:$0x3F9D];
	_ =	sdelay $0x3  }
0x36: {  	p1 =	seq.s32 s10, $0x1;
	s10 =	sld [smem:$0x3F9E];
	_ =	sdelay $0x3  }
0x37: {  	[smem:$0x3F9E] =	sst s10  }
0x38: {  	s10 =	sld [smem:$0x3F9F]  }
0x39: {  	_ = 	snop;
	(pc) =	sbr.ind lr, $3  }
0x3a: {  	_ = 	snop  }
0x3b: {  	_ = 	snop  }
0x3c: {  	p2 =	seq.s32 s10, $0x1;
	s10 =	sld [smem:$0x3F9E]  }
0x3d: {  	_ =	shalt  }
0x3e: {  	_ =	shalt  }
0x3f: {  	_ =	shalt  }
0x40: {  	_ =	shalt  }
0x41: {  	_ =	shalt  }
0x42: {  	_ =	shalt  }
0x43: {  	_ =	shalt  }
0x44: {  	_ =	shalt  }
0x45: {  	_ =	shalt  }
0x46: {  	_ =	shalt  }
0x47: {  	_ =	shalt  }
0x48: {  	_ =	shalt  }
0x49: {  	_ =	shalt  }
0x4a: {  	_ =	shalt  }
0x4b: {  	_ =	shalt  }
0x4c: {  	_ =	shalt  }
0x4d: {  	_ =	shalt  }
0x4e: {  	_ =	shalt  }
0x4f: {  	_ =	shalt  }
0x50: {  	_ =	shalt  }
0x51: {  	_ =	shalt  }
0x52: {  	_ =	shalt  }
0x53: {  	_ =	shalt  }
0x54: {  	_ =	shalt  }
0x55: {  	_ =	shalt  }
0x56: {  	_ =	shalt  }
0x57: {  	_ =	shalt  }
0x58: {  	_ =	shalt  }
0x59: {  	_ =	shalt  }
0x5a: {  	_ =	shalt  }
0x5b: {  	_ =	shalt  }
0x5c: {  	_ =	shalt  }
0x5d: {  	_ =	shalt  }
0x5e: {  	_ =	shalt  }
0x5f: {  	_ =	shalt  }
0x60: {  	_ =	shalt  }
0x61: {  	_ =	shalt  }
0x62: {  	_ =	shalt  }
0x63: {  	_ =	shalt  }
0x64: {  	_ =	shalt  }
0x65: {  	_ =	shalt  }
0x66: {  	_ =	shalt  }
0x67: {  	_ =	shalt  }
0x68: {  	_ =	shalt  }
0x69: {  	_ =	shalt  }
0x6a: {  	_ =	shalt  }
0x6b: {  	_ =	shalt  }
0x6c: {  	_ =	shalt  }
0x6d: {  	_ =	shalt  }
0x6e: {  	_ =	shalt  }
0x6f: {  	_ =	shalt  }
0x70: {  	_ =	shalt  }
0x71: {  	_ =	shalt  }
0x72: {  	_ =	shalt  }
0x73: {  	_ =	shalt  }
0x74: {  	_ =	shalt  }
0x75: {  	_ =	shalt  }
0x76: {  	_ =	shalt  }
0x77: {  	_ =	shalt  }
0x78: {  	_ =	shalt  }
0x79: {  	_ =	shalt  }
0x7a: {  	_ =	shalt  }
0x7b: {  	_ =	shalt  }
0x7c: {  	_ =	shalt  }
0x7d: {  	_ =	shalt  }
0x7e: {  	_ =	shalt  }
0x7f: {  	_ =	shalt  }
0x80: {  	_ =	shalt  }
0x81: {  	_ =	shalt  }
0x82: {  	_ =	shalt  }
0x83: {  	_ =	shalt  }
0x84: {  	_ =	shalt  }
0x85: {  	_ =	shalt  }
0x86: {  	_ =	shalt  }
0x87: {  	_ =	shalt  }
.Lfunc_end0:
.L_simem_size_0:
called_computation.5_lowered:
.L_overlay_start_0:
0x88: {  	s2 =	sld [smem:$0x3FD9]  }
0x89: {  	s3 =	sld [smem:$0x3FFE];
	_ =	sdelay $0x1  }
0x8a: {  	s1 =	srdreg.scid  }
0x8b: {  	s0 =	sand.u32 $0x1, s1  }
0x8c: {  	s16 =	sshll.u32 s0, $0xA;
	s2 =	sadd.s32 s3, s2  }
0x8d: {  	s2 =	sadd.s32 s2, s16  }
0x8e: {  	[smem:$0x3FAA] =	sst s2  }
0x8f: {  	_ = 	snop  }
0x90: {  	(tm) =	ssettm $0x1  }
0x91: {  	s17 =	sld [smem:$0x3FFB];
	_ =	sdelay $0x3  }
0x92: {  	_ =	strace s17  }
0x93: {  	s2 =	sld [smem:$0x3FFC];
	_ =	sdelay $0x3  }
0x94: {  	_ =	strace s2  }
0x95: {  	s2 =	sld [smem:$0x3FFD];
	_ =	sdelay $0x3  }
0x96: {  	_ =	strace s2  }
0x97: {  	_ =	strace $0x8FFFFFFF  }
0x98: {  	s18 =	sld [smem:$0x3FDB];
	_ =	sdelay $0x1  }
0x99: {  	s19 =	simm.s32 $_scs_section_size  }
0x9a: {  	s4 =	simm.s32 $_size__tile_overlayer_lowered;
	s5 =	simm.s32 $_tile_overlayer_lowered  }
0x9b: {  	s22 =	simm.s32 $0x1BFF;
	s21 =	sshll.u32 s5, $0x1;
	s2 =	sadd.s32 s19, s18  }
0x9c: {  	s6 =	simm.s32 $0x0;
	s20 =	sshll.u32 s4, $0x1;
	s4 =	sadd.s32 s21, s2  }
0x9d: {  	[timem:s6], [sflag:s22] =	dma.local [hbm:s4], s20  }
0x9e: {  	_ =	swait.ge [sflag:s22], s20  }
0x9f: {  	s3 =	ssub.s32 $0x0, s20;
	[sflag:s22] =	ssyncset.done $0x0  }
0xa0: {  	[sflag:s22] =	ssyncadd.s32 s3;
	_ =	sdelay $0x1  }
0xa1: {  	s23 =	simm.s32 $0x1B8B  }
0xa2: {  	_ =	swait.ge [sflag:s23], $0x1  }
0xa3: {  	[sflag:s23] =	ssyncset.done $0x0  }
0xa4: {  	s25 =	simm.s32 $0x1B8E;
	s24 =	sld [smem:$0x3FFE];
	[sflag:s23] =	ssyncadd.s32 $0xFFFFFFFF  }
0xa5: {  	s26 =	simm.s32 $execute0_lowered;
	[smem:$0x3FD2] =	sst s25  }
0xa6: {  	s4 =	sshll.u32 s26, $0x1;
	_ =	strace $0x80000055;
	[dreg:$0x1] =	wrdreg $0xFFFFFFFF  }
0xa7: {  	s28 =	simm.s32 $_size_execute0_lowered;
	s2 =	sadd.s32 s2, s4;
	[dreg:$0x0] =	wrdreg $0x0  }
0xa8: {  	s4 =	sshll.u32 s28, $0x1;
	[dreg:$0x2] =	wrdreg s2  }
0xa9: {  	[dreg:$0x3] =	wrdreg s4  }
0xaa: {  	[dreg:$0x4] =	wrdreg $0xC0  }
0xab: {  	_ =	task [dreg:s6], $0x5FFFF  }
0xac: {  	[dreg:$0x1] =	wrdreg $0xFFFFFFFF  }
0xad: {  	[dreg:$0x0] =	wrdreg $0x60  }
0xae: {  	[dreg:$0x2] =	wrdreg s24  }
0xaf: {  	[dreg:$0x3] =	wrdreg $0x60000  }
0xb0: {  	[dreg:$0x4] =	wrdreg $0x9  }
0xb1: {  	_ =	task.clear_ibuf [dreg:s6], $0x5FFFF;
	_ =	strace $0x90000055  }
0xb2: {  	s29 =	simm.s32 $0x9;
	_ =	strace $0x80000057  }
0xb3: {  	_ =	swait.ge [sflag:s29], $0x1  }
0xb4: {  	[sflag:s29] =	ssyncadd.s32 $0xFFFFFFFF  }
0xb5: {  	_ =	strace $0x90000057  }
0xb6: {  	_ =	sfence  }
0xb7: {  	s30 =	sld [smem:$0x0];
	_ =	sdelay $0x2  }
0xb8: {  	s31 =	sshll.u32 s1, $0xD;
	s1 =	sshrl.u32 s1, $0x2  }
0xb9: {  	s3 =	sand.u32 $0x4000, s31;
	s1 =	sadd.s32 s1, s30  }
0xba: {  	s0 =	sor.u32 s3, s0;
	s1 =	sshll.u32 s1, $0x11  }
0xbb: {  	s0 =	sor.u32 s1, s0  }
0xbc: {  	s0 =	sadd.s32 $0x8F2B, s0  }
0xbd: {  	[sflag:s0] =	ssyncadd.remote.s32 $0x1  }
0xbe: {  	_ =	sfence.sel $0xFFFF  }
0xbf: {  	[dreg:$0x0] =	wrdreg $0xFFFFFFFF;
	(pc) =	sbr.abs _section_cstart, $3  }
0xc0: {  	[dreg:$0x1] =	wrdreg $0xFFFFFFFF  }
0xc1: {  	_ =	task.clear_ibuf [dreg:s6], $0x2FFFF;
	_ =	strace $0x9FFFFFFF  }
0xc2: {  	(tm) =	ssettm $0x7FFFFFFF  }
0xc3: {  	_ =	shalt  }
tec
execute0_lowered:
.L_overlay_start_1:
0x0: {  	(tag) =	ssettag $0x1  }
0x1: {  	s1 =	srdreg.scid  }
0x2: {  	s0 =	stileid.u32;
	s5 =	rddreg [dreg:$0x0]  }
0x3: {  	s2 =	rddreg [dreg:$0x1];
	s3 =	simm.s32 $0x0;
	s14 =	simm.s32 $0x80  }
0x4: {  	s15 =	simm.s32 $0x5000;
	s16 =	simm.s32 $0x1;
	s4 =	smul.u32 $0x2800, s0  }
0x5: {  	s6 =	sand.u32 $0x1, s1;
	s1 =	rddreg [dreg:$0x2];
	s8 =	smul.u32 $0x5000, s0  }
0x6: {  	s17 =	simm.s32 $0x0;
	[smem:$0x7FF] =	sst s3;
	s9 =	smul.u32 $0xA00, s0  }
0x7: {  	s31 =	sshll.u32 s0, $0x6;
	s7 =	smul.u32 $0x28000, s6;
	_ =	strace $0x80000056  }
0x8: {  	s10 =	smul.u32 $0xA000, s6;
	s6 =	ssub.s32 $0x2, s6;
	s12 =	sshrl.u32 s8, $0x3  }
0x9: {  	s30 =	sshrl.u32 s6, $0x1;
	s13 =	sadd.s32 s8, s2;
	s7 =	sadd.s32 s4, s7  }
0xa: {  	s4 =	sshrl.u32 s4, $0x3;
	s9 =	sadd.s32 s9, s10;
	s12 =	sadd.s32 s12, s5  }
0xb: {  	s10 =	ssub.s32 s6, s30;
	s13 =	sshrl.u32 s13, $0x3;
	s7 =	sshrl.u32 s7, $0x3  }
0xc: {  	s11 =	sadd.s32 s4, s5;
	s4 =	sadd.s32 $0x69200, s5;
	s9 =	sadd.s32 s9, s5  }
0xd: {  	s7 =	sadd.s32 s7, s5;
	s6 =	sadd.s32 $0x14200, s11;
	s8 =	sadd.s32 $0x87200, s9  }
0xe: {  	s9 =	smax.u32 s10, $0x1;
	s10 =	simm.s32 $0x2;
	s11 =	simm.s32 $0x2800  }
0xf: {  	s5 =	sadd.s32 $0xA200, s7;
	s7 =	sadd.s32 $0x7D200, s12;
	s12 =	sor.u32 $0x1C02, s31  }
.LBB2_1:
0x10: {  	[tilespmem:s3], [sflag:$0x2] =	stream.linear.gather [hbm4b:s5+s3], $0x2800, $0x38;
	[tilespmem:$0xB000] =	vst v63  }
0x11: {  	_ =	swait.ge [sflag:s10], $0x2800  }
0x12: {  	[sflag:s10] =	ssyncset.done $0x0  }
0x13: {  	[sflag:s10] =	ssyncadd.s32 $0xFFFFD800  }
0x14: {  	[tilespmem:s11], [sflag:$0x2] =	stream.linear.gather [hbm4b:s6+s3], $0x2800, $0x38;
	[tilespmem:$0xB000] =	vst v63  }
0x15: {  	_ =	swait.ge [sflag:s10], $0x2800  }
0x16: {  	[sflag:s10] =	ssyncset.done $0x0  }
0x17: {  	[sflag:s10] =	ssyncadd.s32 $0xFFFFD800  }
0x18: {  	[spmem:s13], [sflag:s12] =	dma.local [hbm:s7], $0xA00  }
0x19: {  	_ =	swait.ge [sflag:s10], $0xA00  }
0x1a: {  	[sflag:s10] =	ssyncset.done $0x0  }
0x1b: {  	[sflag:s10] =	ssyncadd.s32 $0xFFFFF600  }
0x1c: {  	s18 =	simm.s32 $0x0;
	[bflag:$0x0] =	sbarrier.arrive $0xFFFF  }
0x1d: {  	[tilespmem:s15], [sflag:$0x1] =	stream.indirect.gather [hbm4b:s4+s14], $0x20, s18, s14, $0xb8;
	[tilespmem:$0xB000] =	vst v63  }
0x1e: {  	_ =	swait.ge [sflag:s16], $0x1000  }
0x1f: {  	[sflag:s16] =	ssyncset.done $0x0  }
0x20: {  	s31 =	simm.s32 $0x2800;
	[sflag:s16] =	ssyncadd.s32 $0xFFFFF000  }
0x21: {  	[spmem:s2] =	stream.indirect.scatter.add.f32 [tilespmem:s15], [sflag:$0x2], $0x20, s31, s14, $0xb8;
	[tilespmem:$0xB000] =	vst v63  }
0x22: {  	_ =	swait.ge [sflag:s10], $0x1000  }
0x23: {  	s19 =	simm.s32 $0x400;
	s18 =	simm.s32 $0x200;
	[sflag:s10] =	ssyncset.done $0x0  }
.LBB2_2:
0x24: {  	s20 =	sshra.s32 s18, $0x2  }
0x25: {  	[sflag:s10] =	ssyncadd.s32 $0xFFFFF000;
	s18 =	smov.u32 s19;
	s21 =	sadd.s32 $0x200, s19  }
0x26: {  	[tilespmem:s15], [sflag:$0x1] =	stream.indirect.gather [hbm4b:s4+s14], $0x20, s20, s14, $0xb8;
	[tilespmem:$0xB000] =	vst v63  }
0x27: {  	p0 =	sne.s32 s19, $0x9E00;
	_ =	swait.ge [sflag:s16], $0x1000  }
.Ltmp0:
0x28: {  	[sflag:s16] =	ssyncset.done $0x0;
	(pc) =	sbr.rel @p0 .LBB2_2-.Ltmp0, $4  }
0x29: {  	s19 =	sadd.s32 $0x2800, s20;
	[sflag:s16] =	ssyncadd.s32 $0xFFFFF000  }
0x2a: {  	[spmem:s2] =	stream.indirect.scatter.add.f32 [tilespmem:s15], [sflag:$0x2], $0x20, s19, s14, $0xb8;
	[tilespmem:$0xB000] =	vst v63  }
0x2b: {  	_ =	swait.ge [sflag:s10], $0x1000  }
0x2c: {  	s19 =	smov.u32 s21;
	[sflag:s10] =	ssyncset.done $0x0  }
0x2d: {  	s18 =	sshra.s32 s18, $0x2;
	[sflag:s10] =	ssyncadd.s32 $0xFFFFF000  }
0x2e: {  	[tilespmem:s15], [sflag:$0x1] =	stream.indirect.gather [hbm4b:s4+s14], $0x20, s18, s14, $0xb8;
	[tilespmem:$0xB000] =	vst v63  }
0x2f: {  	_ =	swait.ge [sflag:s16], $0x1000  }
0x30: {  	[sflag:s16] =	ssyncset.done $0x0  }
0x31: {  	s18 =	sadd.s32 $0x2800, s18;
	[sflag:s16] =	ssyncadd.s32 $0xFFFFF000  }
0x32: {  	[spmem:s2] =	stream.indirect.scatter.add.f32 [tilespmem:s15], [sflag:$0x2], $0x20, s18, s14, $0xb8;
	[tilespmem:$0xB000] =	vst v63  }
0x33: {  	_ =	swait.ge [sflag:s10], $0x1000  }
0x34: {  	s17 =	sadd.s32 $0x1, s17;
	[sflag:s10] =	ssyncset.done $0x0  }
0x35: {  	p0 =	sne.s32 s17, s9;
	[sflag:s10] =	ssyncadd.s32 $0xFFFFF000  }
.Ltmp1:
0x36: {  	[bflag:$0x0] =	sbarrier.arrive $0xFFFF;
	(pc) =	sbr.rel @p0 .LBB2_1-.Ltmp1, $4  }
0x37: {  	[hbm:s8], [sflag:s12] =	dma.local [spmem:s13], $0xA00  }
0x38: {  	_ =	swait.ge [sflag:s10], $0xA00  }
0x39: {  	[sflag:s10] =	ssyncset.done $0x0  }
0x3a: {  	[sflag:s10] =	ssyncadd.s32 $0xFFFFF600  }
0x3b: {  	_ =	sfence.sel $0x180000  }
0x3c: {  	[bflag:$0x0] =	sbarrier.arrive $0xFFFF  }
0x3d: {  	p0 =	sne.s32 s0, $0x0;
	_ =	strace $0x90000056  }
0x3e: {  	s0 =	sadd.s32 @!p0 $0x100000, s1;
	[bflag:$0x2] =	sbarrier.arrive $0xFFFF  }
0x3f: {  	[sflag:s0] =	ssyncadd.tile.s32 @!p0 $0x1;
	_ =	shalt  }
.Lfunc_end2:
_tile_overlayer_lowered:
.L_overlay_start_2:
0x40: {  	(tag) =	ssettag $0x2  }
0x41: {  	s0 =	rddreg [dreg:$0x0];
	s2 =	stileid.u32  }
0x42: {  	s1 =	rddreg [dreg:$0x1];
	p0 =	sne.s32 s2, $0x0  }
0x43: {  	s3 =	rddreg [dreg:$0x2];
	[bflag:$0x3] =	sbarrier.arrive $0xFFFF;
	s2 =	simm.s32 @!p0 $0x1C02  }
0x44: {  	[timem:s3], [sflag:s2] =	dma.local @!p0 [hbm:s0], s1  }
0x45: {  	s0 =	simm.s32 @!p0 $0x2  }
0x46: {  	_ =	swait.ge @!p0 [sflag:s0], s1  }
0x47: {  	s1 =	ssub.s32 @!p0 $0x0, s1;
	[sflag:s0] =	ssyncset.done @!p0 $0x0  }
0x48: {  	[sflag:s0] =	ssyncadd.s32 @!p0 s1  }
0x49: {  	[bflag:$0x3] =	sbarrier.arrive $0xFFFF  }
0x4a: {  	_ =	shalt  }

</sc_bundles>
